<compile_context>
chip_gen: v7x
topology: tpu7x:2x2x1
jax: 0.10.2.dev20260603
libtpu: 0.0.44.dev20260713+nightly
codegen_flags: <defaults>
</compile_context>

<pallas_src>
import functools

import jax
import jax.numpy as jnp
from jax import lax
from jax.experimental import pallas as pl
from jax.experimental.pallas import tpu as pltpu
from jax.experimental.pallas import tpu_sc as plsc

_NC = 2
_NS = 16
_NW = _NC * _NS
_L = 16
_NBUF = 4


def _extract(vec, lane, k):
  return jnp.sum(jnp.where(lane == k, vec, 0))


def _score_body(bpw, dims, ne, edge,
                h_hbm, r_hbm, t_hbm, entT_hbm, tail_hbm, rel_hbm, bh_hbm,
                bt_hbm, out_hbm,
                ih_v, ir_v, it_v, rel_v, hb0, hb1, hb2, hb3, tb0, tb1, tb2,
                tb3, bh_v, bt_v, out_v,
                s0, s1, s2, s3, sem_bh, sem_bt):
  hbufs = (hb0, hb1, hb2, hb3)
  tbufs = (tb0, tb1, tb2, tb3)
  sems = (s0, s1, s2, s3)
  ngrp = bpw // _NBUF

  wid = lax.axis_index("s") * _NC + lax.axis_index("c")
  base = wid * bpw
  sl_all = pl.ds(base, bpw)
  lane = lax.iota(jnp.int32, _L)

  pltpu.sync_copy(h_hbm.at[sl_all], ih_v)
  pltpu.sync_copy(t_hbm.at[sl_all], it_v)
  pltpu.sync_copy(r_hbm.at[sl_all], ir_v)
  cp_bh = pltpu.async_copy(bh_hbm.at[ih_v], bh_v, sem_bh)
  cp_bt = pltpu.async_copy(bt_hbm.at[it_v], bt_v, sem_bt)
  pltpu.sync_copy(rel_hbm, rel_v)

  def fire(k, b):
    blk = (k // _L) * _L
    lk = k - blk
    ids_h = ih_v[pl.ds(blk, _L)]
    ids_t = it_v[pl.ds(blk, _L)]
    idh = _extract(ids_h, lane, lk)
    idt = _extract(ids_t, lane, lk)

    @pl.when(idh < edge)
    def _():
      st = pl.multiple_of((idh // 128) * 128, 128)
      pltpu.async_copy(entT_hbm.at[:, pl.ds(st, 128)], hbufs[b], sems[b])

    @pl.when(idh >= edge)
    def _():
      pltpu.async_copy(tail_hbm, hbufs[b], sems[b])

    @pl.when(idt < edge)
    def _():
      st = pl.multiple_of((idt // 128) * 128, 128)
      pltpu.async_copy(entT_hbm.at[:, pl.ds(st, 128)], tbufs[b], sems[b])

    @pl.when(idt >= edge)
    def _():
      pltpu.async_copy(tail_hbm, tbufs[b], sems[b])

  for b in range(_NBUF):
    fire(b, b)

  def group(g, carry):
    for b in range(_NBUF):
      k = g * _NBUF + b
      pltpu.make_async_copy(entT_hbm.at[:, pl.ds(0, 128)], hbufs[b],
                            sems[b]).wait()
      pltpu.make_async_copy(entT_hbm.at[:, pl.ds(0, 128)], tbufs[b],
                            sems[b]).wait()

      blk = (k // _L) * _L
      lk = k - blk
      sl = pl.ds(blk, _L)
      idh = _extract(ih_v[sl], lane, lk)
      idt = _extract(it_v[sl], lane, lk)
      rk = _extract(ir_v[sl], lane, lk)
      ich = jnp.where(idh >= edge, idh - edge, idh - (idh // 128) * 128)
      ict = jnp.where(idt >= edge, idt - edge, idt - (idt // 128) * 128)
      ichv = jnp.full((_L,), ich, jnp.int32)
      ictv = jnp.full((_L,), ict, jnp.int32)
      rkv = jnp.full((_L,), rk, jnp.int32)

      acc = jnp.zeros((_L,), jnp.float32)
      for c in range(dims // _L):
        cd = lane + (_L * c)
        hv = plsc.load_gather(hbufs[b], [cd, ichv])
        tv = plsc.load_gather(tbufs[b], [cd, ictv])
        rv = plsc.load_gather(rel_v, [rkv, cd])
        acc = acc + hv * rv * tv
      s = jnp.sum(acc)
      out_v[sl] = jnp.where(lane == lk, s, out_v[sl])

      @pl.when(g + 1 < ngrp)
      def _():
        fire(k + _NBUF, b)
    return carry

  lax.fori_loop(0, ngrp, group, 0)

  cp_bh.wait()
  cp_bt.wait()
  for j in range(bpw // _L):
    sl = pl.ds(_L * j, _L)
    out_v[sl] = out_v[sl] + bh_v[sl] + bt_v[sl]

  pltpu.sync_copy(out_v, out_hbm.at[sl_all])


def kernel(input_tensor, entities, relations, bias_head, bias_tail):
  batch = input_tensor.shape[0]
  ne, dims = entities.shape
  bpw = batch // _NW
  edge = (ne // 128) * 128

  h_idx = input_tensor[:, 0]
  r_idx = input_tensor[:, 1]
  t_idx = input_tensor[:, 2]
  bh_flat = bias_head.reshape(-1)
  bt_flat = bias_tail.reshape(-1)
  ent_t = entities.T
  tail = jnp.pad(entities[edge:].T, ((0, 0), (0, 128 - (ne - edge))))

  mesh = plsc.VectorSubcoreMesh(
      core_axis_name="c", subcore_axis_name="s",
      num_cores=_NC, num_subcores=_NS)

  fn = pl.kernel(
      functools.partial(_score_body, bpw, dims, ne, edge),
      out_type=jax.ShapeDtypeStruct((batch,), jnp.float32),
      mesh=mesh,
      compiler_params=pltpu.CompilerParams(
          needs_layout_passes=False, use_tc_tiling_on_sc=True),
      scratch_types=[
          pltpu.VMEM((bpw,), jnp.int32),
          pltpu.VMEM((bpw,), jnp.int32),
          pltpu.VMEM((bpw,), jnp.int32),
          pltpu.VMEM(relations.shape, jnp.float32),
          pltpu.VMEM((dims, 128), jnp.float32),
          pltpu.VMEM((dims, 128), jnp.float32),
          pltpu.VMEM((dims, 128), jnp.float32),
          pltpu.VMEM((dims, 128), jnp.float32),
          pltpu.VMEM((dims, 128), jnp.float32),
          pltpu.VMEM((dims, 128), jnp.float32),
          pltpu.VMEM((dims, 128), jnp.float32),
          pltpu.VMEM((dims, 128), jnp.float32),
          pltpu.VMEM((bpw,), jnp.float32),
          pltpu.VMEM((bpw,), jnp.float32),
          pltpu.VMEM((bpw,), jnp.float32),
          pltpu.SemaphoreType.DMA,
          pltpu.SemaphoreType.DMA,
          pltpu.SemaphoreType.DMA,
          pltpu.SemaphoreType.DMA,
          pltpu.SemaphoreType.DMA,
          pltpu.SemaphoreType.DMA,
      ],
  )
  score = fn(h_idx, r_idx, t_idx, ent_t, tail, relations, bh_flat, bt_flat)
  return score.reshape(batch, 1)

# --- scband reference (transcript-rebuilt; emitter-appended) ---
"""Pipeline reference for scband-cfmodel-50972671869100 (READ-ONLY COPY).

The authoritative reference and input builder live on the scoring server;
editing this copy changes nothing except your own understanding.
"""

import jax, jax.numpy as jnp
import numpy as np

N_ENTITIES = 1000000
N_RELATIONS = 64
DIMS = 64
BATCH = 4096


def setup_inputs(seed: int = 0) -> dict:
    key = jax.random.key(seed)
    k1, k2, k3, k4, k5 = jax.random.split(key, 5)
    heads = jax.random.randint(k1, (BATCH,), 0, N_ENTITIES, dtype=jnp.int32)
    rels = jax.random.randint(k2, (BATCH,), 0, N_RELATIONS, dtype=jnp.int32)
    tails = jax.random.randint(k3, (BATCH,), 0, N_ENTITIES, dtype=jnp.int32)
    input_tensor = jnp.stack([heads, rels, tails], axis=1)
    # learned parameters (per init_kwargs): entity/relation embedding tables + biases
    entities = jax.random.normal(k4, (N_ENTITIES, DIMS), dtype=jnp.float32) * 0.05
    relations = jax.random.normal(k5, (N_RELATIONS, DIMS), dtype=jnp.float32) * 0.05
    bias_head = jnp.zeros((N_ENTITIES, 1), dtype=jnp.float32)
    bias_tail = jnp.zeros((N_ENTITIES, 1), dtype=jnp.float32)
    return {
        "input_tensor": input_tensor,
        "entities": entities,
        "relations": relations,
        "bias_head": bias_head,
        "bias_tail": bias_tail,
    }


def reference(input_tensor, entities, relations, bias_head, bias_tail):
    # Concrete CFModel.call with all_items=False, DistMult-style instantiation of
    # the abstract get_lhs / get_rhs / similarity_score:
    #   get_lhs(x)  = entities[h] * relations[r]
    #   get_rhs(x)  = entities[t]
    #   similarity  = sum(lhs * rhs, -1, keepdims=True)
    h = input_tensor[:, 0]
    r = input_tensor[:, 1]
    t = input_tensor[:, 2]
    lhs = jnp.take(entities, h, axis=0) * jnp.take(relations, r, axis=0)
    rhs = jnp.take(entities, t, axis=0)
    lhs_biases = jnp.take(bias_head, h, axis=0)  # [B, 1]
    rhs_biases = jnp.take(bias_tail, t, axis=0)  # [B, 1]
    score = jnp.sum(lhs * rhs, axis=-1, keepdims=True)  # [B, 1]
    return score + lhs_biases + rhs_biases

if __name__ == "__main__":
    import jax
    _d = setup_inputs()
    print(jax.jit(kernel)(*tuple(_d.values())))

</pallas_src>

<mosaic_0001>
#map = affine_map<(d0, d1) -> (0)>
#map1 = affine_map<(d0, d1) -> (0, 0)>
module attributes {stable_mosaic.version = 14 : i64} {
  func.func @_score_body(%arg0: i32, %arg1: i32, %arg2: memref<4096xi32, #tpu.memory_space<hbm>>, %arg3: memref<4096xi32, #tpu.memory_space<hbm>>, %arg4: memref<4096xi32, #tpu.memory_space<hbm>>, %arg5: memref<64x1000000xf32, #tpu.memory_space<hbm>>, %arg6: memref<64x128xf32, #tpu.memory_space<hbm>>, %arg7: memref<64x64xf32, #tpu.memory_space<hbm>>, %arg8: memref<1000000xf32, #tpu.memory_space<hbm>>, %arg9: memref<1000000xf32, #tpu.memory_space<hbm>>, %arg10: memref<4096xf32, #tpu.memory_space<hbm>>, %arg11: memref<128xi32, #tpu.memory_space<vmem>>, %arg12: memref<128xi32, #tpu.memory_space<vmem>>, %arg13: memref<128xi32, #tpu.memory_space<vmem>>, %arg14: memref<64x64xf32, #tpu.memory_space<vmem>>, %arg15: memref<64x128xf32, #tpu.memory_space<vmem>>, %arg16: memref<64x128xf32, #tpu.memory_space<vmem>>, %arg17: memref<64x128xf32, #tpu.memory_space<vmem>>, %arg18: memref<64x128xf32, #tpu.memory_space<vmem>>, %arg19: memref<64x128xf32, #tpu.memory_space<vmem>>, %arg20: memref<64x128xf32, #tpu.memory_space<vmem>>, %arg21: memref<64x128xf32, #tpu.memory_space<vmem>>, %arg22: memref<64x128xf32, #tpu.memory_space<vmem>>, %arg23: memref<128xf32, #tpu.memory_space<vmem>>, %arg24: memref<128xf32, #tpu.memory_space<vmem>>, %arg25: memref<128xf32, #tpu.memory_space<vmem>>, %arg26: memref<!tpu.dma_semaphore, #tpu.memory_space<semaphore_mem>>, %arg27: memref<!tpu.dma_semaphore, #tpu.memory_space<semaphore_mem>>, %arg28: memref<!tpu.dma_semaphore, #tpu.memory_space<semaphore_mem>>, %arg29: memref<!tpu.dma_semaphore, #tpu.memory_space<semaphore_mem>>, %arg30: memref<!tpu.dma_semaphore, #tpu.memory_space<semaphore_mem>>, %arg31: memref<!tpu.dma_semaphore, #tpu.memory_space<semaphore_mem>>) attributes {dimension_semantics = [#tpu.dimension_semantics<core_parallel>, #tpu.dimension_semantics<subcore_parallel>], iteration_bounds = array<i64: 2, 16>, scalar_prefetch = 0 : i64, scratch_operands = 21 : i64, tpu.core_type = #tpu.core_type<sc_vector_subcore>, window_params = [{transform_indices = #map}, {transform_indices = #map}, {transform_indices = #map}, {transform_indices = #map1}, {transform_indices = #map1}, {transform_indices = #map1}, {transform_indices = #map}, {transform_indices = #map}, {transform_indices = #map}]} {
    %mul3A = arith.constant 2 : i32
    %mul3A_0 = arith.muli %arg1, %mul3A : i32
    %add3A = arith.addi %mul3A_0, %arg0 : i32
    %mul3A_1 = arith.constant 128 : i32
    %mul3A_2 = arith.muli %add3A, %mul3A_1 : i32
    %iota3A = tpu.iota {dimensions = array<i32: 0>} : vector<16xi32>
    "tpu.region"() ({
      %run_scoped3A = tpu.sem_alloc : memref<!tpu.dma_semaphore, #tpu.memory_space<semaphore_mem>>
      %dma_start3A_259 = tpu.memref_slice %arg2[%mul3A_2] : memref<4096xi32, #tpu.memory_space<hbm>> -> memref<128xi32, #tpu.memory_space<hbm>>
      %dma_start3A_260 = tpu.memref_slice %arg2[%mul3A_2] : memref<4096xi32, #tpu.memory_space<hbm>> -> memref<128xi32, #tpu.memory_space<hbm>>
      tpu.enqueue_dma source(%dma_start3A_260 : memref<128xi32, #tpu.memory_space<hbm>>) target(%arg11 : memref<128xi32, #tpu.memory_space<vmem>>) target_semaphore(%run_scoped3A : memref<!tpu.dma_semaphore, #tpu.memory_space<semaphore_mem>>)
      %dma_wait3A_261 = tpu.memref_slice %arg2[%mul3A_2] : memref<4096xi32, #tpu.memory_space<hbm>> -> memref<128xi32, #tpu.memory_space<hbm>>
      %dma_wait3A_262 = tpu.memref_slice %arg2[%mul3A_2] : memref<4096xi32, #tpu.memory_space<hbm>> -> memref<128xi32, #tpu.memory_space<hbm>>
      tpu.wait_dma2 semaphore(%run_scoped3A : memref<!tpu.dma_semaphore, #tpu.memory_space<semaphore_mem>>) src(%dma_wait3A_262 : memref<128xi32, #tpu.memory_space<hbm>>) dst(%arg11 : memref<128xi32, #tpu.memory_space<vmem>>)
      tpu.yield
    }) : () -> ()
    "tpu.region"() ({
      %run_scoped3A = tpu.sem_alloc : memref<!tpu.dma_semaphore, #tpu.memory_space<semaphore_mem>>
      %dma_start3A_259 = tpu.memref_slice %arg4[%mul3A_2] : memref<4096xi32, #tpu.memory_space<hbm>> -> memref<128xi32, #tpu.memory_space<hbm>>
      %dma_start3A_260 = tpu.memref_slice %arg4[%mul3A_2] : memref<4096xi32, #tpu.memory_space<hbm>> -> memref<128xi32, #tpu.memory_space<hbm>>
      tpu.enqueue_dma source(%dma_start3A_260 : memref<128xi32, #tpu.memory_space<hbm>>) target(%arg13 : memref<128xi32, #tpu.memory_space<vmem>>) target_semaphore(%run_scoped3A : memref<!tpu.dma_semaphore, #tpu.memory_space<semaphore_mem>>)
      %dma_wait3A_261 = tpu.memref_slice %arg4[%mul3A_2] : memref<4096xi32, #tpu.memory_space<hbm>> -> memref<128xi32, #tpu.memory_space<hbm>>
      %dma_wait3A_262 = tpu.memref_slice %arg4[%mul3A_2] : memref<4096xi32, #tpu.memory_space<hbm>> -> memref<128xi32, #tpu.memory_space<hbm>>
      tpu.wait_dma2 semaphore(%run_scoped3A : memref<!tpu.dma_semaphore, #tpu.memory_space<semaphore_mem>>) src(%dma_wait3A_262 : memref<128xi32, #tpu.memory_space<hbm>>) dst(%arg13 : memref<128xi32, #tpu.memory_space<vmem>>)
      tpu.yield
    }) : () -> ()
    "tpu.region"() ({
      %run_scoped3A = tpu.sem_alloc : memref<!tpu.dma_semaphore, #tpu.memory_space<semaphore_mem>>
      %dma_start3A_259 = tpu.memref_slice %arg3[%mul3A_2] : memref<4096xi32, #tpu.memory_space<hbm>> -> memref<128xi32, #tpu.memory_space<hbm>>
      %dma_start3A_260 = tpu.memref_slice %arg3[%mul3A_2] : memref<4096xi32, #tpu.memory_space<hbm>> -> memref<128xi32, #tpu.memory_space<hbm>>
      tpu.enqueue_dma source(%dma_start3A_260 : memref<128xi32, #tpu.memory_space<hbm>>) target(%arg12 : memref<128xi32, #tpu.memory_space<vmem>>) target_semaphore(%run_scoped3A : memref<!tpu.dma_semaphore, #tpu.memory_space<semaphore_mem>>)
      %dma_wait3A_261 = tpu.memref_slice %arg3[%mul3A_2] : memref<4096xi32, #tpu.memory_space<hbm>> -> memref<128xi32, #tpu.memory_space<hbm>>
      %dma_wait3A_262 = tpu.memref_slice %arg3[%mul3A_2] : memref<4096xi32, #tpu.memory_space<hbm>> -> memref<128xi32, #tpu.memory_space<hbm>>
      tpu.wait_dma2 semaphore(%run_scoped3A : memref<!tpu.dma_semaphore, #tpu.memory_space<semaphore_mem>>) src(%dma_wait3A_262 : memref<128xi32, #tpu.memory_space<hbm>>) dst(%arg12 : memref<128xi32, #tpu.memory_space<vmem>>)
      tpu.yield
    }) : () -> ()
    %dma_start3A = arith.constant 0 : i32
    %dma_start3A_3 = tpu.memref_slice %arg8[%dma_start3A] : memref<1000000xf32, #tpu.memory_space<hbm>> -> memref<1000000xf32, #tpu.memory_space<hbm>>
    tpu.enqueue_indirect_dma source(%dma_start3A_3 : memref<1000000xf32, #tpu.memory_space<hbm>>) target(%arg23 : memref<128xf32, #tpu.memory_space<vmem>>) offsets(%arg11 : memref<128xi32, #tpu.memory_space<vmem>>) semaphore(%arg30 : memref<!tpu.dma_semaphore, #tpu.memory_space<semaphore_mem>>)
    %dma_start3A_4 = arith.constant 0 : i32
    %dma_start3A_5 = tpu.memref_slice %arg9[%dma_start3A_4] : memref<1000000xf32, #tpu.memory_space<hbm>> -> memref<1000000xf32, #tpu.memory_space<hbm>>
    tpu.enqueue_indirect_dma source(%dma_start3A_5 : memref<1000000xf32, #tpu.memory_space<hbm>>) target(%arg24 : memref<128xf32, #tpu.memory_space<vmem>>) offsets(%arg13 : memref<128xi32, #tpu.memory_space<vmem>>) semaphore(%arg31 : memref<!tpu.dma_semaphore, #tpu.memory_space<semaphore_mem>>)
    "tpu.region"() ({
      %run_scoped3A = tpu.sem_alloc : memref<!tpu.dma_semaphore, #tpu.memory_space<semaphore_mem>>
      tpu.enqueue_dma source(%arg7 : memref<64x64xf32, #tpu.memory_space<hbm>>) target(%arg14 : memref<64x64xf32, #tpu.memory_space<vmem>>) target_semaphore(%run_scoped3A : memref<!tpu.dma_semaphore, #tpu.memory_space<semaphore_mem>>)
      tpu.wait_dma2 semaphore(%run_scoped3A : memref<!tpu.dma_semaphore, #tpu.memory_space<semaphore_mem>>) src(%arg7 : memref<64x64xf32, #tpu.memory_space<hbm>>) dst(%arg14 : memref<64x64xf32, #tpu.memory_space<vmem>>)
      tpu.yield
    }) : () -> ()
    %get3A = arith.constant 0 : index
    %get3A_6 = tpu.vector_load %arg11[%get3A] {strides = array<i32>} : memref<128xi32, #tpu.memory_space<vmem>>, vector<16xi32>,
    %get3A_7 = arith.constant 0 : index
    %get3A_8 = tpu.vector_load %arg13[%get3A_7] {strides = array<i32>} : memref<128xi32, #tpu.memory_space<vmem>>, vector<16xi32>,
    %eq3A = arith.constant 0 : i32
    %eq3A_9 = vector.broadcast %eq3A : i32 to vector<16xi32>
    %eq3A_10 = arith.cmpi eq, %iota3A, %eq3A_9 : vector<16xi32>
    %jit3A = arith.constant 0 : i32
    %broadcast_in_dim3A = vector.broadcast %jit3A : i32 to vector<16xi32>
    %select_n3A = arith.select %eq3A_10, %get3A_6, %broadcast_in_dim3A : vector<16xi1>, vector<16xi32>
    %reduce_sum3A = arith.constant true
    %reduce_sum3A_11 = vector.broadcast %reduce_sum3A : i1 to vector<16xi1>
    %reduce_sum3A_12 = tpu.scan <sum>, %select_n3A masked %reduce_sum3A_11 : vector<16xi32>, vector<16xi1> -> vector<16xi32>
    %reduce_sum3A_13 = vector.extract %reduce_sum3A_12[15] : i32 from vector<16xi32>
    %eq3A_14 = arith.constant 0 : i32
    %eq3A_15 = vector.broadcast %eq3A_14 : i32 to vector<16xi32>
    %eq3A_16 = arith.cmpi eq, %iota3A, %eq3A_15 : vector<16xi32>
    %jit3A_17 = arith.constant 0 : i32
    %broadcast_in_dim3A_18 = vector.broadcast %jit3A_17 : i32 to vector<16xi32>
    %select_n3A_19 = arith.select %eq3A_16, %get3A_8, %broadcast_in_dim3A_18 : vector<16xi1>, vector<16xi32>
    %reduce_sum3A_20 = arith.constant true
    %reduce_sum3A_21 = vector.broadcast %reduce_sum3A_20 : i1 to vector<16xi1>
    %reduce_sum3A_22 = tpu.scan <sum>, %select_n3A_19 masked %reduce_sum3A_21 : vector<16xi32>, vector<16xi1> -> vector<16xi32>
    %reduce_sum3A_23 = vector.extract %reduce_sum3A_22[15] : i32 from vector<16xi32>
    %lt3A = arith.constant 999936 : i32
    %lt3A_24 = arith.cmpi slt, %reduce_sum3A_13, %lt3A : i32
    %convert_element_type3A = arith.extui %lt3A_24 : i1 to i32
    %cond3A = arith.constant 0 : i32
    %cond3A_25 = arith.cmpi ne, %convert_element_type3A, %cond3A : i32
    scf.if %cond3A_25 {
      %jit3A_259 = arith.constant 128 : i32
      %div3A = arith.divsi %reduce_sum3A_13, %jit3A_259 : i32
      %sign3A = arith.constant 0 : i32
      %sign3A_260 = arith.cmpi sgt, %reduce_sum3A_13, %sign3A : i32
      %sign3A_261 = arith.extui %sign3A_260 : i1 to i32
      %sign3A_262 = arith.constant 0 : i32
      %sign3A_263 = arith.cmpi slt, %reduce_sum3A_13, %sign3A_262 : i32
      %sign3A_264 = arith.extui %sign3A_263 : i1 to i32
      %sign3A_265 = arith.subi %sign3A_261, %sign3A_264 : i32
      %sign3A_266 = arith.constant 0 : i32
      %sign3A_267 = arith.cmpi sgt, %jit3A_259, %sign3A_266 : i32
      %sign3A_268 = arith.extui %sign3A_267 : i1 to i32
      %sign3A_269 = arith.constant 0 : i32
      %sign3A_270 = arith.cmpi slt, %jit3A_259, %sign3A_269 : i32
      %sign3A_271 = arith.extui %sign3A_270 : i1 to i32
      %sign3A_272 = arith.subi %sign3A_268, %sign3A_271 : i32
      %ne3A = arith.cmpi ne, %sign3A_265, %sign3A_272 : i32
      %rem3A = arith.remsi %reduce_sum3A_13, %jit3A_259 : i32
      %ne3A_273 = arith.constant 0 : i32
      %ne3A_274 = arith.cmpi ne, %rem3A, %ne3A_273 : i32
      %and3A = arith.andi %ne3A, %ne3A_274 : i1
      %sub3A = arith.constant 1 : i32
      %sub3A_275 = arith.subi %div3A, %sub3A : i32
      %select_n3A_276 = arith.select %and3A, %sub3A_275, %div3A : i32
      %mul3A_277 = arith.constant 128 : i32
      %mul3A_278 = arith.muli %select_n3A_276, %mul3A_277 : i32
      %multiple_of3A = tpu.assume_multiple %mul3A_278, 128 : i32
      %dma_start3A_279 = arith.constant 0 : i32
      %dma_start3A_280 = tpu.memref_slice %arg5[%dma_start3A_279, %multiple_of3A] : memref<64x1000000xf32, #tpu.memory_space<hbm>> -> memref<64x128xf32, #tpu.memory_space<hbm>>
      %dma_start3A_281 = arith.constant 0 : i32
      %dma_start3A_282 = tpu.memref_slice %arg5[%dma_start3A_281, %multiple_of3A] : memref<64x1000000xf32, #tpu.memory_space<hbm>> -> memref<64x128xf32, #tpu.memory_space<hbm>>
      tpu.enqueue_dma source(%dma_start3A_282 : memref<64x128xf32, #tpu.memory_space<hbm>>) target(%arg15 : memref<64x128xf32, #tpu.memory_space<vmem>>) target_semaphore(%arg26 : memref<!tpu.dma_semaphore, #tpu.memory_space<semaphore_mem>>)
    } else {
    }
    %ge3A = arith.constant 999936 : i32
    %ge3A_26 = arith.cmpi sge, %reduce_sum3A_13, %ge3A : i32
    %convert_element_type3A_27 = arith.extui %ge3A_26 : i1 to i32
    %cond3A_28 = arith.constant 0 : i32
    %cond3A_29 = arith.cmpi ne, %convert_element_type3A_27, %cond3A_28 : i32
    scf.if %cond3A_29 {
      tpu.enqueue_dma source(%arg6 : memref<64x128xf32, #tpu.memory_space<hbm>>) target(%arg15 : memref<64x128xf32, #tpu.memory_space<vmem>>) target_semaphore(%arg26 : memref<!tpu.dma_semaphore, #tpu.memory_space<semaphore_mem>>)
    } else {
    }
    %lt3A_30 = arith.constant 999936 : i32
    %lt3A_31 = arith.cmpi slt, %reduce_sum3A_23, %lt3A_30 : i32
    %convert_element_type3A_32 = arith.extui %lt3A_31 : i1 to i32
    %cond3A_33 = arith.constant 0 : i32
    %cond3A_34 = arith.cmpi ne, %convert_element_type3A_32, %cond3A_33 : i32
    scf.if %cond3A_34 {
      %jit3A_259 = arith.constant 128 : i32
      %div3A = arith.divsi %reduce_sum3A_23, %jit3A_259 : i32
      %sign3A = arith.constant 0 : i32
      %sign3A_260 = arith.cmpi sgt, %reduce_sum3A_23, %sign3A : i32
      %sign3A_261 = arith.extui %sign3A_260 : i1 to i32
      %sign3A_262 = arith.constant 0 : i32
      %sign3A_263 = arith.cmpi slt, %reduce_sum3A_23, %sign3A_262 : i32
      %sign3A_264 = arith.extui %sign3A_263 : i1 to i32
      %sign3A_265 = arith.subi %sign3A_261, %sign3A_264 : i32
      %sign3A_266 = arith.constant 0 : i32
      %sign3A_267 = arith.cmpi sgt, %jit3A_259, %sign3A_266 : i32
      %sign3A_268 = arith.extui %sign3A_267 : i1 to i32
      %sign3A_269 = arith.constant 0 : i32
      %sign3A_270 = arith.cmpi slt, %jit3A_259, %sign3A_269 : i32
      %sign3A_271 = arith.extui %sign3A_270 : i1 to i32
      %sign3A_272 = arith.subi %sign3A_268, %sign3A_271 : i32
      %ne3A = arith.cmpi ne, %sign3A_265, %sign3A_272 : i32
      %rem3A = arith.remsi %reduce_sum3A_23, %jit3A_259 : i32
      %ne3A_273 = arith.constant 0 : i32
      %ne3A_274 = arith.cmpi ne, %rem3A, %ne3A_273 : i32
      %and3A = arith.andi %ne3A, %ne3A_274 : i1
      %sub3A = arith.constant 1 : i32
      %sub3A_275 = arith.subi %div3A, %sub3A : i32
      %select_n3A_276 = arith.select %and3A, %sub3A_275, %div3A : i32
      %mul3A_277 = arith.constant 128 : i32
      %mul3A_278 = arith.muli %select_n3A_276, %mul3A_277 : i32
      %multiple_of3A = tpu.assume_multiple %mul3A_278, 128 : i32
      %dma_start3A_279 = arith.constant 0 : i32
      %dma_start3A_280 = tpu.memref_slice %arg5[%dma_start3A_279, %multiple_of3A] : memref<64x1000000xf32, #tpu.memory_space<hbm>> -> memref<64x128xf32, #tpu.memory_space<hbm>>
      %dma_start3A_281 = arith.constant 0 : i32
      %dma_start3A_282 = tpu.memref_slice %arg5[%dma_start3A_281, %multiple_of3A] : memref<64x1000000xf32, #tpu.memory_space<hbm>> -> memref<64x128xf32, #tpu.memory_space<hbm>>
      tpu.enqueue_dma source(%dma_start3A_282 : memref<64x128xf32, #tpu.memory_space<hbm>>) target(%arg19 : memref<64x128xf32, #tpu.memory_space<vmem>>) target_semaphore(%arg26 : memref<!tpu.dma_semaphore, #tpu.memory_space<semaphore_mem>>)
    } else {
    }
    %ge3A_35 = arith.constant 999936 : i32
    %ge3A_36 = arith.cmpi sge, %reduce_sum3A_23, %ge3A_35 : i32
    %convert_element_type3A_37 = arith.extui %ge3A_36 : i1 to i32
    %cond3A_38 = arith.constant 0 : i32
    %cond3A_39 = arith.cmpi ne, %convert_element_type3A_37, %cond3A_38 : i32
    scf.if %cond3A_39 {
      tpu.enqueue_dma source(%arg6 : memref<64x128xf32, #tpu.memory_space<hbm>>) target(%arg19 : memref<64x128xf32, #tpu.memory_space<vmem>>) target_semaphore(%arg26 : memref<!tpu.dma_semaphore, #tpu.memory_space<semaphore_mem>>)
    } else {
    }
    %get3A_40 = arith.constant 0 : index
    %get3A_41 = tpu.vector_load %arg11[%get3A_40] {strides = array<i32>} : memref<128xi32, #tpu.memory_space<vmem>>, vector<16xi32>,
    %get3A_42 = arith.constant 0 : index
    %get3A_43 = tpu.vector_load %arg13[%get3A_42] {strides = array<i32>} : memref<128xi32, #tpu.memory_space<vmem>>, vector<16xi32>,
    %eq3A_44 = arith.constant 1 : i32
    %eq3A_45 = vector.broadcast %eq3A_44 : i32 to vector<16xi32>
    %eq3A_46 = arith.cmpi eq, %iota3A, %eq3A_45 : vector<16xi32>
    %jit3A_47 = arith.constant 0 : i32
    %broadcast_in_dim3A_48 = vector.broadcast %jit3A_47 : i32 to vector<16xi32>
    %select_n3A_49 = arith.select %eq3A_46, %get3A_41, %broadcast_in_dim3A_48 : vector<16xi1>, vector<16xi32>
    %reduce_sum3A_50 = arith.constant true
    %reduce_sum3A_51 = vector.broadcast %reduce_sum3A_50 : i1 to vector<16xi1>
    %reduce_sum3A_52 = tpu.scan <sum>, %select_n3A_49 masked %reduce_sum3A_51 : vector<16xi32>, vector<16xi1> -> vector<16xi32>
    %reduce_sum3A_53 = vector.extract %reduce_sum3A_52[15] : i32 from vector<16xi32>
    %eq3A_54 = arith.constant 1 : i32
    %eq3A_55 = vector.broadcast %eq3A_54 : i32 to vector<16xi32>
    %eq3A_56 = arith.cmpi eq, %iota3A, %eq3A_55 : vector<16xi32>
    %jit3A_57 = arith.constant 0 : i32
    %broadcast_in_dim3A_58 = vector.broadcast %jit3A_57 : i32 to vector<16xi32>
    %select_n3A_59 = arith.select %eq3A_56, %get3A_43, %broadcast_in_dim3A_58 : vector<16xi1>, vector<16xi32>
    %reduce_sum3A_60 = arith.constant true
    %reduce_sum3A_61 = vector.broadcast %reduce_sum3A_60 : i1 to vector<16xi1>
    %reduce_sum3A_62 = tpu.scan <sum>, %select_n3A_59 masked %reduce_sum3A_61 : vector<16xi32>, vector<16xi1> -> vector<16xi32>
    %reduce_sum3A_63 = vector.extract %reduce_sum3A_62[15] : i32 from vector<16xi32>
    %lt3A_64 = arith.constant 999936 : i32
    %lt3A_65 = arith.cmpi slt, %reduce_sum3A_53, %lt3A_64 : i32
    %convert_element_type3A_66 = arith.extui %lt3A_65 : i1 to i32
    %cond3A_67 = arith.constant 0 : i32
    %cond3A_68 = arith.cmpi ne, %convert_element_type3A_66, %cond3A_67 : i32
    scf.if %cond3A_68 {
      %jit3A_259 = arith.constant 128 : i32
      %div3A = arith.divsi %reduce_sum3A_53, %jit3A_259 : i32
      %sign3A = arith.constant 0 : i32
      %sign3A_260 = arith.cmpi sgt, %reduce_sum3A_53, %sign3A : i32
      %sign3A_261 = arith.extui %sign3A_260 : i1 to i32
      %sign3A_262 = arith.constant 0 : i32
      %sign3A_263 = arith.cmpi slt, %reduce_sum3A_53, %sign3A_262 : i32
      %sign3A_264 = arith.extui %sign3A_263 : i1 to i32
      %sign3A_265 = arith.subi %sign3A_261, %sign3A_264 : i32
      %sign3A_266 = arith.constant 0 : i32
      %sign3A_267 = arith.cmpi sgt, %jit3A_259, %sign3A_266 : i32
      %sign3A_268 = arith.extui %sign3A_267 : i1 to i32
      %sign3A_269 = arith.constant 0 : i32
      %sign3A_270 = arith.cmpi slt, %jit3A_259, %sign3A_269 : i32
      %sign3A_271 = arith.extui %sign3A_270 : i1 to i32
      %sign3A_272 = arith.subi %sign3A_268, %sign3A_271 : i32
      %ne3A = arith.cmpi ne, %sign3A_265, %sign3A_272 : i32
      %rem3A = arith.remsi %reduce_sum3A_53, %jit3A_259 : i32
      %ne3A_273 = arith.constant 0 : i32
      %ne3A_274 = arith.cmpi ne, %rem3A, %ne3A_273 : i32
      %and3A = arith.andi %ne3A, %ne3A_274 : i1
      %sub3A = arith.constant 1 : i32
      %sub3A_275 = arith.subi %div3A, %sub3A : i32
      %select_n3A_276 = arith.select %and3A, %sub3A_275, %div3A : i32
      %mul3A_277 = arith.constant 128 : i32
      %mul3A_278 = arith.muli %select_n3A_276, %mul3A_277 : i32
      %multiple_of3A = tpu.assume_multiple %mul3A_278, 128 : i32
      %dma_start3A_279 = arith.constant 0 : i32
      %dma_start3A_280 = tpu.memref_slice %arg5[%dma_start3A_279, %multiple_of3A] : memref<64x1000000xf32, #tpu.memory_space<hbm>> -> memref<64x128xf32, #tpu.memory_space<hbm>>
      %dma_start3A_281 = arith.constant 0 : i32
      %dma_start3A_282 = tpu.memref_slice %arg5[%dma_start3A_281, %multiple_of3A] : memref<64x1000000xf32, #tpu.memory_space<hbm>> -> memref<64x128xf32, #tpu.memory_space<hbm>>
      tpu.enqueue_dma source(%dma_start3A_282 : memref<64x128xf32, #tpu.memory_space<hbm>>) target(%arg16 : memref<64x128xf32, #tpu.memory_space<vmem>>) target_semaphore(%arg27 : memref<!tpu.dma_semaphore, #tpu.memory_space<semaphore_mem>>)
    } else {
    }
    %ge3A_69 = arith.constant 999936 : i32
    %ge3A_70 = arith.cmpi sge, %reduce_sum3A_53, %ge3A_69 : i32
    %convert_element_type3A_71 = arith.extui %ge3A_70 : i1 to i32
    %cond3A_72 = arith.constant 0 : i32
    %cond3A_73 = arith.cmpi ne, %convert_element_type3A_71, %cond3A_72 : i32
    scf.if %cond3A_73 {
      tpu.enqueue_dma source(%arg6 : memref<64x128xf32, #tpu.memory_space<hbm>>) target(%arg16 : memref<64x128xf32, #tpu.memory_space<vmem>>) target_semaphore(%arg27 : memref<!tpu.dma_semaphore, #tpu.memory_space<semaphore_mem>>)
    } else {
    }
    %lt3A_74 = arith.constant 999936 : i32
    %lt3A_75 = arith.cmpi slt, %reduce_sum3A_63, %lt3A_74 : i32
    %convert_element_type3A_76 = arith.extui %lt3A_75 : i1 to i32
    %cond3A_77 = arith.constant 0 : i32
    %cond3A_78 = arith.cmpi ne, %convert_element_type3A_76, %cond3A_77 : i32
    scf.if %cond3A_78 {
      %jit3A_259 = arith.constant 128 : i32
      %div3A = arith.divsi %reduce_sum3A_63, %jit3A_259 : i32
      %sign3A = arith.constant 0 : i32
      %sign3A_260 = arith.cmpi sgt, %reduce_sum3A_63, %sign3A : i32
      %sign3A_261 = arith.extui %sign3A_260 : i1 to i32
      %sign3A_262 = arith.constant 0 : i32
      %sign3A_263 = arith.cmpi slt, %reduce_sum3A_63, %sign3A_262 : i32
      %sign3A_264 = arith.extui %sign3A_263 : i1 to i32
      %sign3A_265 = arith.subi %sign3A_261, %sign3A_264 : i32
      %sign3A_266 = arith.constant 0 : i32
      %sign3A_267 = arith.cmpi sgt, %jit3A_259, %sign3A_266 : i32
      %sign3A_268 = arith.extui %sign3A_267 : i1 to i32
      %sign3A_269 = arith.constant 0 : i32
      %sign3A_270 = arith.cmpi slt, %jit3A_259, %sign3A_269 : i32
      %sign3A_271 = arith.extui %sign3A_270 : i1 to i32
      %sign3A_272 = arith.subi %sign3A_268, %sign3A_271 : i32
      %ne3A = arith.cmpi ne, %sign3A_265, %sign3A_272 : i32
      %rem3A = arith.remsi %reduce_sum3A_63, %jit3A_259 : i32
      %ne3A_273 = arith.constant 0 : i32
      %ne3A_274 = arith.cmpi ne, %rem3A, %ne3A_273 : i32
      %and3A = arith.andi %ne3A, %ne3A_274 : i1
      %sub3A = arith.constant 1 : i32
      %sub3A_275 = arith.subi %div3A, %sub3A : i32
      %select_n3A_276 = arith.select %and3A, %sub3A_275, %div3A : i32
      %mul3A_277 = arith.constant 128 : i32
      %mul3A_278 = arith.muli %select_n3A_276, %mul3A_277 : i32
      %multiple_of3A = tpu.assume_multiple %mul3A_278, 128 : i32
      %dma_start3A_279 = arith.constant 0 : i32
      %dma_start3A_280 = tpu.memref_slice %arg5[%dma_start3A_279, %multiple_of3A] : memref<64x1000000xf32, #tpu.memory_space<hbm>> -> memref<64x128xf32, #tpu.memory_space<hbm>>
      %dma_start3A_281 = arith.constant 0 : i32
      %dma_start3A_282 = tpu.memref_slice %arg5[%dma_start3A_281, %multiple_of3A] : memref<64x1000000xf32, #tpu.memory_space<hbm>> -> memref<64x128xf32, #tpu.memory_space<hbm>>
      tpu.enqueue_dma source(%dma_start3A_282 : memref<64x128xf32, #tpu.memory_space<hbm>>) target(%arg20 : memref<64x128xf32, #tpu.memory_space<vmem>>) target_semaphore(%arg27 : memref<!tpu.dma_semaphore, #tpu.memory_space<semaphore_mem>>)
    } else {
    }
    %ge3A_79 = arith.constant 999936 : i32
    %ge3A_80 = arith.cmpi sge, %reduce_sum3A_63, %ge3A_79 : i32
    %convert_element_type3A_81 = arith.extui %ge3A_80 : i1 to i32
    %cond3A_82 = arith.constant 0 : i32
    %cond3A_83 = arith.cmpi ne, %convert_element_type3A_81, %cond3A_82 : i32
    scf.if %cond3A_83 {
      tpu.enqueue_dma source(%arg6 : memref<64x128xf32, #tpu.memory_space<hbm>>) target(%arg20 : memref<64x128xf32, #tpu.memory_space<vmem>>) target_semaphore(%arg27 : memref<!tpu.dma_semaphore, #tpu.memory_space<semaphore_mem>>)
    } else {
    }
    %get3A_84 = arith.constant 0 : index
    %get3A_85 = tpu.vector_load %arg11[%get3A_84] {strides = array<i32>} : memref<128xi32, #tpu.memory_space<vmem>>, vector<16xi32>,
    %get3A_86 = arith.constant 0 : index
    %get3A_87 = tpu.vector_load %arg13[%get3A_86] {strides = array<i32>} : memref<128xi32, #tpu.memory_space<vmem>>, vector<16xi32>,
    %eq3A_88 = arith.constant 2 : i32
    %eq3A_89 = vector.broadcast %eq3A_88 : i32 to vector<16xi32>
    %eq3A_90 = arith.cmpi eq, %iota3A, %eq3A_89 : vector<16xi32>
    %jit3A_91 = arith.constant 0 : i32
    %broadcast_in_dim3A_92 = vector.broadcast %jit3A_91 : i32 to vector<16xi32>
    %select_n3A_93 = arith.select %eq3A_90, %get3A_85, %broadcast_in_dim3A_92 : vector<16xi1>, vector<16xi32>
    %reduce_sum3A_94 = arith.constant true
    %reduce_sum3A_95 = vector.broadcast %reduce_sum3A_94 : i1 to vector<16xi1>
    %reduce_sum3A_96 = tpu.scan <sum>, %select_n3A_93 masked %reduce_sum3A_95 : vector<16xi32>, vector<16xi1> -> vector<16xi32>
    %reduce_sum3A_97 = vector.extract %reduce_sum3A_96[15] : i32 from vector<16xi32>
    %eq3A_98 = arith.constant 2 : i32
    %eq3A_99 = vector.broadcast %eq3A_98 : i32 to vector<16xi32>
    %eq3A_100 = arith.cmpi eq, %iota3A, %eq3A_99 : vector<16xi32>
    %jit3A_101 = arith.constant 0 : i32
    %broadcast_in_dim3A_102 = vector.broadcast %jit3A_101 : i32 to vector<16xi32>
    %select_n3A_103 = arith.select %eq3A_100, %get3A_87, %broadcast_in_dim3A_102 : vector<16xi1>, vector<16xi32>
    %reduce_sum3A_104 = arith.constant true
    %reduce_sum3A_105 = vector.broadcast %reduce_sum3A_104 : i1 to vector<16xi1>
    %reduce_sum3A_106 = tpu.scan <sum>, %select_n3A_103 masked %reduce_sum3A_105 : vector<16xi32>, vector<16xi1> -> vector<16xi32>
    %reduce_sum3A_107 = vector.extract %reduce_sum3A_106[15] : i32 from vector<16xi32>
    %lt3A_108 = arith.constant 999936 : i32
    %lt3A_109 = arith.cmpi slt, %reduce_sum3A_97, %lt3A_108 : i32
    %convert_element_type3A_110 = arith.extui %lt3A_109 : i1 to i32
    %cond3A_111 = arith.constant 0 : i32
    %cond3A_112 = arith.cmpi ne, %convert_element_type3A_110, %cond3A_111 : i32
    scf.if %cond3A_112 {
      %jit3A_259 = arith.constant 128 : i32
      %div3A = arith.divsi %reduce_sum3A_97, %jit3A_259 : i32
      %sign3A = arith.constant 0 : i32
      %sign3A_260 = arith.cmpi sgt, %reduce_sum3A_97, %sign3A : i32
      %sign3A_261 = arith.extui %sign3A_260 : i1 to i32
      %sign3A_262 = arith.constant 0 : i32
      %sign3A_263 = arith.cmpi slt, %reduce_sum3A_97, %sign3A_262 : i32
      %sign3A_264 = arith.extui %sign3A_263 : i1 to i32
      %sign3A_265 = arith.subi %sign3A_261, %sign3A_264 : i32
      %sign3A_266 = arith.constant 0 : i32
      %sign3A_267 = arith.cmpi sgt, %jit3A_259, %sign3A_266 : i32
      %sign3A_268 = arith.extui %sign3A_267 : i1 to i32
      %sign3A_269 = arith.constant 0 : i32
      %sign3A_270 = arith.cmpi slt, %jit3A_259, %sign3A_269 : i32
      %sign3A_271 = arith.extui %sign3A_270 : i1 to i32
      %sign3A_272 = arith.subi %sign3A_268, %sign3A_271 : i32
      %ne3A = arith.cmpi ne, %sign3A_265, %sign3A_272 : i32
      %rem3A = arith.remsi %reduce_sum3A_97, %jit3A_259 : i32
      %ne3A_273 = arith.constant 0 : i32
      %ne3A_274 = arith.cmpi ne, %rem3A, %ne3A_273 : i32
      %and3A = arith.andi %ne3A, %ne3A_274 : i1
      %sub3A = arith.constant 1 : i32
      %sub3A_275 = arith.subi %div3A, %sub3A : i32
      %select_n3A_276 = arith.select %and3A, %sub3A_275, %div3A : i32
      %mul3A_277 = arith.constant 128 : i32
      %mul3A_278 = arith.muli %select_n3A_276, %mul3A_277 : i32
      %multiple_of3A = tpu.assume_multiple %mul3A_278, 128 : i32
      %dma_start3A_279 = arith.constant 0 : i32
      %dma_start3A_280 = tpu.memref_slice %arg5[%dma_start3A_279, %multiple_of3A] : memref<64x1000000xf32, #tpu.memory_space<hbm>> -> memref<64x128xf32, #tpu.memory_space<hbm>>
      %dma_start3A_281 = arith.constant 0 : i32
      %dma_start3A_282 = tpu.memref_slice %arg5[%dma_start3A_281, %multiple_of3A] : memref<64x1000000xf32, #tpu.memory_space<hbm>> -> memref<64x128xf32, #tpu.memory_space<hbm>>
      tpu.enqueue_dma source(%dma_start3A_282 : memref<64x128xf32, #tpu.memory_space<hbm>>) target(%arg17 : memref<64x128xf32, #tpu.memory_space<vmem>>) target_semaphore(%arg28 : memref<!tpu.dma_semaphore, #tpu.memory_space<semaphore_mem>>)
    } else {
    }
    %ge3A_113 = arith.constant 999936 : i32
    %ge3A_114 = arith.cmpi sge, %reduce_sum3A_97, %ge3A_113 : i32
    %convert_element_type3A_115 = arith.extui %ge3A_114 : i1 to i32
    %cond3A_116 = arith.constant 0 : i32
    %cond3A_117 = arith.cmpi ne, %convert_element_type3A_115, %cond3A_116 : i32
    scf.if %cond3A_117 {
      tpu.enqueue_dma source(%arg6 : memref<64x128xf32, #tpu.memory_space<hbm>>) target(%arg17 : memref<64x128xf32, #tpu.memory_space<vmem>>) target_semaphore(%arg28 : memref<!tpu.dma_semaphore, #tpu.memory_space<semaphore_mem>>)
    } else {
    }
    %lt3A_118 = arith.constant 999936 : i32
    %lt3A_119 = arith.cmpi slt, %reduce_sum3A_107, %lt3A_118 : i32
    %convert_element_type3A_120 = arith.extui %lt3A_119 : i1 to i32
    %cond3A_121 = arith.constant 0 : i32
    %cond3A_122 = arith.cmpi ne, %convert_element_type3A_120, %cond3A_121 : i32
    scf.if %cond3A_122 {
      %jit3A_259 = arith.constant 128 : i32
      %div3A = arith.divsi %reduce_sum3A_107, %jit3A_259 : i32
      %sign3A = arith.constant 0 : i32
      %sign3A_260 = arith.cmpi sgt, %reduce_sum3A_107, %sign3A : i32
      %sign3A_261 = arith.extui %sign3A_260 : i1 to i32
      %sign3A_262 = arith.constant 0 : i32
      %sign3A_263 = arith.cmpi slt, %reduce_sum3A_107, %sign3A_262 : i32
      %sign3A_264 = arith.extui %sign3A_263 : i1 to i32
      %sign3A_265 = arith.subi %sign3A_261, %sign3A_264 : i32
      %sign3A_266 = arith.constant 0 : i32
      %sign3A_267 = arith.cmpi sgt, %jit3A_259, %sign3A_266 : i32
      %sign3A_268 = arith.extui %sign3A_267 : i1 to i32
      %sign3A_269 = arith.constant 0 : i32
      %sign3A_270 = arith.cmpi slt, %jit3A_259, %sign3A_269 : i32
      %sign3A_271 = arith.extui %sign3A_270 : i1 to i32
      %sign3A_272 = arith.subi %sign3A_268, %sign3A_271 : i32
      %ne3A = arith.cmpi ne, %sign3A_265, %sign3A_272 : i32
      %rem3A = arith.remsi %reduce_sum3A_107, %jit3A_259 : i32
      %ne3A_273 = arith.constant 0 : i32
      %ne3A_274 = arith.cmpi ne, %rem3A, %ne3A_273 : i32
      %and3A = arith.andi %ne3A, %ne3A_274 : i1
      %sub3A = arith.constant 1 : i32
      %sub3A_275 = arith.subi %div3A, %sub3A : i32
      %select_n3A_276 = arith.select %and3A, %sub3A_275, %div3A : i32
      %mul3A_277 = arith.constant 128 : i32
      %mul3A_278 = arith.muli %select_n3A_276, %mul3A_277 : i32
      %multiple_of3A = tpu.assume_multiple %mul3A_278, 128 : i32
      %dma_start3A_279 = arith.constant 0 : i32
      %dma_start3A_280 = tpu.memref_slice %arg5[%dma_start3A_279, %multiple_of3A] : memref<64x1000000xf32, #tpu.memory_space<hbm>> -> memref<64x128xf32, #tpu.memory_space<hbm>>
      %dma_start3A_281 = arith.constant 0 : i32
      %dma_start3A_282 = tpu.memref_slice %arg5[%dma_start3A_281, %multiple_of3A] : memref<64x1000000xf32, #tpu.memory_space<hbm>> -> memref<64x128xf32, #tpu.memory_space<hbm>>
      tpu.enqueue_dma source(%dma_start3A_282 : memref<64x128xf32, #tpu.memory_space<hbm>>) target(%arg21 : memref<64x128xf32, #tpu.memory_space<vmem>>) target_semaphore(%arg28 : memref<!tpu.dma_semaphore, #tpu.memory_space<semaphore_mem>>)
    } else {
    }
    %ge3A_123 = arith.constant 999936 : i32
    %ge3A_124 = arith.cmpi sge, %reduce_sum3A_107, %ge3A_123 : i32
    %convert_element_type3A_125 = arith.extui %ge3A_124 : i1 to i32
    %cond3A_126 = arith.constant 0 : i32
    %cond3A_127 = arith.cmpi ne, %convert_element_type3A_125, %cond3A_126 : i32
    scf.if %cond3A_127 {
      tpu.enqueue_dma source(%arg6 : memref<64x128xf32, #tpu.memory_space<hbm>>) target(%arg21 : memref<64x128xf32, #tpu.memory_space<vmem>>) target_semaphore(%arg28 : memref<!tpu.dma_semaphore, #tpu.memory_space<semaphore_mem>>)
    } else {
    }
    %get3A_128 = arith.constant 0 : index
    %get3A_129 = tpu.vector_load %arg11[%get3A_128] {strides = array<i32>} : memref<128xi32, #tpu.memory_space<vmem>>, vector<16xi32>,
    %get3A_130 = arith.constant 0 : index
    %get3A_131 = tpu.vector_load %arg13[%get3A_130] {strides = array<i32>} : memref<128xi32, #tpu.memory_space<vmem>>, vector<16xi32>,
    %eq3A_132 = arith.constant 3 : i32
    %eq3A_133 = vector.broadcast %eq3A_132 : i32 to vector<16xi32>
    %eq3A_134 = arith.cmpi eq, %iota3A, %eq3A_133 : vector<16xi32>
    %jit3A_135 = arith.constant 0 : i32
    %broadcast_in_dim3A_136 = vector.broadcast %jit3A_135 : i32 to vector<16xi32>
    %select_n3A_137 = arith.select %eq3A_134, %get3A_129, %broadcast_in_dim3A_136 : vector<16xi1>, vector<16xi32>
    %reduce_sum3A_138 = arith.constant true
    %reduce_sum3A_139 = vector.broadcast %reduce_sum3A_138 : i1 to vector<16xi1>
    %reduce_sum3A_140 = tpu.scan <sum>, %select_n3A_137 masked %reduce_sum3A_139 : vector<16xi32>, vector<16xi1> -> vector<16xi32>
    %reduce_sum3A_141 = vector.extract %reduce_sum3A_140[15] : i32 from vector<16xi32>
    %eq3A_142 = arith.constant 3 : i32
    %eq3A_143 = vector.broadcast %eq3A_142 : i32 to vector<16xi32>
    %eq3A_144 = arith.cmpi eq, %iota3A, %eq3A_143 : vector<16xi32>
    %jit3A_145 = arith.constant 0 : i32
    %broadcast_in_dim3A_146 = vector.broadcast %jit3A_145 : i32 to vector<16xi32>
    %select_n3A_147 = arith.select %eq3A_144, %get3A_131, %broadcast_in_dim3A_146 : vector<16xi1>, vector<16xi32>
    %reduce_sum3A_148 = arith.constant true
    %reduce_sum3A_149 = vector.broadcast %reduce_sum3A_148 : i1 to vector<16xi1>
    %reduce_sum3A_150 = tpu.scan <sum>, %select_n3A_147 masked %reduce_sum3A_149 : vector<16xi32>, vector<16xi1> -> vector<16xi32>
    %reduce_sum3A_151 = vector.extract %reduce_sum3A_150[15] : i32 from vector<16xi32>
    %lt3A_152 = arith.constant 999936 : i32
    %lt3A_153 = arith.cmpi slt, %reduce_sum3A_141, %lt3A_152 : i32
    %convert_element_type3A_154 = arith.extui %lt3A_153 : i1 to i32
    %cond3A_155 = arith.constant 0 : i32
    %cond3A_156 = arith.cmpi ne, %convert_element_type3A_154, %cond3A_155 : i32
    scf.if %cond3A_156 {
      %jit3A_259 = arith.constant 128 : i32
      %div3A = arith.divsi %reduce_sum3A_141, %jit3A_259 : i32
      %sign3A = arith.constant 0 : i32
      %sign3A_260 = arith.cmpi sgt, %reduce_sum3A_141, %sign3A : i32
      %sign3A_261 = arith.extui %sign3A_260 : i1 to i32
      %sign3A_262 = arith.constant 0 : i32
      %sign3A_263 = arith.cmpi slt, %reduce_sum3A_141, %sign3A_262 : i32
      %sign3A_264 = arith.extui %sign3A_263 : i1 to i32
      %sign3A_265 = arith.subi %sign3A_261, %sign3A_264 : i32
      %sign3A_266 = arith.constant 0 : i32
      %sign3A_267 = arith.cmpi sgt, %jit3A_259, %sign3A_266 : i32
      %sign3A_268 = arith.extui %sign3A_267 : i1 to i32
      %sign3A_269 = arith.constant 0 : i32
      %sign3A_270 = arith.cmpi slt, %jit3A_259, %sign3A_269 : i32
      %sign3A_271 = arith.extui %sign3A_270 : i1 to i32
      %sign3A_272 = arith.subi %sign3A_268, %sign3A_271 : i32
      %ne3A = arith.cmpi ne, %sign3A_265, %sign3A_272 : i32
      %rem3A = arith.remsi %reduce_sum3A_141, %jit3A_259 : i32
      %ne3A_273 = arith.constant 0 : i32
      %ne3A_274 = arith.cmpi ne, %rem3A, %ne3A_273 : i32
      %and3A = arith.andi %ne3A, %ne3A_274 : i1
      %sub3A = arith.constant 1 : i32
      %sub3A_275 = arith.subi %div3A, %sub3A : i32
      %select_n3A_276 = arith.select %and3A, %sub3A_275, %div3A : i32
      %mul3A_277 = arith.constant 128 : i32
      %mul3A_278 = arith.muli %select_n3A_276, %mul3A_277 : i32
      %multiple_of3A = tpu.assume_multiple %mul3A_278, 128 : i32
      %dma_start3A_279 = arith.constant 0 : i32
      %dma_start3A_280 = tpu.memref_slice %arg5[%dma_start3A_279, %multiple_of3A] : memref<64x1000000xf32, #tpu.memory_space<hbm>> -> memref<64x128xf32, #tpu.memory_space<hbm>>
      %dma_start3A_281 = arith.constant 0 : i32
      %dma_start3A_282 = tpu.memref_slice %arg5[%dma_start3A_281, %multiple_of3A] : memref<64x1000000xf32, #tpu.memory_space<hbm>> -> memref<64x128xf32, #tpu.memory_space<hbm>>
      tpu.enqueue_dma source(%dma_start3A_282 : memref<64x128xf32, #tpu.memory_space<hbm>>) target(%arg18 : memref<64x128xf32, #tpu.memory_space<vmem>>) target_semaphore(%arg29 : memref<!tpu.dma_semaphore, #tpu.memory_space<semaphore_mem>>)
    } else {
    }
    %ge3A_157 = arith.constant 999936 : i32
    %ge3A_158 = arith.cmpi sge, %reduce_sum3A_141, %ge3A_157 : i32
    %convert_element_type3A_159 = arith.extui %ge3A_158 : i1 to i32
    %cond3A_160 = arith.constant 0 : i32
    %cond3A_161 = arith.cmpi ne, %convert_element_type3A_159, %cond3A_160 : i32
    scf.if %cond3A_161 {
      tpu.enqueue_dma source(%arg6 : memref<64x128xf32, #tpu.memory_space<hbm>>) target(%arg18 : memref<64x128xf32, #tpu.memory_space<vmem>>) target_semaphore(%arg29 : memref<!tpu.dma_semaphore, #tpu.memory_space<semaphore_mem>>)
    } else {
    }
    %lt3A_162 = arith.constant 999936 : i32
    %lt3A_163 = arith.cmpi slt, %reduce_sum3A_151, %lt3A_162 : i32
    %convert_element_type3A_164 = arith.extui %lt3A_163 : i1 to i32
    %cond3A_165 = arith.constant 0 : i32
    %cond3A_166 = arith.cmpi ne, %convert_element_type3A_164, %cond3A_165 : i32
    scf.if %cond3A_166 {
      %jit3A_259 = arith.constant 128 : i32
      %div3A = arith.divsi %reduce_sum3A_151, %jit3A_259 : i32
      %sign3A = arith.constant 0 : i32
      %sign3A_260 = arith.cmpi sgt, %reduce_sum3A_151, %sign3A : i32
      %sign3A_261 = arith.extui %sign3A_260 : i1 to i32
      %sign3A_262 = arith.constant 0 : i32
      %sign3A_263 = arith.cmpi slt, %reduce_sum3A_151, %sign3A_262 : i32
      %sign3A_264 = arith.extui %sign3A_263 : i1 to i32
      %sign3A_265 = arith.subi %sign3A_261, %sign3A_264 : i32
      %sign3A_266 = arith.constant 0 : i32
      %sign3A_267 = arith.cmpi sgt, %jit3A_259, %sign3A_266 : i32
      %sign3A_268 = arith.extui %sign3A_267 : i1 to i32
      %sign3A_269 = arith.constant 0 : i32
      %sign3A_270 = arith.cmpi slt, %jit3A_259, %sign3A_269 : i32
      %sign3A_271 = arith.extui %sign3A_270 : i1 to i32
      %sign3A_272 = arith.subi %sign3A_268, %sign3A_271 : i32
      %ne3A = arith.cmpi ne, %sign3A_265, %sign3A_272 : i32
      %rem3A = arith.remsi %reduce_sum3A_151, %jit3A_259 : i32
      %ne3A_273 = arith.constant 0 : i32
      %ne3A_274 = arith.cmpi ne, %rem3A, %ne3A_273 : i32
      %and3A = arith.andi %ne3A, %ne3A_274 : i1
      %sub3A = arith.constant 1 : i32
      %sub3A_275 = arith.subi %div3A, %sub3A : i32
      %select_n3A_276 = arith.select %and3A, %sub3A_275, %div3A : i32
      %mul3A_277 = arith.constant 128 : i32
      %mul3A_278 = arith.muli %select_n3A_276, %mul3A_277 : i32
      %multiple_of3A = tpu.assume_multiple %mul3A_278, 128 : i32
      %dma_start3A_279 = arith.constant 0 : i32
      %dma_start3A_280 = tpu.memref_slice %arg5[%dma_start3A_279, %multiple_of3A] : memref<64x1000000xf32, #tpu.memory_space<hbm>> -> memref<64x128xf32, #tpu.memory_space<hbm>>
      %dma_start3A_281 = arith.constant 0 : i32
      %dma_start3A_282 = tpu.memref_slice %arg5[%dma_start3A_281, %multiple_of3A] : memref<64x1000000xf32, #tpu.memory_space<hbm>> -> memref<64x128xf32, #tpu.memory_space<hbm>>
      tpu.enqueue_dma source(%dma_start3A_282 : memref<64x128xf32, #tpu.memory_space<hbm>>) target(%arg22 : memref<64x128xf32, #tpu.memory_space<vmem>>) target_semaphore(%arg29 : memref<!tpu.dma_semaphore, #tpu.memory_space<semaphore_mem>>)
    } else {
    }
    %ge3A_167 = arith.constant 999936 : i32
    %ge3A_168 = arith.cmpi sge, %reduce_sum3A_151, %ge3A_167 : i32
    %convert_element_type3A_169 = arith.extui %ge3A_168 : i1 to i32
    %cond3A_170 = arith.constant 0 : i32
    %cond3A_171 = arith.cmpi ne, %convert_element_type3A_169, %cond3A_170 : i32
    scf.if %cond3A_171 {
      tpu.enqueue_dma source(%arg6 : memref<64x128xf32, #tpu.memory_space<hbm>>) target(%arg22 : memref<64x128xf32, #tpu.memory_space<vmem>>) target_semaphore(%arg29 : memref<!tpu.dma_semaphore, #tpu.memory_space<semaphore_mem>>)
    } else {
    }
    %scan3A = arith.constant 0 : i32
    %scan3A_172 = arith.constant 0 : i32
    %scan3A_173 = arith.constant 32 : i32
    %scan3A_174 = arith.addi %scan3A_172, %scan3A_173 : i32
    %scan3A_175 = arith.constant 1 : i32
    scf.for %scan3A_259 = %scan3A_172 to %scan3A_174 step %scan3A_175  : i32 {
      %mul3A_260 = arith.constant 4 : i32
      %mul3A_261 = arith.muli %scan3A_259, %mul3A_260 : i32
      %add3A_262 = arith.constant 0 : i32
      %add3A_263 = arith.addi %mul3A_261, %add3A_262 : i32
      %dma_wait3A_264 = arith.constant 0 : i32
      %dma_wait3A_265 = arith.constant 0 : i32
      %dma_wait3A_266 = tpu.memref_slice %arg5[%dma_wait3A_264, %dma_wait3A_265] : memref<64x1000000xf32, #tpu.memory_space<hbm>> -> memref<64x128xf32, #tpu.memory_space<hbm>>
      %dma_wait3A_267 = arith.constant 0 : i32
      %dma_wait3A_268 = arith.constant 0 : i32
      %dma_wait3A_269 = tpu.memref_slice %arg5[%dma_wait3A_267, %dma_wait3A_268] : memref<64x1000000xf32, #tpu.memory_space<hbm>> -> memref<64x128xf32, #tpu.memory_space<hbm>>
      tpu.wait_dma2 semaphore(%arg26 : memref<!tpu.dma_semaphore, #tpu.memory_space<semaphore_mem>>) src(%dma_wait3A_269 : memref<64x128xf32, #tpu.memory_space<hbm>>) dst(%arg15 : memref<64x128xf32, #tpu.memory_space<vmem>>)
      %dma_wait3A_270 = arith.constant 0 : i32
      %dma_wait3A_271 = arith.constant 0 : i32
      %dma_wait3A_272 = tpu.memref_slice %arg5[%dma_wait3A_270, %dma_wait3A_271] : memref<64x1000000xf32, #tpu.memory_space<hbm>> -> memref<64x128xf32, #tpu.memory_space<hbm>>
      %dma_wait3A_273 = arith.constant 0 : i32
      %dma_wait3A_274 = arith.constant 0 : i32
      %dma_wait3A_275 = tpu.memref_slice %arg5[%dma_wait3A_273, %dma_wait3A_274] : memref<64x1000000xf32, #tpu.memory_space<hbm>> -> memref<64x128xf32, #tpu.memory_space<hbm>>
      tpu.wait_dma2 semaphore(%arg26 : memref<!tpu.dma_semaphore, #tpu.memory_space<semaphore_mem>>) src(%dma_wait3A_275 : memref<64x128xf32, #tpu.memory_space<hbm>>) dst(%arg19 : memref<64x128xf32, #tpu.memory_space<vmem>>)
      %jit3A_276 = arith.constant 16 : i32
      %div3A = arith.divsi %add3A_263, %jit3A_276 : i32
      %sign3A = arith.constant 0 : i32
      %sign3A_277 = arith.cmpi sgt, %add3A_263, %sign3A : i32
      %sign3A_278 = arith.extui %sign3A_277 : i1 to i32
      %sign3A_279 = arith.constant 0 : i32
      %sign3A_280 = arith.cmpi slt, %add3A_263, %sign3A_279 : i32
      %sign3A_281 = arith.extui %sign3A_280 : i1 to i32
      %sign3A_282 = arith.subi %sign3A_278, %sign3A_281 : i32
      %sign3A_283 = arith.constant 0 : i32
      %sign3A_284 = arith.cmpi sgt, %jit3A_276, %sign3A_283 : i32
      %sign3A_285 = arith.extui %sign3A_284 : i1 to i32
      %sign3A_286 = arith.constant 0 : i32
      %sign3A_287 = arith.cmpi slt, %jit3A_276, %sign3A_286 : i32
      %sign3A_288 = arith.extui %sign3A_287 : i1 to i32
      %sign3A_289 = arith.subi %sign3A_285, %sign3A_288 : i32
      %ne3A = arith.cmpi ne, %sign3A_282, %sign3A_289 : i32
      %rem3A = arith.remsi %add3A_263, %jit3A_276 : i32
      %ne3A_290 = arith.constant 0 : i32
      %ne3A_291 = arith.cmpi ne, %rem3A, %ne3A_290 : i32
      %and3A = arith.andi %ne3A, %ne3A_291 : i1
      %sub3A = arith.constant 1 : i32
      %sub3A_292 = arith.subi %div3A, %sub3A : i32
      %select_n3A_293 = arith.select %and3A, %sub3A_292, %div3A : i32
      %mul3A_294 = arith.constant 16 : i32
      %mul3A_295 = arith.muli %select_n3A_293, %mul3A_294 : i32
      %sub3A_296 = arith.subi %add3A_263, %mul3A_295 : i32
      %get3A_297 = arith.index_cast %mul3A_295 : i32 to index
      %get3A_298 = tpu.vector_load %arg11[%get3A_297] {strides = array<i32>} : memref<128xi32, #tpu.memory_space<vmem>>, vector<16xi32>,
      %eq3A_299 = vector.broadcast %sub3A_296 : i32 to vector<16xi32>
      %eq3A_300 = arith.cmpi eq, %iota3A, %eq3A_299 : vector<16xi32>
      %jit3A_301 = arith.constant 0 : i32
      %broadcast_in_dim3A_302 = vector.broadcast %jit3A_301 : i32 to vector<16xi32>
      %select_n3A_303 = arith.select %eq3A_300, %get3A_298, %broadcast_in_dim3A_302 : vector<16xi1>, vector<16xi32>
      %reduce_sum3A_304 = arith.constant true
      %reduce_sum3A_305 = vector.broadcast %reduce_sum3A_304 : i1 to vector<16xi1>
      %reduce_sum3A_306 = tpu.scan <sum>, %select_n3A_303 masked %reduce_sum3A_305 : vector<16xi32>, vector<16xi1> -> vector<16xi32>
      %reduce_sum3A_307 = vector.extract %reduce_sum3A_306[15] : i32 from vector<16xi32>
      %get3A_308 = arith.index_cast %mul3A_295 : i32 to index
      %get3A_309 = tpu.vector_load %arg13[%get3A_308] {strides = array<i32>} : memref<128xi32, #tpu.memory_space<vmem>>, vector<16xi32>,
      %eq3A_310 = vector.broadcast %sub3A_296 : i32 to vector<16xi32>
      %eq3A_311 = arith.cmpi eq, %iota3A, %eq3A_310 : vector<16xi32>
      %jit3A_312 = arith.constant 0 : i32
      %broadcast_in_dim3A_313 = vector.broadcast %jit3A_312 : i32 to vector<16xi32>
      %select_n3A_314 = arith.select %eq3A_311, %get3A_309, %broadcast_in_dim3A_313 : vector<16xi1>, vector<16xi32>
      %reduce_sum3A_315 = arith.constant true
      %reduce_sum3A_316 = vector.broadcast %reduce_sum3A_315 : i1 to vector<16xi1>
      %reduce_sum3A_317 = tpu.scan <sum>, %select_n3A_314 masked %reduce_sum3A_316 : vector<16xi32>, vector<16xi1> -> vector<16xi32>
      %reduce_sum3A_318 = vector.extract %reduce_sum3A_317[15] : i32 from vector<16xi32>
      %get3A_319 = arith.index_cast %mul3A_295 : i32 to index
      %get3A_320 = tpu.vector_load %arg12[%get3A_319] {strides = array<i32>} : memref<128xi32, #tpu.memory_space<vmem>>, vector<16xi32>,
      %eq3A_321 = vector.broadcast %sub3A_296 : i32 to vector<16xi32>
      %eq3A_322 = arith.cmpi eq, %iota3A, %eq3A_321 : vector<16xi32>
      %jit3A_323 = arith.constant 0 : i32
      %broadcast_in_dim3A_324 = vector.broadcast %jit3A_323 : i32 to vector<16xi32>
      %select_n3A_325 = arith.select %eq3A_322, %get3A_320, %broadcast_in_dim3A_324 : vector<16xi1>, vector<16xi32>
      %reduce_sum3A_326 = arith.constant true
      %reduce_sum3A_327 = vector.broadcast %reduce_sum3A_326 : i1 to vector<16xi1>
      %reduce_sum3A_328 = tpu.scan <sum>, %select_n3A_325 masked %reduce_sum3A_327 : vector<16xi32>, vector<16xi1> -> vector<16xi32>
      %reduce_sum3A_329 = vector.extract %reduce_sum3A_328[15] : i32 from vector<16xi32>
      %ge3A_330 = arith.constant 999936 : i32
      %ge3A_331 = arith.cmpi sge, %reduce_sum3A_307, %ge3A_330 : i32
      %sub3A_332 = arith.constant 999936 : i32
      %sub3A_333 = arith.subi %reduce_sum3A_307, %sub3A_332 : i32
      %jit3A_334 = arith.constant 128 : i32
      %div3A_335 = arith.divsi %reduce_sum3A_307, %jit3A_334 : i32
      %sign3A_336 = arith.constant 0 : i32
      %sign3A_337 = arith.cmpi sgt, %reduce_sum3A_307, %sign3A_336 : i32
      %sign3A_338 = arith.extui %sign3A_337 : i1 to i32
      %sign3A_339 = arith.constant 0 : i32
      %sign3A_340 = arith.cmpi slt, %reduce_sum3A_307, %sign3A_339 : i32
      %sign3A_341 = arith.extui %sign3A_340 : i1 to i32
      %sign3A_342 = arith.subi %sign3A_338, %sign3A_341 : i32
      %sign3A_343 = arith.constant 0 : i32
      %sign3A_344 = arith.cmpi sgt, %jit3A_334, %sign3A_343 : i32
      %sign3A_345 = arith.extui %sign3A_344 : i1 to i32
      %sign3A_346 = arith.constant 0 : i32
      %sign3A_347 = arith.cmpi slt, %jit3A_334, %sign3A_346 : i32
      %sign3A_348 = arith.extui %sign3A_347 : i1 to i32
      %sign3A_349 = arith.subi %sign3A_345, %sign3A_348 : i32
      %ne3A_350 = arith.cmpi ne, %sign3A_342, %sign3A_349 : i32
      %rem3A_351 = arith.remsi %reduce_sum3A_307, %jit3A_334 : i32
      %ne3A_352 = arith.constant 0 : i32
      %ne3A_353 = arith.cmpi ne, %rem3A_351, %ne3A_352 : i32
      %and3A_354 = arith.andi %ne3A_350, %ne3A_353 : i1
      %sub3A_355 = arith.constant 1 : i32
      %sub3A_356 = arith.subi %div3A_335, %sub3A_355 : i32
      %select_n3A_357 = arith.select %and3A_354, %sub3A_356, %div3A_335 : i32
      %mul3A_358 = arith.constant 128 : i32
      %mul3A_359 = arith.muli %select_n3A_357, %mul3A_358 : i32
      %sub3A_360 = arith.subi %reduce_sum3A_307, %mul3A_359 : i32
      %select_n3A_361 = arith.select %ge3A_331, %sub3A_333, %sub3A_360 : i32
      %ge3A_362 = arith.constant 999936 : i32
      %ge3A_363 = arith.cmpi sge, %reduce_sum3A_318, %ge3A_362 : i32
      %sub3A_364 = arith.constant 999936 : i32
      %sub3A_365 = arith.subi %reduce_sum3A_318, %sub3A_364 : i32
      %jit3A_366 = arith.constant 128 : i32
      %div3A_367 = arith.divsi %reduce_sum3A_318, %jit3A_366 : i32
      %sign3A_368 = arith.constant 0 : i32
      %sign3A_369 = arith.cmpi sgt, %reduce_sum3A_318, %sign3A_368 : i32
      %sign3A_370 = arith.extui %sign3A_369 : i1 to i32
      %sign3A_371 = arith.constant 0 : i32
      %sign3A_372 = arith.cmpi slt, %reduce_sum3A_318, %sign3A_371 : i32
      %sign3A_373 = arith.extui %sign3A_372 : i1 to i32
      %sign3A_374 = arith.subi %sign3A_370, %sign3A_373 : i32
      %sign3A_375 = arith.constant 0 : i32
      %sign3A_376 = arith.cmpi sgt, %jit3A_366, %sign3A_375 : i32
      %sign3A_377 = arith.extui %sign3A_376 : i1 to i32
      %sign3A_378 = arith.constant 0 : i32
      %sign3A_379 = arith.cmpi slt, %jit3A_366, %sign3A_378 : i32
      %sign3A_380 = arith.extui %sign3A_379 : i1 to i32
      %sign3A_381 = arith.subi %sign3A_377, %sign3A_380 : i32
      %ne3A_382 = arith.cmpi ne, %sign3A_374, %sign3A_381 : i32
      %rem3A_383 = arith.remsi %reduce_sum3A_318, %jit3A_366 : i32
      %ne3A_384 = arith.constant 0 : i32
      %ne3A_385 = arith.cmpi ne, %rem3A_383, %ne3A_384 : i32
      %and3A_386 = arith.andi %ne3A_382, %ne3A_385 : i1
      %sub3A_387 = arith.constant 1 : i32
      %sub3A_388 = arith.subi %div3A_367, %sub3A_387 : i32
      %select_n3A_389 = arith.select %and3A_386, %sub3A_388, %div3A_367 : i32
      %mul3A_390 = arith.constant 128 : i32
      %mul3A_391 = arith.muli %select_n3A_389, %mul3A_390 : i32
      %sub3A_392 = arith.subi %reduce_sum3A_318, %mul3A_391 : i32
      %select_n3A_393 = arith.select %ge3A_363, %sub3A_365, %sub3A_392 : i32
      %broadcast_in_dim3A_394 = vector.broadcast %select_n3A_361 : i32 to vector<16xi32>
      %broadcast_in_dim3A_395 = vector.broadcast %select_n3A_393 : i32 to vector<16xi32>
      %broadcast_in_dim3A_396 = vector.broadcast %reduce_sum3A_329 : i32 to vector<16xi32>
      %broadcast_in_dim3A_397 = arith.constant 0.000000e+00 : f32
      %broadcast_in_dim3A_398 = vector.broadcast %broadcast_in_dim3A_397 : f32 to vector<16xf32>
      %add3A_399 = arith.constant 0 : i32
      %add3A_400 = vector.broadcast %add3A_399 : i32 to vector<16xi32>
      %add3A_401 = arith.addi %iota3A, %add3A_400 : vector<16xi32>
      %gather3A = tpu.vector_load_idx %arg15[%add3A_401, %broadcast_in_dim3A_394] : memref<64x128xf32, #tpu.memory_space<vmem>>[vector<16xi32>, vector<16xi32>], vector<16xf32>,
      %gather3A_402 = tpu.vector_load_idx %arg19[%add3A_401, %broadcast_in_dim3A_395] : memref<64x128xf32, #tpu.memory_space<vmem>>[vector<16xi32>, vector<16xi32>], vector<16xf32>,
      %gather3A_403 = tpu.vector_load_idx %arg14[%broadcast_in_dim3A_396, %add3A_401] : memref<64x64xf32, #tpu.memory_space<vmem>>[vector<16xi32>, vector<16xi32>], vector<16xf32>,
      %mul3A_404 = arith.mulf %gather3A, %gather3A_403 : vector<16xf32>
      %mul3A_405 = arith.mulf %mul3A_404, %gather3A_402 : vector<16xf32>
      %add3A_406 = arith.addf %broadcast_in_dim3A_398, %mul3A_405 : vector<16xf32>
      %add3A_407 = arith.constant 16 : i32
      %add3A_408 = vector.broadcast %add3A_407 : i32 to vector<16xi32>
      %add3A_409 = arith.addi %iota3A, %add3A_408 : vector<16xi32>
      %gather3A_410 = tpu.vector_load_idx %arg15[%add3A_409, %broadcast_in_dim3A_394] : memref<64x128xf32, #tpu.memory_space<vmem>>[vector<16xi32>, vector<16xi32>], vector<16xf32>,
      %gather3A_411 = tpu.vector_load_idx %arg19[%add3A_409, %broadcast_in_dim3A_395] : memref<64x128xf32, #tpu.memory_space<vmem>>[vector<16xi32>, vector<16xi32>], vector<16xf32>,
      %gather3A_412 = tpu.vector_load_idx %arg14[%broadcast_in_dim3A_396, %add3A_409] : memref<64x64xf32, #tpu.memory_space<vmem>>[vector<16xi32>, vector<16xi32>], vector<16xf32>,
      %mul3A_413 = arith.mulf %gather3A_410, %gather3A_412 : vector<16xf32>
      %mul3A_414 = arith.mulf %mul3A_413, %gather3A_411 : vector<16xf32>
      %add3A_415 = arith.addf %add3A_406, %mul3A_414 : vector<16xf32>
      %add3A_416 = arith.constant 32 : i32
      %add3A_417 = vector.broadcast %add3A_416 : i32 to vector<16xi32>
      %add3A_418 = arith.addi %iota3A, %add3A_417 : vector<16xi32>
      %gather3A_419 = tpu.vector_load_idx %arg15[%add3A_418, %broadcast_in_dim3A_394] : memref<64x128xf32, #tpu.memory_space<vmem>>[vector<16xi32>, vector<16xi32>], vector<16xf32>,
      %gather3A_420 = tpu.vector_load_idx %arg19[%add3A_418, %broadcast_in_dim3A_395] : memref<64x128xf32, #tpu.memory_space<vmem>>[vector<16xi32>, vector<16xi32>], vector<16xf32>,
      %gather3A_421 = tpu.vector_load_idx %arg14[%broadcast_in_dim3A_396, %add3A_418] : memref<64x64xf32, #tpu.memory_space<vmem>>[vector<16xi32>, vector<16xi32>], vector<16xf32>,
      %mul3A_422 = arith.mulf %gather3A_419, %gather3A_421 : vector<16xf32>
      %mul3A_423 = arith.mulf %mul3A_422, %gather3A_420 : vector<16xf32>
      %add3A_424 = arith.addf %add3A_415, %mul3A_423 : vector<16xf32>
      %add3A_425 = arith.constant 48 : i32
      %add3A_426 = vector.broadcast %add3A_425 : i32 to vector<16xi32>
      %add3A_427 = arith.addi %iota3A, %add3A_426 : vector<16xi32>
      %gather3A_428 = tpu.vector_load_idx %arg15[%add3A_427, %broadcast_in_dim3A_394] : memref<64x128xf32, #tpu.memory_space<vmem>>[vector<16xi32>, vector<16xi32>], vector<16xf32>,
      %gather3A_429 = tpu.vector_load_idx %arg19[%add3A_427, %broadcast_in_dim3A_395] : memref<64x128xf32, #tpu.memory_space<vmem>>[vector<16xi32>, vector<16xi32>], vector<16xf32>,
      %gather3A_430 = tpu.vector_load_idx %arg14[%broadcast_in_dim3A_396, %add3A_427] : memref<64x64xf32, #tpu.memory_space<vmem>>[vector<16xi32>, vector<16xi32>], vector<16xf32>,
      %mul3A_431 = arith.mulf %gather3A_428, %gather3A_430 : vector<16xf32>
      %mul3A_432 = arith.mulf %mul3A_431, %gather3A_429 : vector<16xf32>
      %add3A_433 = arith.addf %add3A_424, %mul3A_432 : vector<16xf32>
      %reduce_sum3A_434 = arith.constant true
      %reduce_sum3A_435 = vector.broadcast %reduce_sum3A_434 : i1 to vector<16xi1>
      %reduce_sum3A_436 = tpu.scan <sum>, %add3A_433 masked %reduce_sum3A_435 : vector<16xf32>, vector<16xi1> -> vector<16xf32>
      %reduce_sum3A_437 = vector.extract %reduce_sum3A_436[15] : f32 from vector<16xf32>
      %eq3A_438 = vector.broadcast %sub3A_296 : i32 to vector<16xi32>
      %eq3A_439 = arith.cmpi eq, %iota3A, %eq3A_438 : vector<16xi32>
      %get3A_440 = arith.index_cast %mul3A_295 : i32 to index
      %get3A_441 = tpu.vector_load %arg25[%get3A_440] {strides = array<i32>} : memref<128xf32, #tpu.memory_space<vmem>>, vector<16xf32>,
      %broadcast_in_dim3A_442 = vector.broadcast %reduce_sum3A_437 : f32 to vector<16xf32>
      %select_n3A_443 = arith.select %eq3A_439, %broadcast_in_dim3A_442, %get3A_441 : vector<16xi1>, vector<16xf32>
      %swap3A_444 = arith.index_cast %mul3A_295 : i32 to index
      %swap3A_445 = tpu.vector_load %arg25[%swap3A_444] {strides = array<i32>} : memref<128xf32, #tpu.memory_space<vmem>>, vector<16xf32>,
      tpu.vector_store %arg25[%swap3A_444], %select_n3A_443 {strides = array<i32>} : memref<128xf32, #tpu.memory_space<vmem>>, vector<16xf32>,
      %add3A_446 = arith.constant 1 : i32
      %add3A_447 = arith.addi %scan3A_259, %add3A_446 : i32
      %lt3A_448 = arith.constant 32 : i32
      %lt3A_449 = arith.cmpi slt, %add3A_447, %lt3A_448 : i32
      %convert_element_type3A_450 = arith.extui %lt3A_449 : i1 to i32
      %cond3A_451 = arith.constant 0 : i32
      %cond3A_452 = arith.cmpi ne, %convert_element_type3A_450, %cond3A_451 : i32
      scf.if %cond3A_452 {
        %add3A_1053 = arith.constant 4 : i32
        %add3A_1054 = arith.addi %add3A_263, %add3A_1053 : i32
        %jit3A_1055 = arith.constant 16 : i32
        %div3A_1056 = arith.divsi %add3A_1054, %jit3A_1055 : i32
        %sign3A_1057 = arith.constant 0 : i32
        %sign3A_1058 = arith.cmpi sgt, %add3A_1054, %sign3A_1057 : i32
        %sign3A_1059 = arith.extui %sign3A_1058 : i1 to i32
        %sign3A_1060 = arith.constant 0 : i32
        %sign3A_1061 = arith.cmpi slt, %add3A_1054, %sign3A_1060 : i32
        %sign3A_1062 = arith.extui %sign3A_1061 : i1 to i32
        %sign3A_1063 = arith.subi %sign3A_1059, %sign3A_1062 : i32
        %sign3A_1064 = arith.constant 0 : i32
        %sign3A_1065 = arith.cmpi sgt, %jit3A_1055, %sign3A_1064 : i32
        %sign3A_1066 = arith.extui %sign3A_1065 : i1 to i32
        %sign3A_1067 = arith.constant 0 : i32
        %sign3A_1068 = arith.cmpi slt, %jit3A_1055, %sign3A_1067 : i32
        %sign3A_1069 = arith.extui %sign3A_1068 : i1 to i32
        %sign3A_1070 = arith.subi %sign3A_1066, %sign3A_1069 : i32
        %ne3A_1071 = arith.cmpi ne, %sign3A_1063, %sign3A_1070 : i32
        %rem3A_1072 = arith.remsi %add3A_1054, %jit3A_1055 : i32
        %ne3A_1073 = arith.constant 0 : i32
        %ne3A_1074 = arith.cmpi ne, %rem3A_1072, %ne3A_1073 : i32
        %and3A_1075 = arith.andi %ne3A_1071, %ne3A_1074 : i1
        %sub3A_1076 = arith.constant 1 : i32
        %sub3A_1077 = arith.subi %div3A_1056, %sub3A_1076 : i32
        %select_n3A_1078 = arith.select %and3A_1075, %sub3A_1077, %div3A_1056 : i32
        %mul3A_1079 = arith.constant 16 : i32
        %mul3A_1080 = arith.muli %select_n3A_1078, %mul3A_1079 : i32
        %sub3A_1081 = arith.subi %add3A_1054, %mul3A_1080 : i32
        %get3A_1082 = arith.index_cast %mul3A_1080 : i32 to index
        %get3A_1083 = tpu.vector_load %arg11[%get3A_1082] {strides = array<i32>} : memref<128xi32, #tpu.memory_space<vmem>>, vector<16xi32>,
        %get3A_1084 = arith.index_cast %mul3A_1080 : i32 to index
        %get3A_1085 = tpu.vector_load %arg13[%get3A_1084] {strides = array<i32>} : memref<128xi32, #tpu.memory_space<vmem>>, vector<16xi32>,
        %eq3A_1086 = vector.broadcast %sub3A_1081 : i32 to vector<16xi32>
        %eq3A_1087 = arith.cmpi eq, %iota3A, %eq3A_1086 : vector<16xi32>
        %jit3A_1088 = arith.constant 0 : i32
        %broadcast_in_dim3A_1089 = vector.broadcast %jit3A_1088 : i32 to vector<16xi32>
        %select_n3A_1090 = arith.select %eq3A_1087, %get3A_1083, %broadcast_in_dim3A_1089 : vector<16xi1>, vector<16xi32>
        %reduce_sum3A_1091 = arith.constant true
        %reduce_sum3A_1092 = vector.broadcast %reduce_sum3A_1091 : i1 to vector<16xi1>
        %reduce_sum3A_1093 = tpu.scan <sum>, %select_n3A_1090 masked %reduce_sum3A_1092 : vector<16xi32>, vector<16xi1> -> vector<16xi32>
        %reduce_sum3A_1094 = vector.extract %reduce_sum3A_1093[15] : i32 from vector<16xi32>
        %eq3A_1095 = vector.broadcast %sub3A_1081 : i32 to vector<16xi32>
        %eq3A_1096 = arith.cmpi eq, %iota3A, %eq3A_1095 : vector<16xi32>
        %jit3A_1097 = arith.constant 0 : i32
        %broadcast_in_dim3A_1098 = vector.broadcast %jit3A_1097 : i32 to vector<16xi32>
        %select_n3A_1099 = arith.select %eq3A_1096, %get3A_1085, %broadcast_in_dim3A_1098 : vector<16xi1>, vector<16xi32>
        %reduce_sum3A_1100 = arith.constant true
        %reduce_sum3A_1101 = vector.broadcast %reduce_sum3A_1100 : i1 to vector<16xi1>
        %reduce_sum3A_1102 = tpu.scan <sum>, %select_n3A_1099 masked %reduce_sum3A_1101 : vector<16xi32>, vector<16xi1> -> vector<16xi32>
        %reduce_sum3A_1103 = vector.extract %reduce_sum3A_1102[15] : i32 from vector<16xi32>
        %lt3A_1104 = arith.constant 999936 : i32
        %lt3A_1105 = arith.cmpi slt, %reduce_sum3A_1094, %lt3A_1104 : i32
        %convert_element_type3A_1106 = arith.extui %lt3A_1105 : i1 to i32
        %cond3A_1107 = arith.constant 0 : i32
        %cond3A_1108 = arith.cmpi ne, %convert_element_type3A_1106, %cond3A_1107 : i32
        scf.if %cond3A_1108 {
          %jit3A_1124 = arith.constant 128 : i32
          %div3A_1125 = arith.divsi %reduce_sum3A_1094, %jit3A_1124 : i32
          %sign3A_1126 = arith.constant 0 : i32
          %sign3A_1127 = arith.cmpi sgt, %reduce_sum3A_1094, %sign3A_1126 : i32
          %sign3A_1128 = arith.extui %sign3A_1127 : i1 to i32
          %sign3A_1129 = arith.constant 0 : i32
          %sign3A_1130 = arith.cmpi slt, %reduce_sum3A_1094, %sign3A_1129 : i32
          %sign3A_1131 = arith.extui %sign3A_1130 : i1 to i32
          %sign3A_1132 = arith.subi %sign3A_1128, %sign3A_1131 : i32
          %sign3A_1133 = arith.constant 0 : i32
          %sign3A_1134 = arith.cmpi sgt, %jit3A_1124, %sign3A_1133 : i32
          %sign3A_1135 = arith.extui %sign3A_1134 : i1 to i32
          %sign3A_1136 = arith.constant 0 : i32
          %sign3A_1137 = arith.cmpi slt, %jit3A_1124, %sign3A_1136 : i32
          %sign3A_1138 = arith.extui %sign3A_1137 : i1 to i32
          %sign3A_1139 = arith.subi %sign3A_1135, %sign3A_1138 : i32
          %ne3A_1140 = arith.cmpi ne, %sign3A_1132, %sign3A_1139 : i32
          %rem3A_1141 = arith.remsi %reduce_sum3A_1094, %jit3A_1124 : i32
          %ne3A_1142 = arith.constant 0 : i32
          %ne3A_1143 = arith.cmpi ne, %rem3A_1141, %ne3A_1142 : i32
          %and3A_1144 = arith.andi %ne3A_1140, %ne3A_1143 : i1
          %sub3A_1145 = arith.constant 1 : i32
          %sub3A_1146 = arith.subi %div3A_1125, %sub3A_1145 : i32
          %select_n3A_1147 = arith.select %and3A_1144, %sub3A_1146, %div3A_1125 : i32
          %mul3A_1148 = arith.constant 128 : i32
          %mul3A_1149 = arith.muli %select_n3A_1147, %mul3A_1148 : i32
          %multiple_of3A = tpu.assume_multiple %mul3A_1149, 128 : i32
          %dma_start3A_1150 = arith.constant 0 : i32
          %dma_start3A_1151 = tpu.memref_slice %arg5[%dma_start3A_1150, %multiple_of3A] : memref<64x1000000xf32, #tpu.memory_space<hbm>> -> memref<64x128xf32, #tpu.memory_space<hbm>>
          %dma_start3A_1152 = arith.constant 0 : i32
          %dma_start3A_1153 = tpu.memref_slice %arg5[%dma_start3A_1152, %multiple_of3A] : memref<64x1000000xf32, #tpu.memory_space<hbm>> -> memref<64x128xf32, #tpu.memory_space<hbm>>
          tpu.enqueue_dma source(%dma_start3A_1153 : memref<64x128xf32, #tpu.memory_space<hbm>>) target(%arg15 : memref<64x128xf32, #tpu.memory_space<vmem>>) target_semaphore(%arg26 : memref<!tpu.dma_semaphore, #tpu.memory_space<semaphore_mem>>)
        } else {
        }
        %ge3A_1109 = arith.constant 999936 : i32
        %ge3A_1110 = arith.cmpi sge, %reduce_sum3A_1094, %ge3A_1109 : i32
        %convert_element_type3A_1111 = arith.extui %ge3A_1110 : i1 to i32
        %cond3A_1112 = arith.constant 0 : i32
        %cond3A_1113 = arith.cmpi ne, %convert_element_type3A_1111, %cond3A_1112 : i32
        scf.if %cond3A_1113 {
          tpu.enqueue_dma source(%arg6 : memref<64x128xf32, #tpu.memory_space<hbm>>) target(%arg15 : memref<64x128xf32, #tpu.memory_space<vmem>>) target_semaphore(%arg26 : memref<!tpu.dma_semaphore, #tpu.memory_space<semaphore_mem>>)
        } else {
        }
        %lt3A_1114 = arith.constant 999936 : i32
        %lt3A_1115 = arith.cmpi slt, %reduce_sum3A_1103, %lt3A_1114 : i32
        %convert_element_type3A_1116 = arith.extui %lt3A_1115 : i1 to i32
        %cond3A_1117 = arith.constant 0 : i32
        %cond3A_1118 = arith.cmpi ne, %convert_element_type3A_1116, %cond3A_1117 : i32
        scf.if %cond3A_1118 {
          %jit3A_1124 = arith.constant 128 : i32
          %div3A_1125 = arith.divsi %reduce_sum3A_1103, %jit3A_1124 : i32
          %sign3A_1126 = arith.constant 0 : i32
          %sign3A_1127 = arith.cmpi sgt, %reduce_sum3A_1103, %sign3A_1126 : i32
          %sign3A_1128 = arith.extui %sign3A_1127 : i1 to i32
          %sign3A_1129 = arith.constant 0 : i32
          %sign3A_1130 = arith.cmpi slt, %reduce_sum3A_1103, %sign3A_1129 : i32
          %sign3A_1131 = arith.extui %sign3A_1130 : i1 to i32
          %sign3A_1132 = arith.subi %sign3A_1128, %sign3A_1131 : i32
          %sign3A_1133 = arith.constant 0 : i32
          %sign3A_1134 = arith.cmpi sgt, %jit3A_1124, %sign3A_1133 : i32
          %sign3A_1135 = arith.extui %sign3A_1134 : i1 to i32
          %sign3A_1136 = arith.constant 0 : i32
          %sign3A_1137 = arith.cmpi slt, %jit3A_1124, %sign3A_1136 : i32
          %sign3A_1138 = arith.extui %sign3A_1137 : i1 to i32
          %sign3A_1139 = arith.subi %sign3A_1135, %sign3A_1138 : i32
          %ne3A_1140 = arith.cmpi ne, %sign3A_1132, %sign3A_1139 : i32
          %rem3A_1141 = arith.remsi %reduce_sum3A_1103, %jit3A_1124 : i32
          %ne3A_1142 = arith.constant 0 : i32
          %ne3A_1143 = arith.cmpi ne, %rem3A_1141, %ne3A_1142 : i32
          %and3A_1144 = arith.andi %ne3A_1140, %ne3A_1143 : i1
          %sub3A_1145 = arith.constant 1 : i32
          %sub3A_1146 = arith.subi %div3A_1125, %sub3A_1145 : i32
          %select_n3A_1147 = arith.select %and3A_1144, %sub3A_1146, %div3A_1125 : i32
          %mul3A_1148 = arith.constant 128 : i32
          %mul3A_1149 = arith.muli %select_n3A_1147, %mul3A_1148 : i32
          %multiple_of3A = tpu.assume_multiple %mul3A_1149, 128 : i32
          %dma_start3A_1150 = arith.constant 0 : i32
          %dma_start3A_1151 = tpu.memref_slice %arg5[%dma_start3A_1150, %multiple_of3A] : memref<64x1000000xf32, #tpu.memory_space<hbm>> -> memref<64x128xf32, #tpu.memory_space<hbm>>
          %dma_start3A_1152 = arith.constant 0 : i32
          %dma_start3A_1153 = tpu.memref_slice %arg5[%dma_start3A_1152, %multiple_of3A] : memref<64x1000000xf32, #tpu.memory_space<hbm>> -> memref<64x128xf32, #tpu.memory_space<hbm>>
          tpu.enqueue_dma source(%dma_start3A_1153 : memref<64x128xf32, #tpu.memory_space<hbm>>) target(%arg19 : memref<64x128xf32, #tpu.memory_space<vmem>>) target_semaphore(%arg26 : memref<!tpu.dma_semaphore, #tpu.memory_space<semaphore_mem>>)
        } else {
        }
        %ge3A_1119 = arith.constant 999936 : i32
        %ge3A_1120 = arith.cmpi sge, %reduce_sum3A_1103, %ge3A_1119 : i32
        %convert_element_type3A_1121 = arith.extui %ge3A_1120 : i1 to i32
        %cond3A_1122 = arith.constant 0 : i32
        %cond3A_1123 = arith.cmpi ne, %convert_element_type3A_1121, %cond3A_1122 : i32
        scf.if %cond3A_1123 {
          tpu.enqueue_dma source(%arg6 : memref<64x128xf32, #tpu.memory_space<hbm>>) target(%arg19 : memref<64x128xf32, #tpu.memory_space<vmem>>) target_semaphore(%arg26 : memref<!tpu.dma_semaphore, #tpu.memory_space<semaphore_mem>>)
        } else {
        }
      } else {
      }
      %mul3A_453 = arith.constant 4 : i32
      %mul3A_454 = arith.muli %scan3A_259, %mul3A_453 : i32
      %add3A_455 = arith.constant 1 : i32
      %add3A_456 = arith.addi %mul3A_454, %add3A_455 : i32
      %dma_wait3A_457 = arith.constant 0 : i32
      %dma_wait3A_458 = arith.constant 0 : i32
      %dma_wait3A_459 = tpu.memref_slice %arg5[%dma_wait3A_457, %dma_wait3A_458] : memref<64x1000000xf32, #tpu.memory_space<hbm>> -> memref<64x128xf32, #tpu.memory_space<hbm>>
      %dma_wait3A_460 = arith.constant 0 : i32
      %dma_wait3A_461 = arith.constant 0 : i32
      %dma_wait3A_462 = tpu.memref_slice %arg5[%dma_wait3A_460, %dma_wait3A_461] : memref<64x1000000xf32, #tpu.memory_space<hbm>> -> memref<64x128xf32, #tpu.memory_space<hbm>>
      tpu.wait_dma2 semaphore(%arg27 : memref<!tpu.dma_semaphore, #tpu.memory_space<semaphore_mem>>) src(%dma_wait3A_462 : memref<64x128xf32, #tpu.memory_space<hbm>>) dst(%arg16 : memref<64x128xf32, #tpu.memory_space<vmem>>)
      %dma_wait3A_463 = arith.constant 0 : i32
      %dma_wait3A_464 = arith.constant 0 : i32
      %dma_wait3A_465 = tpu.memref_slice %arg5[%dma_wait3A_463, %dma_wait3A_464] : memref<64x1000000xf32, #tpu.memory_space<hbm>> -> memref<64x128xf32, #tpu.memory_space<hbm>>
      %dma_wait3A_466 = arith.constant 0 : i32
      %dma_wait3A_467 = arith.constant 0 : i32
      %dma_wait3A_468 = tpu.memref_slice %arg5[%dma_wait3A_466, %dma_wait3A_467] : memref<64x1000000xf32, #tpu.memory_space<hbm>> -> memref<64x128xf32, #tpu.memory_space<hbm>>
      tpu.wait_dma2 semaphore(%arg27 : memref<!tpu.dma_semaphore, #tpu.memory_space<semaphore_mem>>) src(%dma_wait3A_468 : memref<64x128xf32, #tpu.memory_space<hbm>>) dst(%arg20 : memref<64x128xf32, #tpu.memory_space<vmem>>)
      %jit3A_469 = arith.constant 16 : i32
      %div3A_470 = arith.divsi %add3A_456, %jit3A_469 : i32
      %sign3A_471 = arith.constant 0 : i32
      %sign3A_472 = arith.cmpi sgt, %add3A_456, %sign3A_471 : i32
      %sign3A_473 = arith.extui %sign3A_472 : i1 to i32
      %sign3A_474 = arith.constant 0 : i32
      %sign3A_475 = arith.cmpi slt, %add3A_456, %sign3A_474 : i32
      %sign3A_476 = arith.extui %sign3A_475 : i1 to i32
      %sign3A_477 = arith.subi %sign3A_473, %sign3A_476 : i32
      %sign3A_478 = arith.constant 0 : i32
      %sign3A_479 = arith.cmpi sgt, %jit3A_469, %sign3A_478 : i32
      %sign3A_480 = arith.extui %sign3A_479 : i1 to i32
      %sign3A_481 = arith.constant 0 : i32
      %sign3A_482 = arith.cmpi slt, %jit3A_469, %sign3A_481 : i32
      %sign3A_483 = arith.extui %sign3A_482 : i1 to i32
      %sign3A_484 = arith.subi %sign3A_480, %sign3A_483 : i32
      %ne3A_485 = arith.cmpi ne, %sign3A_477, %sign3A_484 : i32
      %rem3A_486 = arith.remsi %add3A_456, %jit3A_469 : i32
      %ne3A_487 = arith.constant 0 : i32
      %ne3A_488 = arith.cmpi ne, %rem3A_486, %ne3A_487 : i32
      %and3A_489 = arith.andi %ne3A_485, %ne3A_488 : i1
      %sub3A_490 = arith.constant 1 : i32
      %sub3A_491 = arith.subi %div3A_470, %sub3A_490 : i32
      %select_n3A_492 = arith.select %and3A_489, %sub3A_491, %div3A_470 : i32
      %mul3A_493 = arith.constant 16 : i32
      %mul3A_494 = arith.muli %select_n3A_492, %mul3A_493 : i32
      %sub3A_495 = arith.subi %add3A_456, %mul3A_494 : i32
      %get3A_496 = arith.index_cast %mul3A_494 : i32 to index
      %get3A_497 = tpu.vector_load %arg11[%get3A_496] {strides = array<i32>} : memref<128xi32, #tpu.memory_space<vmem>>, vector<16xi32>,
      %eq3A_498 = vector.broadcast %sub3A_495 : i32 to vector<16xi32>
      %eq3A_499 = arith.cmpi eq, %iota3A, %eq3A_498 : vector<16xi32>
      %jit3A_500 = arith.constant 0 : i32
      %broadcast_in_dim3A_501 = vector.broadcast %jit3A_500 : i32 to vector<16xi32>
      %select_n3A_502 = arith.select %eq3A_499, %get3A_497, %broadcast_in_dim3A_501 : vector<16xi1>, vector<16xi32>
      %reduce_sum3A_503 = arith.constant true
      %reduce_sum3A_504 = vector.broadcast %reduce_sum3A_503 : i1 to vector<16xi1>
      %reduce_sum3A_505 = tpu.scan <sum>, %select_n3A_502 masked %reduce_sum3A_504 : vector<16xi32>, vector<16xi1> -> vector<16xi32>
      %reduce_sum3A_506 = vector.extract %reduce_sum3A_505[15] : i32 from vector<16xi32>
      %get3A_507 = arith.index_cast %mul3A_494 : i32 to index
      %get3A_508 = tpu.vector_load %arg13[%get3A_507] {strides = array<i32>} : memref<128xi32, #tpu.memory_space<vmem>>, vector<16xi32>,
      %eq3A_509 = vector.broadcast %sub3A_495 : i32 to vector<16xi32>
      %eq3A_510 = arith.cmpi eq, %iota3A, %eq3A_509 : vector<16xi32>
      %jit3A_511 = arith.constant 0 : i32
      %broadcast_in_dim3A_512 = vector.broadcast %jit3A_511 : i32 to vector<16xi32>
      %select_n3A_513 = arith.select %eq3A_510, %get3A_508, %broadcast_in_dim3A_512 : vector<16xi1>, vector<16xi32>
      %reduce_sum3A_514 = arith.constant true
      %reduce_sum3A_515 = vector.broadcast %reduce_sum3A_514 : i1 to vector<16xi1>
      %reduce_sum3A_516 = tpu.scan <sum>, %select_n3A_513 masked %reduce_sum3A_515 : vector<16xi32>, vector<16xi1> -> vector<16xi32>
      %reduce_sum3A_517 = vector.extract %reduce_sum3A_516[15] : i32 from vector<16xi32>
      %get3A_518 = arith.index_cast %mul3A_494 : i32 to index
      %get3A_519 = tpu.vector_load %arg12[%get3A_518] {strides = array<i32>} : memref<128xi32, #tpu.memory_space<vmem>>, vector<16xi32>,
      %eq3A_520 = vector.broadcast %sub3A_495 : i32 to vector<16xi32>
      %eq3A_521 = arith.cmpi eq, %iota3A, %eq3A_520 : vector<16xi32>
      %jit3A_522 = arith.constant 0 : i32
      %broadcast_in_dim3A_523 = vector.broadcast %jit3A_522 : i32 to vector<16xi32>
      %select_n3A_524 = arith.select %eq3A_521, %get3A_519, %broadcast_in_dim3A_523 : vector<16xi1>, vector<16xi32>
      %reduce_sum3A_525 = arith.constant true
      %reduce_sum3A_526 = vector.broadcast %reduce_sum3A_525 : i1 to vector<16xi1>
      %reduce_sum3A_527 = tpu.scan <sum>, %select_n3A_524 masked %reduce_sum3A_526 : vector<16xi32>, vector<16xi1> -> vector<16xi32>
      %reduce_sum3A_528 = vector.extract %reduce_sum3A_527[15] : i32 from vector<16xi32>
      %ge3A_529 = arith.constant 999936 : i32
      %ge3A_530 = arith.cmpi sge, %reduce_sum3A_506, %ge3A_529 : i32
      %sub3A_531 = arith.constant 999936 : i32
      %sub3A_532 = arith.subi %reduce_sum3A_506, %sub3A_531 : i32
      %jit3A_533 = arith.constant 128 : i32
      %div3A_534 = arith.divsi %reduce_sum3A_506, %jit3A_533 : i32
      %sign3A_535 = arith.constant 0 : i32
      %sign3A_536 = arith.cmpi sgt, %reduce_sum3A_506, %sign3A_535 : i32
      %sign3A_537 = arith.extui %sign3A_536 : i1 to i32
      %sign3A_538 = arith.constant 0 : i32
      %sign3A_539 = arith.cmpi slt, %reduce_sum3A_506, %sign3A_538 : i32
      %sign3A_540 = arith.extui %sign3A_539 : i1 to i32
      %sign3A_541 = arith.subi %sign3A_537, %sign3A_540 : i32
      %sign3A_542 = arith.constant 0 : i32
      %sign3A_543 = arith.cmpi sgt, %jit3A_533, %sign3A_542 : i32
      %sign3A_544 = arith.extui %sign3A_543 : i1 to i32
      %sign3A_545 = arith.constant 0 : i32
      %sign3A_546 = arith.cmpi slt, %jit3A_533, %sign3A_545 : i32
      %sign3A_547 = arith.extui %sign3A_546 : i1 to i32
      %sign3A_548 = arith.subi %sign3A_544, %sign3A_547 : i32
      %ne3A_549 = arith.cmpi ne, %sign3A_541, %sign3A_548 : i32
      %rem3A_550 = arith.remsi %reduce_sum3A_506, %jit3A_533 : i32
      %ne3A_551 = arith.constant 0 : i32
      %ne3A_552 = arith.cmpi ne, %rem3A_550, %ne3A_551 : i32
      %and3A_553 = arith.andi %ne3A_549, %ne3A_552 : i1
      %sub3A_554 = arith.constant 1 : i32
      %sub3A_555 = arith.subi %div3A_534, %sub3A_554 : i32
      %select_n3A_556 = arith.select %and3A_553, %sub3A_555, %div3A_534 : i32
      %mul3A_557 = arith.constant 128 : i32
      %mul3A_558 = arith.muli %select_n3A_556, %mul3A_557 : i32
      %sub3A_559 = arith.subi %reduce_sum3A_506, %mul3A_558 : i32
      %select_n3A_560 = arith.select %ge3A_530, %sub3A_532, %sub3A_559 : i32
      %ge3A_561 = arith.constant 999936 : i32
      %ge3A_562 = arith.cmpi sge, %reduce_sum3A_517, %ge3A_561 : i32
      %sub3A_563 = arith.constant 999936 : i32
      %sub3A_564 = arith.subi %reduce_sum3A_517, %sub3A_563 : i32
      %jit3A_565 = arith.constant 128 : i32
      %div3A_566 = arith.divsi %reduce_sum3A_517, %jit3A_565 : i32
      %sign3A_567 = arith.constant 0 : i32
      %sign3A_568 = arith.cmpi sgt, %reduce_sum3A_517, %sign3A_567 : i32
      %sign3A_569 = arith.extui %sign3A_568 : i1 to i32
      %sign3A_570 = arith.constant 0 : i32
      %sign3A_571 = arith.cmpi slt, %reduce_sum3A_517, %sign3A_570 : i32
      %sign3A_572 = arith.extui %sign3A_571 : i1 to i32
      %sign3A_573 = arith.subi %sign3A_569, %sign3A_572 : i32
      %sign3A_574 = arith.constant 0 : i32
      %sign3A_575 = arith.cmpi sgt, %jit3A_565, %sign3A_574 : i32
      %sign3A_576 = arith.extui %sign3A_575 : i1 to i32
      %sign3A_577 = arith.constant 0 : i32
      %sign3A_578 = arith.cmpi slt, %jit3A_565, %sign3A_577 : i32
      %sign3A_579 = arith.extui %sign3A_578 : i1 to i32
      %sign3A_580 = arith.subi %sign3A_576, %sign3A_579 : i32
      %ne3A_581 = arith.cmpi ne, %sign3A_573, %sign3A_580 : i32
      %rem3A_582 = arith.remsi %reduce_sum3A_517, %jit3A_565 : i32
      %ne3A_583 = arith.constant 0 : i32
      %ne3A_584 = arith.cmpi ne, %rem3A_582, %ne3A_583 : i32
      %and3A_585 = arith.andi %ne3A_581, %ne3A_584 : i1
      %sub3A_586 = arith.constant 1 : i32
      %sub3A_587 = arith.subi %div3A_566, %sub3A_586 : i32
      %select_n3A_588 = arith.select %and3A_585, %sub3A_587, %div3A_566 : i32
      %mul3A_589 = arith.constant 128 : i32
      %mul3A_590 = arith.muli %select_n3A_588, %mul3A_589 : i32
      %sub3A_591 = arith.subi %reduce_sum3A_517, %mul3A_590 : i32
      %select_n3A_592 = arith.select %ge3A_562, %sub3A_564, %sub3A_591 : i32
      %broadcast_in_dim3A_593 = vector.broadcast %select_n3A_560 : i32 to vector<16xi32>
      %broadcast_in_dim3A_594 = vector.broadcast %select_n3A_592 : i32 to vector<16xi32>
      %broadcast_in_dim3A_595 = vector.broadcast %reduce_sum3A_528 : i32 to vector<16xi32>
      %broadcast_in_dim3A_596 = arith.constant 0.000000e+00 : f32
      %broadcast_in_dim3A_597 = vector.broadcast %broadcast_in_dim3A_596 : f32 to vector<16xf32>
      %add3A_598 = arith.constant 0 : i32
      %add3A_599 = vector.broadcast %add3A_598 : i32 to vector<16xi32>
      %add3A_600 = arith.addi %iota3A, %add3A_599 : vector<16xi32>
      %gather3A_601 = tpu.vector_load_idx %arg16[%add3A_600, %broadcast_in_dim3A_593] : memref<64x128xf32, #tpu.memory_space<vmem>>[vector<16xi32>, vector<16xi32>], vector<16xf32>,
      %gather3A_602 = tpu.vector_load_idx %arg20[%add3A_600, %broadcast_in_dim3A_594] : memref<64x128xf32, #tpu.memory_space<vmem>>[vector<16xi32>, vector<16xi32>], vector<16xf32>,
      %gather3A_603 = tpu.vector_load_idx %arg14[%broadcast_in_dim3A_595, %add3A_600] : memref<64x64xf32, #tpu.memory_space<vmem>>[vector<16xi32>, vector<16xi32>], vector<16xf32>,
      %mul3A_604 = arith.mulf %gather3A_601, %gather3A_603 : vector<16xf32>
      %mul3A_605 = arith.mulf %mul3A_604, %gather3A_602 : vector<16xf32>
      %add3A_606 = arith.addf %broadcast_in_dim3A_597, %mul3A_605 : vector<16xf32>
      %add3A_607 = arith.constant 16 : i32
      %add3A_608 = vector.broadcast %add3A_607 : i32 to vector<16xi32>
      %add3A_609 = arith.addi %iota3A, %add3A_608 : vector<16xi32>
      %gather3A_610 = tpu.vector_load_idx %arg16[%add3A_609, %broadcast_in_dim3A_593] : memref<64x128xf32, #tpu.memory_space<vmem>>[vector<16xi32>, vector<16xi32>], vector<16xf32>,
      %gather3A_611 = tpu.vector_load_idx %arg20[%add3A_609, %broadcast_in_dim3A_594] : memref<64x128xf32, #tpu.memory_space<vmem>>[vector<16xi32>, vector<16xi32>], vector<16xf32>,
      %gather3A_612 = tpu.vector_load_idx %arg14[%broadcast_in_dim3A_595, %add3A_609] : memref<64x64xf32, #tpu.memory_space<vmem>>[vector<16xi32>, vector<16xi32>], vector<16xf32>,
      %mul3A_613 = arith.mulf %gather3A_610, %gather3A_612 : vector<16xf32>
      %mul3A_614 = arith.mulf %mul3A_613, %gather3A_611 : vector<16xf32>
      %add3A_615 = arith.addf %add3A_606, %mul3A_614 : vector<16xf32>
      %add3A_616 = arith.constant 32 : i32
      %add3A_617 = vector.broadcast %add3A_616 : i32 to vector<16xi32>
      %add3A_618 = arith.addi %iota3A, %add3A_617 : vector<16xi32>
      %gather3A_619 = tpu.vector_load_idx %arg16[%add3A_618, %broadcast_in_dim3A_593] : memref<64x128xf32, #tpu.memory_space<vmem>>[vector<16xi32>, vector<16xi32>], vector<16xf32>,
      %gather3A_620 = tpu.vector_load_idx %arg20[%add3A_618, %broadcast_in_dim3A_594] : memref<64x128xf32, #tpu.memory_space<vmem>>[vector<16xi32>, vector<16xi32>], vector<16xf32>,
      %gather3A_621 = tpu.vector_load_idx %arg14[%broadcast_in_dim3A_595, %add3A_618] : memref<64x64xf32, #tpu.memory_space<vmem>>[vector<16xi32>, vector<16xi32>], vector<16xf32>,
      %mul3A_622 = arith.mulf %gather3A_619, %gather3A_621 : vector<16xf32>
      %mul3A_623 = arith.mulf %mul3A_622, %gather3A_620 : vector<16xf32>
      %add3A_624 = arith.addf %add3A_615, %mul3A_623 : vector<16xf32>
      %add3A_625 = arith.constant 48 : i32
      %add3A_626 = vector.broadcast %add3A_625 : i32 to vector<16xi32>
      %add3A_627 = arith.addi %iota3A, %add3A_626 : vector<16xi32>
      %gather3A_628 = tpu.vector_load_idx %arg16[%add3A_627, %broadcast_in_dim3A_593] : memref<64x128xf32, #tpu.memory_space<vmem>>[vector<16xi32>, vector<16xi32>], vector<16xf32>,
      %gather3A_629 = tpu.vector_load_idx %arg20[%add3A_627, %broadcast_in_dim3A_594] : memref<64x128xf32, #tpu.memory_space<vmem>>[vector<16xi32>, vector<16xi32>], vector<16xf32>,
      %gather3A_630 = tpu.vector_load_idx %arg14[%broadcast_in_dim3A_595, %add3A_627] : memref<64x64xf32, #tpu.memory_space<vmem>>[vector<16xi32>, vector<16xi32>], vector<16xf32>,
      %mul3A_631 = arith.mulf %gather3A_628, %gather3A_630 : vector<16xf32>
      %mul3A_632 = arith.mulf %mul3A_631, %gather3A_629 : vector<16xf32>
      %add3A_633 = arith.addf %add3A_624, %mul3A_632 : vector<16xf32>
      %reduce_sum3A_634 = arith.constant true
      %reduce_sum3A_635 = vector.broadcast %reduce_sum3A_634 : i1 to vector<16xi1>
      %reduce_sum3A_636 = tpu.scan <sum>, %add3A_633 masked %reduce_sum3A_635 : vector<16xf32>, vector<16xi1> -> vector<16xf32>
      %reduce_sum3A_637 = vector.extract %reduce_sum3A_636[15] : f32 from vector<16xf32>
      %eq3A_638 = vector.broadcast %sub3A_495 : i32 to vector<16xi32>
      %eq3A_639 = arith.cmpi eq, %iota3A, %eq3A_638 : vector<16xi32>
      %get3A_640 = arith.index_cast %mul3A_494 : i32 to index
      %get3A_641 = tpu.vector_load %arg25[%get3A_640] {strides = array<i32>} : memref<128xf32, #tpu.memory_space<vmem>>, vector<16xf32>,
      %broadcast_in_dim3A_642 = vector.broadcast %reduce_sum3A_637 : f32 to vector<16xf32>
      %select_n3A_643 = arith.select %eq3A_639, %broadcast_in_dim3A_642, %get3A_641 : vector<16xi1>, vector<16xf32>
      %swap3A_644 = arith.index_cast %mul3A_494 : i32 to index
      %swap3A_645 = tpu.vector_load %arg25[%swap3A_644] {strides = array<i32>} : memref<128xf32, #tpu.memory_space<vmem>>, vector<16xf32>,
      tpu.vector_store %arg25[%swap3A_644], %select_n3A_643 {strides = array<i32>} : memref<128xf32, #tpu.memory_space<vmem>>, vector<16xf32>,
      %add3A_646 = arith.constant 1 : i32
      %add3A_647 = arith.addi %scan3A_259, %add3A_646 : i32
      %lt3A_648 = arith.constant 32 : i32
      %lt3A_649 = arith.cmpi slt, %add3A_647, %lt3A_648 : i32
      %convert_element_type3A_650 = arith.extui %lt3A_649 : i1 to i32
      %cond3A_651 = arith.constant 0 : i32
      %cond3A_652 = arith.cmpi ne, %convert_element_type3A_650, %cond3A_651 : i32
      scf.if %cond3A_652 {
        %add3A_1053 = arith.constant 4 : i32
        %add3A_1054 = arith.addi %add3A_456, %add3A_1053 : i32
        %jit3A_1055 = arith.constant 16 : i32
        %div3A_1056 = arith.divsi %add3A_1054, %jit3A_1055 : i32
        %sign3A_1057 = arith.constant 0 : i32
        %sign3A_1058 = arith.cmpi sgt, %add3A_1054, %sign3A_1057 : i32
        %sign3A_1059 = arith.extui %sign3A_1058 : i1 to i32
        %sign3A_1060 = arith.constant 0 : i32
        %sign3A_1061 = arith.cmpi slt, %add3A_1054, %sign3A_1060 : i32
        %sign3A_1062 = arith.extui %sign3A_1061 : i1 to i32
        %sign3A_1063 = arith.subi %sign3A_1059, %sign3A_1062 : i32
        %sign3A_1064 = arith.constant 0 : i32
        %sign3A_1065 = arith.cmpi sgt, %jit3A_1055, %sign3A_1064 : i32
        %sign3A_1066 = arith.extui %sign3A_1065 : i1 to i32
        %sign3A_1067 = arith.constant 0 : i32
        %sign3A_1068 = arith.cmpi slt, %jit3A_1055, %sign3A_1067 : i32
        %sign3A_1069 = arith.extui %sign3A_1068 : i1 to i32
        %sign3A_1070 = arith.subi %sign3A_1066, %sign3A_1069 : i32
        %ne3A_1071 = arith.cmpi ne, %sign3A_1063, %sign3A_1070 : i32
        %rem3A_1072 = arith.remsi %add3A_1054, %jit3A_1055 : i32
        %ne3A_1073 = arith.constant 0 : i32
        %ne3A_1074 = arith.cmpi ne, %rem3A_1072, %ne3A_1073 : i32
        %and3A_1075 = arith.andi %ne3A_1071, %ne3A_1074 : i1
        %sub3A_1076 = arith.constant 1 : i32
        %sub3A_1077 = arith.subi %div3A_1056, %sub3A_1076 : i32
        %select_n3A_1078 = arith.select %and3A_1075, %sub3A_1077, %div3A_1056 : i32
        %mul3A_1079 = arith.constant 16 : i32
        %mul3A_1080 = arith.muli %select_n3A_1078, %mul3A_1079 : i32
        %sub3A_1081 = arith.subi %add3A_1054, %mul3A_1080 : i32
        %get3A_1082 = arith.index_cast %mul3A_1080 : i32 to index
        %get3A_1083 = tpu.vector_load %arg11[%get3A_1082] {strides = array<i32>} : memref<128xi32, #tpu.memory_space<vmem>>, vector<16xi32>,
        %get3A_1084 = arith.index_cast %mul3A_1080 : i32 to index
        %get3A_1085 = tpu.vector_load %arg13[%get3A_1084] {strides = array<i32>} : memref<128xi32, #tpu.memory_space<vmem>>, vector<16xi32>,
        %eq3A_1086 = vector.broadcast %sub3A_1081 : i32 to vector<16xi32>
        %eq3A_1087 = arith.cmpi eq, %iota3A, %eq3A_1086 : vector<16xi32>
        %jit3A_1088 = arith.constant 0 : i32
        %broadcast_in_dim3A_1089 = vector.broadcast %jit3A_1088 : i32 to vector<16xi32>
        %select_n3A_1090 = arith.select %eq3A_1087, %get3A_1083, %broadcast_in_dim3A_1089 : vector<16xi1>, vector<16xi32>
        %reduce_sum3A_1091 = arith.constant true
        %reduce_sum3A_1092 = vector.broadcast %reduce_sum3A_1091 : i1 to vector<16xi1>
        %reduce_sum3A_1093 = tpu.scan <sum>, %select_n3A_1090 masked %reduce_sum3A_1092 : vector<16xi32>, vector<16xi1> -> vector<16xi32>
        %reduce_sum3A_1094 = vector.extract %reduce_sum3A_1093[15] : i32 from vector<16xi32>
        %eq3A_1095 = vector.broadcast %sub3A_1081 : i32 to vector<16xi32>
        %eq3A_1096 = arith.cmpi eq, %iota3A, %eq3A_1095 : vector<16xi32>
        %jit3A_1097 = arith.constant 0 : i32
        %broadcast_in_dim3A_1098 = vector.broadcast %jit3A_1097 : i32 to vector<16xi32>
        %select_n3A_1099 = arith.select %eq3A_1096, %get3A_1085, %broadcast_in_dim3A_1098 : vector<16xi1>, vector<16xi32>
        %reduce_sum3A_1100 = arith.constant true
        %reduce_sum3A_1101 = vector.broadcast %reduce_sum3A_1100 : i1 to vector<16xi1>
        %reduce_sum3A_1102 = tpu.scan <sum>, %select_n3A_1099 masked %reduce_sum3A_1101 : vector<16xi32>, vector<16xi1> -> vector<16xi32>
        %reduce_sum3A_1103 = vector.extract %reduce_sum3A_1102[15] : i32 from vector<16xi32>
        %lt3A_1104 = arith.constant 999936 : i32
        %lt3A_1105 = arith.cmpi slt, %reduce_sum3A_1094, %lt3A_1104 : i32
        %convert_element_type3A_1106 = arith.extui %lt3A_1105 : i1 to i32
        %cond3A_1107 = arith.constant 0 : i32
        %cond3A_1108 = arith.cmpi ne, %convert_element_type3A_1106, %cond3A_1107 : i32
        scf.if %cond3A_1108 {
          %jit3A_1124 = arith.constant 128 : i32
          %div3A_1125 = arith.divsi %reduce_sum3A_1094, %jit3A_1124 : i32
          %sign3A_1126 = arith.constant 0 : i32
          %sign3A_1127 = arith.cmpi sgt, %reduce_sum3A_1094, %sign3A_1126 : i32
          %sign3A_1128 = arith.extui %sign3A_1127 : i1 to i32
          %sign3A_1129 = arith.constant 0 : i32
          %sign3A_1130 = arith.cmpi slt, %reduce_sum3A_1094, %sign3A_1129 : i32
          %sign3A_1131 = arith.extui %sign3A_1130 : i1 to i32
          %sign3A_1132 = arith.subi %sign3A_1128, %sign3A_1131 : i32
          %sign3A_1133 = arith.constant 0 : i32
          %sign3A_1134 = arith.cmpi sgt, %jit3A_1124, %sign3A_1133 : i32
          %sign3A_1135 = arith.extui %sign3A_1134 : i1 to i32
          %sign3A_1136 = arith.constant 0 : i32
          %sign3A_1137 = arith.cmpi slt, %jit3A_1124, %sign3A_1136 : i32
          %sign3A_1138 = arith.extui %sign3A_1137 : i1 to i32
          %sign3A_1139 = arith.subi %sign3A_1135, %sign3A_1138 : i32
          %ne3A_1140 = arith.cmpi ne, %sign3A_1132, %sign3A_1139 : i32
          %rem3A_1141 = arith.remsi %reduce_sum3A_1094, %jit3A_1124 : i32
          %ne3A_1142 = arith.constant 0 : i32
          %ne3A_1143 = arith.cmpi ne, %rem3A_1141, %ne3A_1142 : i32
          %and3A_1144 = arith.andi %ne3A_1140, %ne3A_1143 : i1
          %sub3A_1145 = arith.constant 1 : i32
          %sub3A_1146 = arith.subi %div3A_1125, %sub3A_1145 : i32
          %select_n3A_1147 = arith.select %and3A_1144, %sub3A_1146, %div3A_1125 : i32
          %mul3A_1148 = arith.constant 128 : i32
          %mul3A_1149 = arith.muli %select_n3A_1147, %mul3A_1148 : i32
          %multiple_of3A = tpu.assume_multiple %mul3A_1149, 128 : i32
          %dma_start3A_1150 = arith.constant 0 : i32
          %dma_start3A_1151 = tpu.memref_slice %arg5[%dma_start3A_1150, %multiple_of3A] : memref<64x1000000xf32, #tpu.memory_space<hbm>> -> memref<64x128xf32, #tpu.memory_space<hbm>>
          %dma_start3A_1152 = arith.constant 0 : i32
          %dma_start3A_1153 = tpu.memref_slice %arg5[%dma_start3A_1152, %multiple_of3A] : memref<64x1000000xf32, #tpu.memory_space<hbm>> -> memref<64x128xf32, #tpu.memory_space<hbm>>
          tpu.enqueue_dma source(%dma_start3A_1153 : memref<64x128xf32, #tpu.memory_space<hbm>>) target(%arg16 : memref<64x128xf32, #tpu.memory_space<vmem>>) target_semaphore(%arg27 : memref<!tpu.dma_semaphore, #tpu.memory_space<semaphore_mem>>)
        } else {
        }
        %ge3A_1109 = arith.constant 999936 : i32
        %ge3A_1110 = arith.cmpi sge, %reduce_sum3A_1094, %ge3A_1109 : i32
        %convert_element_type3A_1111 = arith.extui %ge3A_1110 : i1 to i32
        %cond3A_1112 = arith.constant 0 : i32
        %cond3A_1113 = arith.cmpi ne, %convert_element_type3A_1111, %cond3A_1112 : i32
        scf.if %cond3A_1113 {
          tpu.enqueue_dma source(%arg6 : memref<64x128xf32, #tpu.memory_space<hbm>>) target(%arg16 : memref<64x128xf32, #tpu.memory_space<vmem>>) target_semaphore(%arg27 : memref<!tpu.dma_semaphore, #tpu.memory_space<semaphore_mem>>)
        } else {
        }
        %lt3A_1114 = arith.constant 999936 : i32
        %lt3A_1115 = arith.cmpi slt, %reduce_sum3A_1103, %lt3A_1114 : i32
        %convert_element_type3A_1116 = arith.extui %lt3A_1115 : i1 to i32
        %cond3A_1117 = arith.constant 0 : i32
        %cond3A_1118 = arith.cmpi ne, %convert_element_type3A_1116, %cond3A_1117 : i32
        scf.if %cond3A_1118 {
          %jit3A_1124 = arith.constant 128 : i32
          %div3A_1125 = arith.divsi %reduce_sum3A_1103, %jit3A_1124 : i32
          %sign3A_1126 = arith.constant 0 : i32
          %sign3A_1127 = arith.cmpi sgt, %reduce_sum3A_1103, %sign3A_1126 : i32
          %sign3A_1128 = arith.extui %sign3A_1127 : i1 to i32
          %sign3A_1129 = arith.constant 0 : i32
          %sign3A_1130 = arith.cmpi slt, %reduce_sum3A_1103, %sign3A_1129 : i32
          %sign3A_1131 = arith.extui %sign3A_1130 : i1 to i32
          %sign3A_1132 = arith.subi %sign3A_1128, %sign3A_1131 : i32
          %sign3A_1133 = arith.constant 0 : i32
          %sign3A_1134 = arith.cmpi sgt, %jit3A_1124, %sign3A_1133 : i32
          %sign3A_1135 = arith.extui %sign3A_1134 : i1 to i32
          %sign3A_1136 = arith.constant 0 : i32
          %sign3A_1137 = arith.cmpi slt, %jit3A_1124, %sign3A_1136 : i32
          %sign3A_1138 = arith.extui %sign3A_1137 : i1 to i32
          %sign3A_1139 = arith.subi %sign3A_1135, %sign3A_1138 : i32
          %ne3A_1140 = arith.cmpi ne, %sign3A_1132, %sign3A_1139 : i32
          %rem3A_1141 = arith.remsi %reduce_sum3A_1103, %jit3A_1124 : i32
          %ne3A_1142 = arith.constant 0 : i32
          %ne3A_1143 = arith.cmpi ne, %rem3A_1141, %ne3A_1142 : i32
          %and3A_1144 = arith.andi %ne3A_1140, %ne3A_1143 : i1
          %sub3A_1145 = arith.constant 1 : i32
          %sub3A_1146 = arith.subi %div3A_1125, %sub3A_1145 : i32
          %select_n3A_1147 = arith.select %and3A_1144, %sub3A_1146, %div3A_1125 : i32
          %mul3A_1148 = arith.constant 128 : i32
          %mul3A_1149 = arith.muli %select_n3A_1147, %mul3A_1148 : i32
          %multiple_of3A = tpu.assume_multiple %mul3A_1149, 128 : i32
          %dma_start3A_1150 = arith.constant 0 : i32
          %dma_start3A_1151 = tpu.memref_slice %arg5[%dma_start3A_1150, %multiple_of3A] : memref<64x1000000xf32, #tpu.memory_space<hbm>> -> memref<64x128xf32, #tpu.memory_space<hbm>>
          %dma_start3A_1152 = arith.constant 0 : i32
          %dma_start3A_1153 = tpu.memref_slice %arg5[%dma_start3A_1152, %multiple_of3A] : memref<64x1000000xf32, #tpu.memory_space<hbm>> -> memref<64x128xf32, #tpu.memory_space<hbm>>
          tpu.enqueue_dma source(%dma_start3A_1153 : memref<64x128xf32, #tpu.memory_space<hbm>>) target(%arg20 : memref<64x128xf32, #tpu.memory_space<vmem>>) target_semaphore(%arg27 : memref<!tpu.dma_semaphore, #tpu.memory_space<semaphore_mem>>)
        } else {
        }
        %ge3A_1119 = arith.constant 999936 : i32
        %ge3A_1120 = arith.cmpi sge, %reduce_sum3A_1103, %ge3A_1119 : i32
        %convert_element_type3A_1121 = arith.extui %ge3A_1120 : i1 to i32
        %cond3A_1122 = arith.constant 0 : i32
        %cond3A_1123 = arith.cmpi ne, %convert_element_type3A_1121, %cond3A_1122 : i32
        scf.if %cond3A_1123 {
          tpu.enqueue_dma source(%arg6 : memref<64x128xf32, #tpu.memory_space<hbm>>) target(%arg20 : memref<64x128xf32, #tpu.memory_space<vmem>>) target_semaphore(%arg27 : memref<!tpu.dma_semaphore, #tpu.memory_space<semaphore_mem>>)
        } else {
        }
      } else {
      }
      %mul3A_653 = arith.constant 4 : i32
      %mul3A_654 = arith.muli %scan3A_259, %mul3A_653 : i32
      %add3A_655 = arith.constant 2 : i32
      %add3A_656 = arith.addi %mul3A_654, %add3A_655 : i32
      %dma_wait3A_657 = arith.constant 0 : i32
      %dma_wait3A_658 = arith.constant 0 : i32
      %dma_wait3A_659 = tpu.memref_slice %arg5[%dma_wait3A_657, %dma_wait3A_658] : memref<64x1000000xf32, #tpu.memory_space<hbm>> -> memref<64x128xf32, #tpu.memory_space<hbm>>
      %dma_wait3A_660 = arith.constant 0 : i32
      %dma_wait3A_661 = arith.constant 0 : i32
      %dma_wait3A_662 = tpu.memref_slice %arg5[%dma_wait3A_660, %dma_wait3A_661] : memref<64x1000000xf32, #tpu.memory_space<hbm>> -> memref<64x128xf32, #tpu.memory_space<hbm>>
      tpu.wait_dma2 semaphore(%arg28 : memref<!tpu.dma_semaphore, #tpu.memory_space<semaphore_mem>>) src(%dma_wait3A_662 : memref<64x128xf32, #tpu.memory_space<hbm>>) dst(%arg17 : memref<64x128xf32, #tpu.memory_space<vmem>>)
      %dma_wait3A_663 = arith.constant 0 : i32
      %dma_wait3A_664 = arith.constant 0 : i32
      %dma_wait3A_665 = tpu.memref_slice %arg5[%dma_wait3A_663, %dma_wait3A_664] : memref<64x1000000xf32, #tpu.memory_space<hbm>> -> memref<64x128xf32, #tpu.memory_space<hbm>>
      %dma_wait3A_666 = arith.constant 0 : i32
      %dma_wait3A_667 = arith.constant 0 : i32
      %dma_wait3A_668 = tpu.memref_slice %arg5[%dma_wait3A_666, %dma_wait3A_667] : memref<64x1000000xf32, #tpu.memory_space<hbm>> -> memref<64x128xf32, #tpu.memory_space<hbm>>
      tpu.wait_dma2 semaphore(%arg28 : memref<!tpu.dma_semaphore, #tpu.memory_space<semaphore_mem>>) src(%dma_wait3A_668 : memref<64x128xf32, #tpu.memory_space<hbm>>) dst(%arg21 : memref<64x128xf32, #tpu.memory_space<vmem>>)
      %jit3A_669 = arith.constant 16 : i32
      %div3A_670 = arith.divsi %add3A_656, %jit3A_669 : i32
      %sign3A_671 = arith.constant 0 : i32
      %sign3A_672 = arith.cmpi sgt, %add3A_656, %sign3A_671 : i32
      %sign3A_673 = arith.extui %sign3A_672 : i1 to i32
      %sign3A_674 = arith.constant 0 : i32
      %sign3A_675 = arith.cmpi slt, %add3A_656, %sign3A_674 : i32
      %sign3A_676 = arith.extui %sign3A_675 : i1 to i32
      %sign3A_677 = arith.subi %sign3A_673, %sign3A_676 : i32
      %sign3A_678 = arith.constant 0 : i32
      %sign3A_679 = arith.cmpi sgt, %jit3A_669, %sign3A_678 : i32
      %sign3A_680 = arith.extui %sign3A_679 : i1 to i32
      %sign3A_681 = arith.constant 0 : i32
      %sign3A_682 = arith.cmpi slt, %jit3A_669, %sign3A_681 : i32
      %sign3A_683 = arith.extui %sign3A_682 : i1 to i32
      %sign3A_684 = arith.subi %sign3A_680, %sign3A_683 : i32
      %ne3A_685 = arith.cmpi ne, %sign3A_677, %sign3A_684 : i32
      %rem3A_686 = arith.remsi %add3A_656, %jit3A_669 : i32
      %ne3A_687 = arith.constant 0 : i32
      %ne3A_688 = arith.cmpi ne, %rem3A_686, %ne3A_687 : i32
      %and3A_689 = arith.andi %ne3A_685, %ne3A_688 : i1
      %sub3A_690 = arith.constant 1 : i32
      %sub3A_691 = arith.subi %div3A_670, %sub3A_690 : i32
      %select_n3A_692 = arith.select %and3A_689, %sub3A_691, %div3A_670 : i32
      %mul3A_693 = arith.constant 16 : i32
      %mul3A_694 = arith.muli %select_n3A_692, %mul3A_693 : i32
      %sub3A_695 = arith.subi %add3A_656, %mul3A_694 : i32
      %get3A_696 = arith.index_cast %mul3A_694 : i32 to index
      %get3A_697 = tpu.vector_load %arg11[%get3A_696] {strides = array<i32>} : memref<128xi32, #tpu.memory_space<vmem>>, vector<16xi32>,
      %eq3A_698 = vector.broadcast %sub3A_695 : i32 to vector<16xi32>
      %eq3A_699 = arith.cmpi eq, %iota3A, %eq3A_698 : vector<16xi32>
      %jit3A_700 = arith.constant 0 : i32
      %broadcast_in_dim3A_701 = vector.broadcast %jit3A_700 : i32 to vector<16xi32>
      %select_n3A_702 = arith.select %eq3A_699, %get3A_697, %broadcast_in_dim3A_701 : vector<16xi1>, vector<16xi32>
      %reduce_sum3A_703 = arith.constant true
      %reduce_sum3A_704 = vector.broadcast %reduce_sum3A_703 : i1 to vector<16xi1>
      %reduce_sum3A_705 = tpu.scan <sum>, %select_n3A_702 masked %reduce_sum3A_704 : vector<16xi32>, vector<16xi1> -> vector<16xi32>
      %reduce_sum3A_706 = vector.extract %reduce_sum3A_705[15] : i32 from vector<16xi32>
      %get3A_707 = arith.index_cast %mul3A_694 : i32 to index
      %get3A_708 = tpu.vector_load %arg13[%get3A_707] {strides = array<i32>} : memref<128xi32, #tpu.memory_space<vmem>>, vector<16xi32>,
      %eq3A_709 = vector.broadcast %sub3A_695 : i32 to vector<16xi32>
      %eq3A_710 = arith.cmpi eq, %iota3A, %eq3A_709 : vector<16xi32>
      %jit3A_711 = arith.constant 0 : i32
      %broadcast_in_dim3A_712 = vector.broadcast %jit3A_711 : i32 to vector<16xi32>
      %select_n3A_713 = arith.select %eq3A_710, %get3A_708, %broadcast_in_dim3A_712 : vector<16xi1>, vector<16xi32>
      %reduce_sum3A_714 = arith.constant true
      %reduce_sum3A_715 = vector.broadcast %reduce_sum3A_714 : i1 to vector<16xi1>
      %reduce_sum3A_716 = tpu.scan <sum>, %select_n3A_713 masked %reduce_sum3A_715 : vector<16xi32>, vector<16xi1> -> vector<16xi32>
      %reduce_sum3A_717 = vector.extract %reduce_sum3A_716[15] : i32 from vector<16xi32>
      %get3A_718 = arith.index_cast %mul3A_694 : i32 to index
      %get3A_719 = tpu.vector_load %arg12[%get3A_718] {strides = array<i32>} : memref<128xi32, #tpu.memory_space<vmem>>, vector<16xi32>,
      %eq3A_720 = vector.broadcast %sub3A_695 : i32 to vector<16xi32>
      %eq3A_721 = arith.cmpi eq, %iota3A, %eq3A_720 : vector<16xi32>
      %jit3A_722 = arith.constant 0 : i32
      %broadcast_in_dim3A_723 = vector.broadcast %jit3A_722 : i32 to vector<16xi32>
      %select_n3A_724 = arith.select %eq3A_721, %get3A_719, %broadcast_in_dim3A_723 : vector<16xi1>, vector<16xi32>
      %reduce_sum3A_725 = arith.constant true
      %reduce_sum3A_726 = vector.broadcast %reduce_sum3A_725 : i1 to vector<16xi1>
      %reduce_sum3A_727 = tpu.scan <sum>, %select_n3A_724 masked %reduce_sum3A_726 : vector<16xi32>, vector<16xi1> -> vector<16xi32>
      %reduce_sum3A_728 = vector.extract %reduce_sum3A_727[15] : i32 from vector<16xi32>
      %ge3A_729 = arith.constant 999936 : i32
      %ge3A_730 = arith.cmpi sge, %reduce_sum3A_706, %ge3A_729 : i32
      %sub3A_731 = arith.constant 999936 : i32
      %sub3A_732 = arith.subi %reduce_sum3A_706, %sub3A_731 : i32
      %jit3A_733 = arith.constant 128 : i32
      %div3A_734 = arith.divsi %reduce_sum3A_706, %jit3A_733 : i32
      %sign3A_735 = arith.constant 0 : i32
      %sign3A_736 = arith.cmpi sgt, %reduce_sum3A_706, %sign3A_735 : i32
      %sign3A_737 = arith.extui %sign3A_736 : i1 to i32
      %sign3A_738 = arith.constant 0 : i32
      %sign3A_739 = arith.cmpi slt, %reduce_sum3A_706, %sign3A_738 : i32
      %sign3A_740 = arith.extui %sign3A_739 : i1 to i32
      %sign3A_741 = arith.subi %sign3A_737, %sign3A_740 : i32
      %sign3A_742 = arith.constant 0 : i32
      %sign3A_743 = arith.cmpi sgt, %jit3A_733, %sign3A_742 : i32
      %sign3A_744 = arith.extui %sign3A_743 : i1 to i32
      %sign3A_745 = arith.constant 0 : i32
      %sign3A_746 = arith.cmpi slt, %jit3A_733, %sign3A_745 : i32
      %sign3A_747 = arith.extui %sign3A_746 : i1 to i32
      %sign3A_748 = arith.subi %sign3A_744, %sign3A_747 : i32
      %ne3A_749 = arith.cmpi ne, %sign3A_741, %sign3A_748 : i32
      %rem3A_750 = arith.remsi %reduce_sum3A_706, %jit3A_733 : i32
      %ne3A_751 = arith.constant 0 : i32
      %ne3A_752 = arith.cmpi ne, %rem3A_750, %ne3A_751 : i32
      %and3A_753 = arith.andi %ne3A_749, %ne3A_752 : i1
      %sub3A_754 = arith.constant 1 : i32
      %sub3A_755 = arith.subi %div3A_734, %sub3A_754 : i32
      %select_n3A_756 = arith.select %and3A_753, %sub3A_755, %div3A_734 : i32
      %mul3A_757 = arith.constant 128 : i32
      %mul3A_758 = arith.muli %select_n3A_756, %mul3A_757 : i32
      %sub3A_759 = arith.subi %reduce_sum3A_706, %mul3A_758 : i32
      %select_n3A_760 = arith.select %ge3A_730, %sub3A_732, %sub3A_759 : i32
      %ge3A_761 = arith.constant 999936 : i32
      %ge3A_762 = arith.cmpi sge, %reduce_sum3A_717, %ge3A_761 : i32
      %sub3A_763 = arith.constant 999936 : i32
      %sub3A_764 = arith.subi %reduce_sum3A_717, %sub3A_763 : i32
      %jit3A_765 = arith.constant 128 : i32
      %div3A_766 = arith.divsi %reduce_sum3A_717, %jit3A_765 : i32
      %sign3A_767 = arith.constant 0 : i32
      %sign3A_768 = arith.cmpi sgt, %reduce_sum3A_717, %sign3A_767 : i32
      %sign3A_769 = arith.extui %sign3A_768 : i1 to i32
      %sign3A_770 = arith.constant 0 : i32
      %sign3A_771 = arith.cmpi slt, %reduce_sum3A_717, %sign3A_770 : i32
      %sign3A_772 = arith.extui %sign3A_771 : i1 to i32
      %sign3A_773 = arith.subi %sign3A_769, %sign3A_772 : i32
      %sign3A_774 = arith.constant 0 : i32
      %sign3A_775 = arith.cmpi sgt, %jit3A_765, %sign3A_774 : i32
      %sign3A_776 = arith.extui %sign3A_775 : i1 to i32
      %sign3A_777 = arith.constant 0 : i32
      %sign3A_778 = arith.cmpi slt, %jit3A_765, %sign3A_777 : i32
      %sign3A_779 = arith.extui %sign3A_778 : i1 to i32
      %sign3A_780 = arith.subi %sign3A_776, %sign3A_779 : i32
      %ne3A_781 = arith.cmpi ne, %sign3A_773, %sign3A_780 : i32
      %rem3A_782 = arith.remsi %reduce_sum3A_717, %jit3A_765 : i32
      %ne3A_783 = arith.constant 0 : i32
      %ne3A_784 = arith.cmpi ne, %rem3A_782, %ne3A_783 : i32
      %and3A_785 = arith.andi %ne3A_781, %ne3A_784 : i1
      %sub3A_786 = arith.constant 1 : i32
      %sub3A_787 = arith.subi %div3A_766, %sub3A_786 : i32
      %select_n3A_788 = arith.select %and3A_785, %sub3A_787, %div3A_766 : i32
      %mul3A_789 = arith.constant 128 : i32
      %mul3A_790 = arith.muli %select_n3A_788, %mul3A_789 : i32
      %sub3A_791 = arith.subi %reduce_sum3A_717, %mul3A_790 : i32
      %select_n3A_792 = arith.select %ge3A_762, %sub3A_764, %sub3A_791 : i32
      %broadcast_in_dim3A_793 = vector.broadcast %select_n3A_760 : i32 to vector<16xi32>
      %broadcast_in_dim3A_794 = vector.broadcast %select_n3A_792 : i32 to vector<16xi32>
      %broadcast_in_dim3A_795 = vector.broadcast %reduce_sum3A_728 : i32 to vector<16xi32>
      %broadcast_in_dim3A_796 = arith.constant 0.000000e+00 : f32
      %broadcast_in_dim3A_797 = vector.broadcast %broadcast_in_dim3A_796 : f32 to vector<16xf32>
      %add3A_798 = arith.constant 0 : i32
      %add3A_799 = vector.broadcast %add3A_798 : i32 to vector<16xi32>
      %add3A_800 = arith.addi %iota3A, %add3A_799 : vector<16xi32>
      %gather3A_801 = tpu.vector_load_idx %arg17[%add3A_800, %broadcast_in_dim3A_793] : memref<64x128xf32, #tpu.memory_space<vmem>>[vector<16xi32>, vector<16xi32>], vector<16xf32>,
      %gather3A_802 = tpu.vector_load_idx %arg21[%add3A_800, %broadcast_in_dim3A_794] : memref<64x128xf32, #tpu.memory_space<vmem>>[vector<16xi32>, vector<16xi32>], vector<16xf32>,
      %gather3A_803 = tpu.vector_load_idx %arg14[%broadcast_in_dim3A_795, %add3A_800] : memref<64x64xf32, #tpu.memory_space<vmem>>[vector<16xi32>, vector<16xi32>], vector<16xf32>,
      %mul3A_804 = arith.mulf %gather3A_801, %gather3A_803 : vector<16xf32>
      %mul3A_805 = arith.mulf %mul3A_804, %gather3A_802 : vector<16xf32>
      %add3A_806 = arith.addf %broadcast_in_dim3A_797, %mul3A_805 : vector<16xf32>
      %add3A_807 = arith.constant 16 : i32
      %add3A_808 = vector.broadcast %add3A_807 : i32 to vector<16xi32>
      %add3A_809 = arith.addi %iota3A, %add3A_808 : vector<16xi32>
      %gather3A_810 = tpu.vector_load_idx %arg17[%add3A_809, %broadcast_in_dim3A_793] : memref<64x128xf32, #tpu.memory_space<vmem>>[vector<16xi32>, vector<16xi32>], vector<16xf32>,
      %gather3A_811 = tpu.vector_load_idx %arg21[%add3A_809, %broadcast_in_dim3A_794] : memref<64x128xf32, #tpu.memory_space<vmem>>[vector<16xi32>, vector<16xi32>], vector<16xf32>,
      %gather3A_812 = tpu.vector_load_idx %arg14[%broadcast_in_dim3A_795, %add3A_809] : memref<64x64xf32, #tpu.memory_space<vmem>>[vector<16xi32>, vector<16xi32>], vector<16xf32>,
      %mul3A_813 = arith.mulf %gather3A_810, %gather3A_812 : vector<16xf32>
      %mul3A_814 = arith.mulf %mul3A_813, %gather3A_811 : vector<16xf32>
      %add3A_815 = arith.addf %add3A_806, %mul3A_814 : vector<16xf32>
      %add3A_816 = arith.constant 32 : i32
      %add3A_817 = vector.broadcast %add3A_816 : i32 to vector<16xi32>
      %add3A_818 = arith.addi %iota3A, %add3A_817 : vector<16xi32>
      %gather3A_819 = tpu.vector_load_idx %arg17[%add3A_818, %broadcast_in_dim3A_793] : memref<64x128xf32, #tpu.memory_space<vmem>>[vector<16xi32>, vector<16xi32>], vector<16xf32>,
      %gather3A_820 = tpu.vector_load_idx %arg21[%add3A_818, %broadcast_in_dim3A_794] : memref<64x128xf32, #tpu.memory_space<vmem>>[vector<16xi32>, vector<16xi32>], vector<16xf32>,
      %gather3A_821 = tpu.vector_load_idx %arg14[%broadcast_in_dim3A_795, %add3A_818] : memref<64x64xf32, #tpu.memory_space<vmem>>[vector<16xi32>, vector<16xi32>], vector<16xf32>,
      %mul3A_822 = arith.mulf %gather3A_819, %gather3A_821 : vector<16xf32>
      %mul3A_823 = arith.mulf %mul3A_822, %gather3A_820 : vector<16xf32>
      %add3A_824 = arith.addf %add3A_815, %mul3A_823 : vector<16xf32>
      %add3A_825 = arith.constant 48 : i32
      %add3A_826 = vector.broadcast %add3A_825 : i32 to vector<16xi32>
      %add3A_827 = arith.addi %iota3A, %add3A_826 : vector<16xi32>
      %gather3A_828 = tpu.vector_load_idx %arg17[%add3A_827, %broadcast_in_dim3A_793] : memref<64x128xf32, #tpu.memory_space<vmem>>[vector<16xi32>, vector<16xi32>], vector<16xf32>,
      %gather3A_829 = tpu.vector_load_idx %arg21[%add3A_827, %broadcast_in_dim3A_794] : memref<64x128xf32, #tpu.memory_space<vmem>>[vector<16xi32>, vector<16xi32>], vector<16xf32>,
      %gather3A_830 = tpu.vector_load_idx %arg14[%broadcast_in_dim3A_795, %add3A_827] : memref<64x64xf32, #tpu.memory_space<vmem>>[vector<16xi32>, vector<16xi32>], vector<16xf32>,
      %mul3A_831 = arith.mulf %gather3A_828, %gather3A_830 : vector<16xf32>
      %mul3A_832 = arith.mulf %mul3A_831, %gather3A_829 : vector<16xf32>
      %add3A_833 = arith.addf %add3A_824, %mul3A_832 : vector<16xf32>
      %reduce_sum3A_834 = arith.constant true
      %reduce_sum3A_835 = vector.broadcast %reduce_sum3A_834 : i1 to vector<16xi1>
      %reduce_sum3A_836 = tpu.scan <sum>, %add3A_833 masked %reduce_sum3A_835 : vector<16xf32>, vector<16xi1> -> vector<16xf32>
      %reduce_sum3A_837 = vector.extract %reduce_sum3A_836[15] : f32 from vector<16xf32>
      %eq3A_838 = vector.broadcast %sub3A_695 : i32 to vector<16xi32>
      %eq3A_839 = arith.cmpi eq, %iota3A, %eq3A_838 : vector<16xi32>
      %get3A_840 = arith.index_cast %mul3A_694 : i32 to index
      %get3A_841 = tpu.vector_load %arg25[%get3A_840] {strides = array<i32>} : memref<128xf32, #tpu.memory_space<vmem>>, vector<16xf32>,
      %broadcast_in_dim3A_842 = vector.broadcast %reduce_sum3A_837 : f32 to vector<16xf32>
      %select_n3A_843 = arith.select %eq3A_839, %broadcast_in_dim3A_842, %get3A_841 : vector<16xi1>, vector<16xf32>
      %swap3A_844 = arith.index_cast %mul3A_694 : i32 to index
      %swap3A_845 = tpu.vector_load %arg25[%swap3A_844] {strides = array<i32>} : memref<128xf32, #tpu.memory_space<vmem>>, vector<16xf32>,
      tpu.vector_store %arg25[%swap3A_844], %select_n3A_843 {strides = array<i32>} : memref<128xf32, #tpu.memory_space<vmem>>, vector<16xf32>,
      %add3A_846 = arith.constant 1 : i32
      %add3A_847 = arith.addi %scan3A_259, %add3A_846 : i32
      %lt3A_848 = arith.constant 32 : i32
      %lt3A_849 = arith.cmpi slt, %add3A_847, %lt3A_848 : i32
      %convert_element_type3A_850 = arith.extui %lt3A_849 : i1 to i32
      %cond3A_851 = arith.constant 0 : i32
      %cond3A_852 = arith.cmpi ne, %convert_element_type3A_850, %cond3A_851 : i32
      scf.if %cond3A_852 {
        %add3A_1053 = arith.constant 4 : i32
        %add3A_1054 = arith.addi %add3A_656, %add3A_1053 : i32
        %jit3A_1055 = arith.constant 16 : i32
        %div3A_1056 = arith.divsi %add3A_1054, %jit3A_1055 : i32
        %sign3A_1057 = arith.constant 0 : i32
        %sign3A_1058 = arith.cmpi sgt, %add3A_1054, %sign3A_1057 : i32
        %sign3A_1059 = arith.extui %sign3A_1058 : i1 to i32
        %sign3A_1060 = arith.constant 0 : i32
        %sign3A_1061 = arith.cmpi slt, %add3A_1054, %sign3A_1060 : i32
        %sign3A_1062 = arith.extui %sign3A_1061 : i1 to i32
        %sign3A_1063 = arith.subi %sign3A_1059, %sign3A_1062 : i32
        %sign3A_1064 = arith.constant 0 : i32
        %sign3A_1065 = arith.cmpi sgt, %jit3A_1055, %sign3A_1064 : i32
        %sign3A_1066 = arith.extui %sign3A_1065 : i1 to i32
        %sign3A_1067 = arith.constant 0 : i32
        %sign3A_1068 = arith.cmpi slt, %jit3A_1055, %sign3A_1067 : i32
        %sign3A_1069 = arith.extui %sign3A_1068 : i1 to i32
        %sign3A_1070 = arith.subi %sign3A_1066, %sign3A_1069 : i32
        %ne3A_1071 = arith.cmpi ne, %sign3A_1063, %sign3A_1070 : i32
        %rem3A_1072 = arith.remsi %add3A_1054, %jit3A_1055 : i32
        %ne3A_1073 = arith.constant 0 : i32
        %ne3A_1074 = arith.cmpi ne, %rem3A_1072, %ne3A_1073 : i32
        %and3A_1075 = arith.andi %ne3A_1071, %ne3A_1074 : i1
        %sub3A_1076 = arith.constant 1 : i32
        %sub3A_1077 = arith.subi %div3A_1056, %sub3A_1076 : i32
        %select_n3A_1078 = arith.select %and3A_1075, %sub3A_1077, %div3A_1056 : i32
        %mul3A_1079 = arith.constant 16 : i32
        %mul3A_1080 = arith.muli %select_n3A_1078, %mul3A_1079 : i32
        %sub3A_1081 = arith.subi %add3A_1054, %mul3A_1080 : i32
        %get3A_1082 = arith.index_cast %mul3A_1080 : i32 to index
        %get3A_1083 = tpu.vector_load %arg11[%get3A_1082] {strides = array<i32>} : memref<128xi32, #tpu.memory_space<vmem>>, vector<16xi32>,
        %get3A_1084 = arith.index_cast %mul3A_1080 : i32 to index
        %get3A_1085 = tpu.vector_load %arg13[%get3A_1084] {strides = array<i32>} : memref<128xi32, #tpu.memory_space<vmem>>, vector<16xi32>,
        %eq3A_1086 = vector.broadcast %sub3A_1081 : i32 to vector<16xi32>
        %eq3A_1087 = arith.cmpi eq, %iota3A, %eq3A_1086 : vector<16xi32>
        %jit3A_1088 = arith.constant 0 : i32
        %broadcast_in_dim3A_1089 = vector.broadcast %jit3A_1088 : i32 to vector<16xi32>
        %select_n3A_1090 = arith.select %eq3A_1087, %get3A_1083, %broadcast_in_dim3A_1089 : vector<16xi1>, vector<16xi32>
        %reduce_sum3A_1091 = arith.constant true
        %reduce_sum3A_1092 = vector.broadcast %reduce_sum3A_1091 : i1 to vector<16xi1>
        %reduce_sum3A_1093 = tpu.scan <sum>, %select_n3A_1090 masked %reduce_sum3A_1092 : vector<16xi32>, vector<16xi1> -> vector<16xi32>
        %reduce_sum3A_1094 = vector.extract %reduce_sum3A_1093[15] : i32 from vector<16xi32>
        %eq3A_1095 = vector.broadcast %sub3A_1081 : i32 to vector<16xi32>
        %eq3A_1096 = arith.cmpi eq, %iota3A, %eq3A_1095 : vector<16xi32>
        %jit3A_1097 = arith.constant 0 : i32
        %broadcast_in_dim3A_1098 = vector.broadcast %jit3A_1097 : i32 to vector<16xi32>
        %select_n3A_1099 = arith.select %eq3A_1096, %get3A_1085, %broadcast_in_dim3A_1098 : vector<16xi1>, vector<16xi32>
        %reduce_sum3A_1100 = arith.constant true
        %reduce_sum3A_1101 = vector.broadcast %reduce_sum3A_1100 : i1 to vector<16xi1>
        %reduce_sum3A_1102 = tpu.scan <sum>, %select_n3A_1099 masked %reduce_sum3A_1101 : vector<16xi32>, vector<16xi1> -> vector<16xi32>
        %reduce_sum3A_1103 = vector.extract %reduce_sum3A_1102[15] : i32 from vector<16xi32>
        %lt3A_1104 = arith.constant 999936 : i32
        %lt3A_1105 = arith.cmpi slt, %reduce_sum3A_1094, %lt3A_1104 : i32
        %convert_element_type3A_1106 = arith.extui %lt3A_1105 : i1 to i32
        %cond3A_1107 = arith.constant 0 : i32
        %cond3A_1108 = arith.cmpi ne, %convert_element_type3A_1106, %cond3A_1107 : i32
        scf.if %cond3A_1108 {
          %jit3A_1124 = arith.constant 128 : i32
          %div3A_1125 = arith.divsi %reduce_sum3A_1094, %jit3A_1124 : i32
          %sign3A_1126 = arith.constant 0 : i32
          %sign3A_1127 = arith.cmpi sgt, %reduce_sum3A_1094, %sign3A_1126 : i32
          %sign3A_1128 = arith.extui %sign3A_1127 : i1 to i32
          %sign3A_1129 = arith.constant 0 : i32
          %sign3A_1130 = arith.cmpi slt, %reduce_sum3A_1094, %sign3A_1129 : i32
          %sign3A_1131 = arith.extui %sign3A_1130 : i1 to i32
          %sign3A_1132 = arith.subi %sign3A_1128, %sign3A_1131 : i32
          %sign3A_1133 = arith.constant 0 : i32
          %sign3A_1134 = arith.cmpi sgt, %jit3A_1124, %sign3A_1133 : i32
          %sign3A_1135 = arith.extui %sign3A_1134 : i1 to i32
          %sign3A_1136 = arith.constant 0 : i32
          %sign3A_1137 = arith.cmpi slt, %jit3A_1124, %sign3A_1136 : i32
          %sign3A_1138 = arith.extui %sign3A_1137 : i1 to i32
          %sign3A_1139 = arith.subi %sign3A_1135, %sign3A_1138 : i32
          %ne3A_1140 = arith.cmpi ne, %sign3A_1132, %sign3A_1139 : i32
          %rem3A_1141 = arith.remsi %reduce_sum3A_1094, %jit3A_1124 : i32
          %ne3A_1142 = arith.constant 0 : i32
          %ne3A_1143 = arith.cmpi ne, %rem3A_1141, %ne3A_1142 : i32
          %and3A_1144 = arith.andi %ne3A_1140, %ne3A_1143 : i1
          %sub3A_1145 = arith.constant 1 : i32
          %sub3A_1146 = arith.subi %div3A_1125, %sub3A_1145 : i32
          %select_n3A_1147 = arith.select %and3A_1144, %sub3A_1146, %div3A_1125 : i32
          %mul3A_1148 = arith.constant 128 : i32
          %mul3A_1149 = arith.muli %select_n3A_1147, %mul3A_1148 : i32
          %multiple_of3A = tpu.assume_multiple %mul3A_1149, 128 : i32
          %dma_start3A_1150 = arith.constant 0 : i32
          %dma_start3A_1151 = tpu.memref_slice %arg5[%dma_start3A_1150, %multiple_of3A] : memref<64x1000000xf32, #tpu.memory_space<hbm>> -> memref<64x128xf32, #tpu.memory_space<hbm>>
          %dma_start3A_1152 = arith.constant 0 : i32
          %dma_start3A_1153 = tpu.memref_slice %arg5[%dma_start3A_1152, %multiple_of3A] : memref<64x1000000xf32, #tpu.memory_space<hbm>> -> memref<64x128xf32, #tpu.memory_space<hbm>>
          tpu.enqueue_dma source(%dma_start3A_1153 : memref<64x128xf32, #tpu.memory_space<hbm>>) target(%arg17 : memref<64x128xf32, #tpu.memory_space<vmem>>) target_semaphore(%arg28 : memref<!tpu.dma_semaphore, #tpu.memory_space<semaphore_mem>>)
        } else {
        }
        %ge3A_1109 = arith.constant 999936 : i32
        %ge3A_1110 = arith.cmpi sge, %reduce_sum3A_1094, %ge3A_1109 : i32
        %convert_element_type3A_1111 = arith.extui %ge3A_1110 : i1 to i32
        %cond3A_1112 = arith.constant 0 : i32
        %cond3A_1113 = arith.cmpi ne, %convert_element_type3A_1111, %cond3A_1112 : i32
        scf.if %cond3A_1113 {
          tpu.enqueue_dma source(%arg6 : memref<64x128xf32, #tpu.memory_space<hbm>>) target(%arg17 : memref<64x128xf32, #tpu.memory_space<vmem>>) target_semaphore(%arg28 : memref<!tpu.dma_semaphore, #tpu.memory_space<semaphore_mem>>)
        } else {
        }
        %lt3A_1114 = arith.constant 999936 : i32
        %lt3A_1115 = arith.cmpi slt, %reduce_sum3A_1103, %lt3A_1114 : i32
        %convert_element_type3A_1116 = arith.extui %lt3A_1115 : i1 to i32
        %cond3A_1117 = arith.constant 0 : i32
        %cond3A_1118 = arith.cmpi ne, %convert_element_type3A_1116, %cond3A_1117 : i32
        scf.if %cond3A_1118 {
          %jit3A_1124 = arith.constant 128 : i32
          %div3A_1125 = arith.divsi %reduce_sum3A_1103, %jit3A_1124 : i32
          %sign3A_1126 = arith.constant 0 : i32
          %sign3A_1127 = arith.cmpi sgt, %reduce_sum3A_1103, %sign3A_1126 : i32
          %sign3A_1128 = arith.extui %sign3A_1127 : i1 to i32
          %sign3A_1129 = arith.constant 0 : i32
          %sign3A_1130 = arith.cmpi slt, %reduce_sum3A_1103, %sign3A_1129 : i32
          %sign3A_1131 = arith.extui %sign3A_1130 : i1 to i32
          %sign3A_1132 = arith.subi %sign3A_1128, %sign3A_1131 : i32
          %sign3A_1133 = arith.constant 0 : i32
          %sign3A_1134 = arith.cmpi sgt, %jit3A_1124, %sign3A_1133 : i32
          %sign3A_1135 = arith.extui %sign3A_1134 : i1 to i32
          %sign3A_1136 = arith.constant 0 : i32
          %sign3A_1137 = arith.cmpi slt, %jit3A_1124, %sign3A_1136 : i32
          %sign3A_1138 = arith.extui %sign3A_1137 : i1 to i32
          %sign3A_1139 = arith.subi %sign3A_1135, %sign3A_1138 : i32
          %ne3A_1140 = arith.cmpi ne, %sign3A_1132, %sign3A_1139 : i32
          %rem3A_1141 = arith.remsi %reduce_sum3A_1103, %jit3A_1124 : i32
          %ne3A_1142 = arith.constant 0 : i32
          %ne3A_1143 = arith.cmpi ne, %rem3A_1141, %ne3A_1142 : i32
          %and3A_1144 = arith.andi %ne3A_1140, %ne3A_1143 : i1
          %sub3A_1145 = arith.constant 1 : i32
          %sub3A_1146 = arith.subi %div3A_1125, %sub3A_1145 : i32
          %select_n3A_1147 = arith.select %and3A_1144, %sub3A_1146, %div3A_1125 : i32
          %mul3A_1148 = arith.constant 128 : i32
          %mul3A_1149 = arith.muli %select_n3A_1147, %mul3A_1148 : i32
          %multiple_of3A = tpu.assume_multiple %mul3A_1149, 128 : i32
          %dma_start3A_1150 = arith.constant 0 : i32
          %dma_start3A_1151 = tpu.memref_slice %arg5[%dma_start3A_1150, %multiple_of3A] : memref<64x1000000xf32, #tpu.memory_space<hbm>> -> memref<64x128xf32, #tpu.memory_space<hbm>>
          %dma_start3A_1152 = arith.constant 0 : i32
          %dma_start3A_1153 = tpu.memref_slice %arg5[%dma_start3A_1152, %multiple_of3A] : memref<64x1000000xf32, #tpu.memory_space<hbm>> -> memref<64x128xf32, #tpu.memory_space<hbm>>
          tpu.enqueue_dma source(%dma_start3A_1153 : memref<64x128xf32, #tpu.memory_space<hbm>>) target(%arg21 : memref<64x128xf32, #tpu.memory_space<vmem>>) target_semaphore(%arg28 : memref<!tpu.dma_semaphore, #tpu.memory_space<semaphore_mem>>)
        } else {
        }
        %ge3A_1119 = arith.constant 999936 : i32
        %ge3A_1120 = arith.cmpi sge, %reduce_sum3A_1103, %ge3A_1119 : i32
        %convert_element_type3A_1121 = arith.extui %ge3A_1120 : i1 to i32
        %cond3A_1122 = arith.constant 0 : i32
        %cond3A_1123 = arith.cmpi ne, %convert_element_type3A_1121, %cond3A_1122 : i32
        scf.if %cond3A_1123 {
          tpu.enqueue_dma source(%arg6 : memref<64x128xf32, #tpu.memory_space<hbm>>) target(%arg21 : memref<64x128xf32, #tpu.memory_space<vmem>>) target_semaphore(%arg28 : memref<!tpu.dma_semaphore, #tpu.memory_space<semaphore_mem>>)
        } else {
        }
      } else {
      }
      %mul3A_853 = arith.constant 4 : i32
      %mul3A_854 = arith.muli %scan3A_259, %mul3A_853 : i32
      %add3A_855 = arith.constant 3 : i32
      %add3A_856 = arith.addi %mul3A_854, %add3A_855 : i32
      %dma_wait3A_857 = arith.constant 0 : i32
      %dma_wait3A_858 = arith.constant 0 : i32
      %dma_wait3A_859 = tpu.memref_slice %arg5[%dma_wait3A_857, %dma_wait3A_858] : memref<64x1000000xf32, #tpu.memory_space<hbm>> -> memref<64x128xf32, #tpu.memory_space<hbm>>
      %dma_wait3A_860 = arith.constant 0 : i32
      %dma_wait3A_861 = arith.constant 0 : i32
      %dma_wait3A_862 = tpu.memref_slice %arg5[%dma_wait3A_860, %dma_wait3A_861] : memref<64x1000000xf32, #tpu.memory_space<hbm>> -> memref<64x128xf32, #tpu.memory_space<hbm>>
      tpu.wait_dma2 semaphore(%arg29 : memref<!tpu.dma_semaphore, #tpu.memory_space<semaphore_mem>>) src(%dma_wait3A_862 : memref<64x128xf32, #tpu.memory_space<hbm>>) dst(%arg18 : memref<64x128xf32, #tpu.memory_space<vmem>>)
      %dma_wait3A_863 = arith.constant 0 : i32
      %dma_wait3A_864 = arith.constant 0 : i32
      %dma_wait3A_865 = tpu.memref_slice %arg5[%dma_wait3A_863, %dma_wait3A_864] : memref<64x1000000xf32, #tpu.memory_space<hbm>> -> memref<64x128xf32, #tpu.memory_space<hbm>>
      %dma_wait3A_866 = arith.constant 0 : i32
      %dma_wait3A_867 = arith.constant 0 : i32
      %dma_wait3A_868 = tpu.memref_slice %arg5[%dma_wait3A_866, %dma_wait3A_867] : memref<64x1000000xf32, #tpu.memory_space<hbm>> -> memref<64x128xf32, #tpu.memory_space<hbm>>
      tpu.wait_dma2 semaphore(%arg29 : memref<!tpu.dma_semaphore, #tpu.memory_space<semaphore_mem>>) src(%dma_wait3A_868 : memref<64x128xf32, #tpu.memory_space<hbm>>) dst(%arg22 : memref<64x128xf32, #tpu.memory_space<vmem>>)
      %jit3A_869 = arith.constant 16 : i32
      %div3A_870 = arith.divsi %add3A_856, %jit3A_869 : i32
      %sign3A_871 = arith.constant 0 : i32
      %sign3A_872 = arith.cmpi sgt, %add3A_856, %sign3A_871 : i32
      %sign3A_873 = arith.extui %sign3A_872 : i1 to i32
      %sign3A_874 = arith.constant 0 : i32
      %sign3A_875 = arith.cmpi slt, %add3A_856, %sign3A_874 : i32
      %sign3A_876 = arith.extui %sign3A_875 : i1 to i32
      %sign3A_877 = arith.subi %sign3A_873, %sign3A_876 : i32
      %sign3A_878 = arith.constant 0 : i32
      %sign3A_879 = arith.cmpi sgt, %jit3A_869, %sign3A_878 : i32
      %sign3A_880 = arith.extui %sign3A_879 : i1 to i32
      %sign3A_881 = arith.constant 0 : i32
      %sign3A_882 = arith.cmpi slt, %jit3A_869, %sign3A_881 : i32
      %sign3A_883 = arith.extui %sign3A_882 : i1 to i32
      %sign3A_884 = arith.subi %sign3A_880, %sign3A_883 : i32
      %ne3A_885 = arith.cmpi ne, %sign3A_877, %sign3A_884 : i32
      %rem3A_886 = arith.remsi %add3A_856, %jit3A_869 : i32
      %ne3A_887 = arith.constant 0 : i32
      %ne3A_888 = arith.cmpi ne, %rem3A_886, %ne3A_887 : i32
      %and3A_889 = arith.andi %ne3A_885, %ne3A_888 : i1
      %sub3A_890 = arith.constant 1 : i32
      %sub3A_891 = arith.subi %div3A_870, %sub3A_890 : i32
      %select_n3A_892 = arith.select %and3A_889, %sub3A_891, %div3A_870 : i32
      %mul3A_893 = arith.constant 16 : i32
      %mul3A_894 = arith.muli %select_n3A_892, %mul3A_893 : i32
      %sub3A_895 = arith.subi %add3A_856, %mul3A_894 : i32
      %get3A_896 = arith.index_cast %mul3A_894 : i32 to index
      %get3A_897 = tpu.vector_load %arg11[%get3A_896] {strides = array<i32>} : memref<128xi32, #tpu.memory_space<vmem>>, vector<16xi32>,
      %eq3A_898 = vector.broadcast %sub3A_895 : i32 to vector<16xi32>
      %eq3A_899 = arith.cmpi eq, %iota3A, %eq3A_898 : vector<16xi32>
      %jit3A_900 = arith.constant 0 : i32
      %broadcast_in_dim3A_901 = vector.broadcast %jit3A_900 : i32 to vector<16xi32>
      %select_n3A_902 = arith.select %eq3A_899, %get3A_897, %broadcast_in_dim3A_901 : vector<16xi1>, vector<16xi32>
      %reduce_sum3A_903 = arith.constant true
      %reduce_sum3A_904 = vector.broadcast %reduce_sum3A_903 : i1 to vector<16xi1>
      %reduce_sum3A_905 = tpu.scan <sum>, %select_n3A_902 masked %reduce_sum3A_904 : vector<16xi32>, vector<16xi1> -> vector<16xi32>
      %reduce_sum3A_906 = vector.extract %reduce_sum3A_905[15] : i32 from vector<16xi32>
      %get3A_907 = arith.index_cast %mul3A_894 : i32 to index
      %get3A_908 = tpu.vector_load %arg13[%get3A_907] {strides = array<i32>} : memref<128xi32, #tpu.memory_space<vmem>>, vector<16xi32>,
      %eq3A_909 = vector.broadcast %sub3A_895 : i32 to vector<16xi32>
      %eq3A_910 = arith.cmpi eq, %iota3A, %eq3A_909 : vector<16xi32>
      %jit3A_911 = arith.constant 0 : i32
      %broadcast_in_dim3A_912 = vector.broadcast %jit3A_911 : i32 to vector<16xi32>
      %select_n3A_913 = arith.select %eq3A_910, %get3A_908, %broadcast_in_dim3A_912 : vector<16xi1>, vector<16xi32>
      %reduce_sum3A_914 = arith.constant true
      %reduce_sum3A_915 = vector.broadcast %reduce_sum3A_914 : i1 to vector<16xi1>
      %reduce_sum3A_916 = tpu.scan <sum>, %select_n3A_913 masked %reduce_sum3A_915 : vector<16xi32>, vector<16xi1> -> vector<16xi32>
      %reduce_sum3A_917 = vector.extract %reduce_sum3A_916[15] : i32 from vector<16xi32>
      %get3A_918 = arith.index_cast %mul3A_894 : i32 to index
      %get3A_919 = tpu.vector_load %arg12[%get3A_918] {strides = array<i32>} : memref<128xi32, #tpu.memory_space<vmem>>, vector<16xi32>,
      %eq3A_920 = vector.broadcast %sub3A_895 : i32 to vector<16xi32>
      %eq3A_921 = arith.cmpi eq, %iota3A, %eq3A_920 : vector<16xi32>
      %jit3A_922 = arith.constant 0 : i32
      %broadcast_in_dim3A_923 = vector.broadcast %jit3A_922 : i32 to vector<16xi32>
      %select_n3A_924 = arith.select %eq3A_921, %get3A_919, %broadcast_in_dim3A_923 : vector<16xi1>, vector<16xi32>
      %reduce_sum3A_925 = arith.constant true
      %reduce_sum3A_926 = vector.broadcast %reduce_sum3A_925 : i1 to vector<16xi1>
      %reduce_sum3A_927 = tpu.scan <sum>, %select_n3A_924 masked %reduce_sum3A_926 : vector<16xi32>, vector<16xi1> -> vector<16xi32>
      %reduce_sum3A_928 = vector.extract %reduce_sum3A_927[15] : i32 from vector<16xi32>
      %ge3A_929 = arith.constant 999936 : i32
      %ge3A_930 = arith.cmpi sge, %reduce_sum3A_906, %ge3A_929 : i32
      %sub3A_931 = arith.constant 999936 : i32
      %sub3A_932 = arith.subi %reduce_sum3A_906, %sub3A_931 : i32
      %jit3A_933 = arith.constant 128 : i32
      %div3A_934 = arith.divsi %reduce_sum3A_906, %jit3A_933 : i32
      %sign3A_935 = arith.constant 0 : i32
      %sign3A_936 = arith.cmpi sgt, %reduce_sum3A_906, %sign3A_935 : i32
      %sign3A_937 = arith.extui %sign3A_936 : i1 to i32
      %sign3A_938 = arith.constant 0 : i32
      %sign3A_939 = arith.cmpi slt, %reduce_sum3A_906, %sign3A_938 : i32
      %sign3A_940 = arith.extui %sign3A_939 : i1 to i32
      %sign3A_941 = arith.subi %sign3A_937, %sign3A_940 : i32
      %sign3A_942 = arith.constant 0 : i32
      %sign3A_943 = arith.cmpi sgt, %jit3A_933, %sign3A_942 : i32
      %sign3A_944 = arith.extui %sign3A_943 : i1 to i32
      %sign3A_945 = arith.constant 0 : i32
      %sign3A_946 = arith.cmpi slt, %jit3A_933, %sign3A_945 : i32
      %sign3A_947 = arith.extui %sign3A_946 : i1 to i32
      %sign3A_948 = arith.subi %sign3A_944, %sign3A_947 : i32
      %ne3A_949 = arith.cmpi ne, %sign3A_941, %sign3A_948 : i32
      %rem3A_950 = arith.remsi %reduce_sum3A_906, %jit3A_933 : i32
      %ne3A_951 = arith.constant 0 : i32
      %ne3A_952 = arith.cmpi ne, %rem3A_950, %ne3A_951 : i32
      %and3A_953 = arith.andi %ne3A_949, %ne3A_952 : i1
      %sub3A_954 = arith.constant 1 : i32
      %sub3A_955 = arith.subi %div3A_934, %sub3A_954 : i32
      %select_n3A_956 = arith.select %and3A_953, %sub3A_955, %div3A_934 : i32
      %mul3A_957 = arith.constant 128 : i32
      %mul3A_958 = arith.muli %select_n3A_956, %mul3A_957 : i32
      %sub3A_959 = arith.subi %reduce_sum3A_906, %mul3A_958 : i32
      %select_n3A_960 = arith.select %ge3A_930, %sub3A_932, %sub3A_959 : i32
      %ge3A_961 = arith.constant 999936 : i32
      %ge3A_962 = arith.cmpi sge, %reduce_sum3A_917, %ge3A_961 : i32
      %sub3A_963 = arith.constant 999936 : i32
      %sub3A_964 = arith.subi %reduce_sum3A_917, %sub3A_963 : i32
      %jit3A_965 = arith.constant 128 : i32
      %div3A_966 = arith.divsi %reduce_sum3A_917, %jit3A_965 : i32
      %sign3A_967 = arith.constant 0 : i32
      %sign3A_968 = arith.cmpi sgt, %reduce_sum3A_917, %sign3A_967 : i32
      %sign3A_969 = arith.extui %sign3A_968 : i1 to i32
      %sign3A_970 = arith.constant 0 : i32
      %sign3A_971 = arith.cmpi slt, %reduce_sum3A_917, %sign3A_970 : i32
      %sign3A_972 = arith.extui %sign3A_971 : i1 to i32
      %sign3A_973 = arith.subi %sign3A_969, %sign3A_972 : i32
      %sign3A_974 = arith.constant 0 : i32
      %sign3A_975 = arith.cmpi sgt, %jit3A_965, %sign3A_974 : i32
      %sign3A_976 = arith.extui %sign3A_975 : i1 to i32
      %sign3A_977 = arith.constant 0 : i32
      %sign3A_978 = arith.cmpi slt, %jit3A_965, %sign3A_977 : i32
      %sign3A_979 = arith.extui %sign3A_978 : i1 to i32
      %sign3A_980 = arith.subi %sign3A_976, %sign3A_979 : i32
      %ne3A_981 = arith.cmpi ne, %sign3A_973, %sign3A_980 : i32
      %rem3A_982 = arith.remsi %reduce_sum3A_917, %jit3A_965 : i32
      %ne3A_983 = arith.constant 0 : i32
      %ne3A_984 = arith.cmpi ne, %rem3A_982, %ne3A_983 : i32
      %and3A_985 = arith.andi %ne3A_981, %ne3A_984 : i1
      %sub3A_986 = arith.constant 1 : i32
      %sub3A_987 = arith.subi %div3A_966, %sub3A_986 : i32
      %select_n3A_988 = arith.select %and3A_985, %sub3A_987, %div3A_966 : i32
      %mul3A_989 = arith.constant 128 : i32
      %mul3A_990 = arith.muli %select_n3A_988, %mul3A_989 : i32
      %sub3A_991 = arith.subi %reduce_sum3A_917, %mul3A_990 : i32
      %select_n3A_992 = arith.select %ge3A_962, %sub3A_964, %sub3A_991 : i32
      %broadcast_in_dim3A_993 = vector.broadcast %select_n3A_960 : i32 to vector<16xi32>
      %broadcast_in_dim3A_994 = vector.broadcast %select_n3A_992 : i32 to vector<16xi32>
      %broadcast_in_dim3A_995 = vector.broadcast %reduce_sum3A_928 : i32 to vector<16xi32>
      %broadcast_in_dim3A_996 = arith.constant 0.000000e+00 : f32
      %broadcast_in_dim3A_997 = vector.broadcast %broadcast_in_dim3A_996 : f32 to vector<16xf32>
      %add3A_998 = arith.constant 0 : i32
      %add3A_999 = vector.broadcast %add3A_998 : i32 to vector<16xi32>
      %add3A_1000 = arith.addi %iota3A, %add3A_999 : vector<16xi32>
      %gather3A_1001 = tpu.vector_load_idx %arg18[%add3A_1000, %broadcast_in_dim3A_993] : memref<64x128xf32, #tpu.memory_space<vmem>>[vector<16xi32>, vector<16xi32>], vector<16xf32>,
      %gather3A_1002 = tpu.vector_load_idx %arg22[%add3A_1000, %broadcast_in_dim3A_994] : memref<64x128xf32, #tpu.memory_space<vmem>>[vector<16xi32>, vector<16xi32>], vector<16xf32>,
      %gather3A_1003 = tpu.vector_load_idx %arg14[%broadcast_in_dim3A_995, %add3A_1000] : memref<64x64xf32, #tpu.memory_space<vmem>>[vector<16xi32>, vector<16xi32>], vector<16xf32>,
      %mul3A_1004 = arith.mulf %gather3A_1001, %gather3A_1003 : vector<16xf32>
      %mul3A_1005 = arith.mulf %mul3A_1004, %gather3A_1002 : vector<16xf32>
      %add3A_1006 = arith.addf %broadcast_in_dim3A_997, %mul3A_1005 : vector<16xf32>
      %add3A_1007 = arith.constant 16 : i32
      %add3A_1008 = vector.broadcast %add3A_1007 : i32 to vector<16xi32>
      %add3A_1009 = arith.addi %iota3A, %add3A_1008 : vector<16xi32>
      %gather3A_1010 = tpu.vector_load_idx %arg18[%add3A_1009, %broadcast_in_dim3A_993] : memref<64x128xf32, #tpu.memory_space<vmem>>[vector<16xi32>, vector<16xi32>], vector<16xf32>,
      %gather3A_1011 = tpu.vector_load_idx %arg22[%add3A_1009, %broadcast_in_dim3A_994] : memref<64x128xf32, #tpu.memory_space<vmem>>[vector<16xi32>, vector<16xi32>], vector<16xf32>,
      %gather3A_1012 = tpu.vector_load_idx %arg14[%broadcast_in_dim3A_995, %add3A_1009] : memref<64x64xf32, #tpu.memory_space<vmem>>[vector<16xi32>, vector<16xi32>], vector<16xf32>,
      %mul3A_1013 = arith.mulf %gather3A_1010, %gather3A_1012 : vector<16xf32>
      %mul3A_1014 = arith.mulf %mul3A_1013, %gather3A_1011 : vector<16xf32>
      %add3A_1015 = arith.addf %add3A_1006, %mul3A_1014 : vector<16xf32>
      %add3A_1016 = arith.constant 32 : i32
      %add3A_1017 = vector.broadcast %add3A_1016 : i32 to vector<16xi32>
      %add3A_1018 = arith.addi %iota3A, %add3A_1017 : vector<16xi32>
      %gather3A_1019 = tpu.vector_load_idx %arg18[%add3A_1018, %broadcast_in_dim3A_993] : memref<64x128xf32, #tpu.memory_space<vmem>>[vector<16xi32>, vector<16xi32>], vector<16xf32>,
      %gather3A_1020 = tpu.vector_load_idx %arg22[%add3A_1018, %broadcast_in_dim3A_994] : memref<64x128xf32, #tpu.memory_space<vmem>>[vector<16xi32>, vector<16xi32>], vector<16xf32>,
      %gather3A_1021 = tpu.vector_load_idx %arg14[%broadcast_in_dim3A_995, %add3A_1018] : memref<64x64xf32, #tpu.memory_space<vmem>>[vector<16xi32>, vector<16xi32>], vector<16xf32>,
      %mul3A_1022 = arith.mulf %gather3A_1019, %gather3A_1021 : vector<16xf32>
      %mul3A_1023 = arith.mulf %mul3A_1022, %gather3A_1020 : vector<16xf32>
      %add3A_1024 = arith.addf %add3A_1015, %mul3A_1023 : vector<16xf32>
      %add3A_1025 = arith.constant 48 : i32
      %add3A_1026 = vector.broadcast %add3A_1025 : i32 to vector<16xi32>
      %add3A_1027 = arith.addi %iota3A, %add3A_1026 : vector<16xi32>
      %gather3A_1028 = tpu.vector_load_idx %arg18[%add3A_1027, %broadcast_in_dim3A_993] : memref<64x128xf32, #tpu.memory_space<vmem>>[vector<16xi32>, vector<16xi32>], vector<16xf32>,
      %gather3A_1029 = tpu.vector_load_idx %arg22[%add3A_1027, %broadcast_in_dim3A_994] : memref<64x128xf32, #tpu.memory_space<vmem>>[vector<16xi32>, vector<16xi32>], vector<16xf32>,
      %gather3A_1030 = tpu.vector_load_idx %arg14[%broadcast_in_dim3A_995, %add3A_1027] : memref<64x64xf32, #tpu.memory_space<vmem>>[vector<16xi32>, vector<16xi32>], vector<16xf32>,
      %mul3A_1031 = arith.mulf %gather3A_1028, %gather3A_1030 : vector<16xf32>
      %mul3A_1032 = arith.mulf %mul3A_1031, %gather3A_1029 : vector<16xf32>
      %add3A_1033 = arith.addf %add3A_1024, %mul3A_1032 : vector<16xf32>
      %reduce_sum3A_1034 = arith.constant true
      %reduce_sum3A_1035 = vector.broadcast %reduce_sum3A_1034 : i1 to vector<16xi1>
      %reduce_sum3A_1036 = tpu.scan <sum>, %add3A_1033 masked %reduce_sum3A_1035 : vector<16xf32>, vector<16xi1> -> vector<16xf32>
      %reduce_sum3A_1037 = vector.extract %reduce_sum3A_1036[15] : f32 from vector<16xf32>
      %eq3A_1038 = vector.broadcast %sub3A_895 : i32 to vector<16xi32>
      %eq3A_1039 = arith.cmpi eq, %iota3A, %eq3A_1038 : vector<16xi32>
      %get3A_1040 = arith.index_cast %mul3A_894 : i32 to index
      %get3A_1041 = tpu.vector_load %arg25[%get3A_1040] {strides = array<i32>} : memref<128xf32, #tpu.memory_space<vmem>>, vector<16xf32>,
      %broadcast_in_dim3A_1042 = vector.broadcast %reduce_sum3A_1037 : f32 to vector<16xf32>
      %select_n3A_1043 = arith.select %eq3A_1039, %broadcast_in_dim3A_1042, %get3A_1041 : vector<16xi1>, vector<16xf32>
      %swap3A_1044 = arith.index_cast %mul3A_894 : i32 to index
      %swap3A_1045 = tpu.vector_load %arg25[%swap3A_1044] {strides = array<i32>} : memref<128xf32, #tpu.memory_space<vmem>>, vector<16xf32>,
      tpu.vector_store %arg25[%swap3A_1044], %select_n3A_1043 {strides = array<i32>} : memref<128xf32, #tpu.memory_space<vmem>>, vector<16xf32>,
      %add3A_1046 = arith.constant 1 : i32
      %add3A_1047 = arith.addi %scan3A_259, %add3A_1046 : i32
      %lt3A_1048 = arith.constant 32 : i32
      %lt3A_1049 = arith.cmpi slt, %add3A_1047, %lt3A_1048 : i32
      %convert_element_type3A_1050 = arith.extui %lt3A_1049 : i1 to i32
      %cond3A_1051 = arith.constant 0 : i32
      %cond3A_1052 = arith.cmpi ne, %convert_element_type3A_1050, %cond3A_1051 : i32
      scf.if %cond3A_1052 {
        %add3A_1053 = arith.constant 4 : i32
        %add3A_1054 = arith.addi %add3A_856, %add3A_1053 : i32
        %jit3A_1055 = arith.constant 16 : i32
        %div3A_1056 = arith.divsi %add3A_1054, %jit3A_1055 : i32
        %sign3A_1057 = arith.constant 0 : i32
        %sign3A_1058 = arith.cmpi sgt, %add3A_1054, %sign3A_1057 : i32
        %sign3A_1059 = arith.extui %sign3A_1058 : i1 to i32
        %sign3A_1060 = arith.constant 0 : i32
        %sign3A_1061 = arith.cmpi slt, %add3A_1054, %sign3A_1060 : i32
        %sign3A_1062 = arith.extui %sign3A_1061 : i1 to i32
        %sign3A_1063 = arith.subi %sign3A_1059, %sign3A_1062 : i32
        %sign3A_1064 = arith.constant 0 : i32
        %sign3A_1065 = arith.cmpi sgt, %jit3A_1055, %sign3A_1064 : i32
        %sign3A_1066 = arith.extui %sign3A_1065 : i1 to i32
        %sign3A_1067 = arith.constant 0 : i32
        %sign3A_1068 = arith.cmpi slt, %jit3A_1055, %sign3A_1067 : i32
        %sign3A_1069 = arith.extui %sign3A_1068 : i1 to i32
        %sign3A_1070 = arith.subi %sign3A_1066, %sign3A_1069 : i32
        %ne3A_1071 = arith.cmpi ne, %sign3A_1063, %sign3A_1070 : i32
        %rem3A_1072 = arith.remsi %add3A_1054, %jit3A_1055 : i32
        %ne3A_1073 = arith.constant 0 : i32
        %ne3A_1074 = arith.cmpi ne, %rem3A_1072, %ne3A_1073 : i32
        %and3A_1075 = arith.andi %ne3A_1071, %ne3A_1074 : i1
        %sub3A_1076 = arith.constant 1 : i32
        %sub3A_1077 = arith.subi %div3A_1056, %sub3A_1076 : i32
        %select_n3A_1078 = arith.select %and3A_1075, %sub3A_1077, %div3A_1056 : i32
        %mul3A_1079 = arith.constant 16 : i32
        %mul3A_1080 = arith.muli %select_n3A_1078, %mul3A_1079 : i32
        %sub3A_1081 = arith.subi %add3A_1054, %mul3A_1080 : i32
        %get3A_1082 = arith.index_cast %mul3A_1080 : i32 to index
        %get3A_1083 = tpu.vector_load %arg11[%get3A_1082] {strides = array<i32>} : memref<128xi32, #tpu.memory_space<vmem>>, vector<16xi32>,
        %get3A_1084 = arith.index_cast %mul3A_1080 : i32 to index
        %get3A_1085 = tpu.vector_load %arg13[%get3A_1084] {strides = array<i32>} : memref<128xi32, #tpu.memory_space<vmem>>, vector<16xi32>,
        %eq3A_1086 = vector.broadcast %sub3A_1081 : i32 to vector<16xi32>
        %eq3A_1087 = arith.cmpi eq, %iota3A, %eq3A_1086 : vector<16xi32>
        %jit3A_1088 = arith.constant 0 : i32
        %broadcast_in_dim3A_1089 = vector.broadcast %jit3A_1088 : i32 to vector<16xi32>
        %select_n3A_1090 = arith.select %eq3A_1087, %get3A_1083, %broadcast_in_dim3A_1089 : vector<16xi1>, vector<16xi32>
        %reduce_sum3A_1091 = arith.constant true
        %reduce_sum3A_1092 = vector.broadcast %reduce_sum3A_1091 : i1 to vector<16xi1>
        %reduce_sum3A_1093 = tpu.scan <sum>, %select_n3A_1090 masked %reduce_sum3A_1092 : vector<16xi32>, vector<16xi1> -> vector<16xi32>
        %reduce_sum3A_1094 = vector.extract %reduce_sum3A_1093[15] : i32 from vector<16xi32>
        %eq3A_1095 = vector.broadcast %sub3A_1081 : i32 to vector<16xi32>
        %eq3A_1096 = arith.cmpi eq, %iota3A, %eq3A_1095 : vector<16xi32>
        %jit3A_1097 = arith.constant 0 : i32
        %broadcast_in_dim3A_1098 = vector.broadcast %jit3A_1097 : i32 to vector<16xi32>
        %select_n3A_1099 = arith.select %eq3A_1096, %get3A_1085, %broadcast_in_dim3A_1098 : vector<16xi1>, vector<16xi32>
        %reduce_sum3A_1100 = arith.constant true
        %reduce_sum3A_1101 = vector.broadcast %reduce_sum3A_1100 : i1 to vector<16xi1>
        %reduce_sum3A_1102 = tpu.scan <sum>, %select_n3A_1099 masked %reduce_sum3A_1101 : vector<16xi32>, vector<16xi1> -> vector<16xi32>
        %reduce_sum3A_1103 = vector.extract %reduce_sum3A_1102[15] : i32 from vector<16xi32>
        %lt3A_1104 = arith.constant 999936 : i32
        %lt3A_1105 = arith.cmpi slt, %reduce_sum3A_1094, %lt3A_1104 : i32
        %convert_element_type3A_1106 = arith.extui %lt3A_1105 : i1 to i32
        %cond3A_1107 = arith.constant 0 : i32
        %cond3A_1108 = arith.cmpi ne, %convert_element_type3A_1106, %cond3A_1107 : i32
        scf.if %cond3A_1108 {
          %jit3A_1124 = arith.constant 128 : i32
          %div3A_1125 = arith.divsi %reduce_sum3A_1094, %jit3A_1124 : i32
          %sign3A_1126 = arith.constant 0 : i32
          %sign3A_1127 = arith.cmpi sgt, %reduce_sum3A_1094, %sign3A_1126 : i32
          %sign3A_1128 = arith.extui %sign3A_1127 : i1 to i32
          %sign3A_1129 = arith.constant 0 : i32
          %sign3A_1130 = arith.cmpi slt, %reduce_sum3A_1094, %sign3A_1129 : i32
          %sign3A_1131 = arith.extui %sign3A_1130 : i1 to i32
          %sign3A_1132 = arith.subi %sign3A_1128, %sign3A_1131 : i32
          %sign3A_1133 = arith.constant 0 : i32
          %sign3A_1134 = arith.cmpi sgt, %jit3A_1124, %sign3A_1133 : i32
          %sign3A_1135 = arith.extui %sign3A_1134 : i1 to i32
          %sign3A_1136 = arith.constant 0 : i32
          %sign3A_1137 = arith.cmpi slt, %jit3A_1124, %sign3A_1136 : i32
          %sign3A_1138 = arith.extui %sign3A_1137 : i1 to i32
          %sign3A_1139 = arith.subi %sign3A_1135, %sign3A_1138 : i32
          %ne3A_1140 = arith.cmpi ne, %sign3A_1132, %sign3A_1139 : i32
          %rem3A_1141 = arith.remsi %reduce_sum3A_1094, %jit3A_1124 : i32
          %ne3A_1142 = arith.constant 0 : i32
          %ne3A_1143 = arith.cmpi ne, %rem3A_1141, %ne3A_1142 : i32
          %and3A_1144 = arith.andi %ne3A_1140, %ne3A_1143 : i1
          %sub3A_1145 = arith.constant 1 : i32
          %sub3A_1146 = arith.subi %div3A_1125, %sub3A_1145 : i32
          %select_n3A_1147 = arith.select %and3A_1144, %sub3A_1146, %div3A_1125 : i32
          %mul3A_1148 = arith.constant 128 : i32
          %mul3A_1149 = arith.muli %select_n3A_1147, %mul3A_1148 : i32
          %multiple_of3A = tpu.assume_multiple %mul3A_1149, 128 : i32
          %dma_start3A_1150 = arith.constant 0 : i32
          %dma_start3A_1151 = tpu.memref_slice %arg5[%dma_start3A_1150, %multiple_of3A] : memref<64x1000000xf32, #tpu.memory_space<hbm>> -> memref<64x128xf32, #tpu.memory_space<hbm>>
          %dma_start3A_1152 = arith.constant 0 : i32
          %dma_start3A_1153 = tpu.memref_slice %arg5[%dma_start3A_1152, %multiple_of3A] : memref<64x1000000xf32, #tpu.memory_space<hbm>> -> memref<64x128xf32, #tpu.memory_space<hbm>>
          tpu.enqueue_dma source(%dma_start3A_1153 : memref<64x128xf32, #tpu.memory_space<hbm>>) target(%arg18 : memref<64x128xf32, #tpu.memory_space<vmem>>) target_semaphore(%arg29 : memref<!tpu.dma_semaphore, #tpu.memory_space<semaphore_mem>>)
        } else {
        }
        %ge3A_1109 = arith.constant 999936 : i32
        %ge3A_1110 = arith.cmpi sge, %reduce_sum3A_1094, %ge3A_1109 : i32
        %convert_element_type3A_1111 = arith.extui %ge3A_1110 : i1 to i32
        %cond3A_1112 = arith.constant 0 : i32
        %cond3A_1113 = arith.cmpi ne, %convert_element_type3A_1111, %cond3A_1112 : i32
        scf.if %cond3A_1113 {
          tpu.enqueue_dma source(%arg6 : memref<64x128xf32, #tpu.memory_space<hbm>>) target(%arg18 : memref<64x128xf32, #tpu.memory_space<vmem>>) target_semaphore(%arg29 : memref<!tpu.dma_semaphore, #tpu.memory_space<semaphore_mem>>)
        } else {
        }
        %lt3A_1114 = arith.constant 999936 : i32
        %lt3A_1115 = arith.cmpi slt, %reduce_sum3A_1103, %lt3A_1114 : i32
        %convert_element_type3A_1116 = arith.extui %lt3A_1115 : i1 to i32
        %cond3A_1117 = arith.constant 0 : i32
        %cond3A_1118 = arith.cmpi ne, %convert_element_type3A_1116, %cond3A_1117 : i32
        scf.if %cond3A_1118 {
          %jit3A_1124 = arith.constant 128 : i32
          %div3A_1125 = arith.divsi %reduce_sum3A_1103, %jit3A_1124 : i32
          %sign3A_1126 = arith.constant 0 : i32
          %sign3A_1127 = arith.cmpi sgt, %reduce_sum3A_1103, %sign3A_1126 : i32
          %sign3A_1128 = arith.extui %sign3A_1127 : i1 to i32
          %sign3A_1129 = arith.constant 0 : i32
          %sign3A_1130 = arith.cmpi slt, %reduce_sum3A_1103, %sign3A_1129 : i32
          %sign3A_1131 = arith.extui %sign3A_1130 : i1 to i32
          %sign3A_1132 = arith.subi %sign3A_1128, %sign3A_1131 : i32
          %sign3A_1133 = arith.constant 0 : i32
          %sign3A_1134 = arith.cmpi sgt, %jit3A_1124, %sign3A_1133 : i32
          %sign3A_1135 = arith.extui %sign3A_1134 : i1 to i32
          %sign3A_1136 = arith.constant 0 : i32
          %sign3A_1137 = arith.cmpi slt, %jit3A_1124, %sign3A_1136 : i32
          %sign3A_1138 = arith.extui %sign3A_1137 : i1 to i32
          %sign3A_1139 = arith.subi %sign3A_1135, %sign3A_1138 : i32
          %ne3A_1140 = arith.cmpi ne, %sign3A_1132, %sign3A_1139 : i32
          %rem3A_1141 = arith.remsi %reduce_sum3A_1103, %jit3A_1124 : i32
          %ne3A_1142 = arith.constant 0 : i32
          %ne3A_1143 = arith.cmpi ne, %rem3A_1141, %ne3A_1142 : i32
          %and3A_1144 = arith.andi %ne3A_1140, %ne3A_1143 : i1
          %sub3A_1145 = arith.constant 1 : i32
          %sub3A_1146 = arith.subi %div3A_1125, %sub3A_1145 : i32
          %select_n3A_1147 = arith.select %and3A_1144, %sub3A_1146, %div3A_1125 : i32
          %mul3A_1148 = arith.constant 128 : i32
          %mul3A_1149 = arith.muli %select_n3A_1147, %mul3A_1148 : i32
          %multiple_of3A = tpu.assume_multiple %mul3A_1149, 128 : i32
          %dma_start3A_1150 = arith.constant 0 : i32
          %dma_start3A_1151 = tpu.memref_slice %arg5[%dma_start3A_1150, %multiple_of3A] : memref<64x1000000xf32, #tpu.memory_space<hbm>> -> memref<64x128xf32, #tpu.memory_space<hbm>>
          %dma_start3A_1152 = arith.constant 0 : i32
          %dma_start3A_1153 = tpu.memref_slice %arg5[%dma_start3A_1152, %multiple_of3A] : memref<64x1000000xf32, #tpu.memory_space<hbm>> -> memref<64x128xf32, #tpu.memory_space<hbm>>
          tpu.enqueue_dma source(%dma_start3A_1153 : memref<64x128xf32, #tpu.memory_space<hbm>>) target(%arg22 : memref<64x128xf32, #tpu.memory_space<vmem>>) target_semaphore(%arg29 : memref<!tpu.dma_semaphore, #tpu.memory_space<semaphore_mem>>)
        } else {
        }
        %ge3A_1119 = arith.constant 999936 : i32
        %ge3A_1120 = arith.cmpi sge, %reduce_sum3A_1103, %ge3A_1119 : i32
        %convert_element_type3A_1121 = arith.extui %ge3A_1120 : i1 to i32
        %cond3A_1122 = arith.constant 0 : i32
        %cond3A_1123 = arith.cmpi ne, %convert_element_type3A_1121, %cond3A_1122 : i32
        scf.if %cond3A_1123 {
          tpu.enqueue_dma source(%arg6 : memref<64x128xf32, #tpu.memory_space<hbm>>) target(%arg22 : memref<64x128xf32, #tpu.memory_space<vmem>>) target_semaphore(%arg29 : memref<!tpu.dma_semaphore, #tpu.memory_space<semaphore_mem>>)
        } else {
        }
      } else {
      }
    }
    %scan3A_176 = arith.constant 32 : i32
    %dma_wait3A = arith.constant 0 : i32
    %dma_wait3A_177 = tpu.memref_slice %arg8[%dma_wait3A] : memref<1000000xf32, #tpu.memory_space<hbm>> -> memref<1000000xf32, #tpu.memory_space<hbm>>
    tpu.wait_indirect_dma semaphore(%arg30 : memref<!tpu.dma_semaphore, #tpu.memory_space<semaphore_mem>>) src(%dma_wait3A_177 : memref<1000000xf32, #tpu.memory_space<hbm>>) dst(%arg23 : memref<128xf32, #tpu.memory_space<vmem>>)
    %dma_wait3A_178 = arith.constant 0 : i32
    %dma_wait3A_179 = tpu.memref_slice %arg9[%dma_wait3A_178] : memref<1000000xf32, #tpu.memory_space<hbm>> -> memref<1000000xf32, #tpu.memory_space<hbm>>
    tpu.wait_indirect_dma semaphore(%arg31 : memref<!tpu.dma_semaphore, #tpu.memory_space<semaphore_mem>>) src(%dma_wait3A_179 : memref<1000000xf32, #tpu.memory_space<hbm>>) dst(%arg24 : memref<128xf32, #tpu.memory_space<vmem>>)
    %get3A_180 = arith.constant 0 : index
    %get3A_181 = tpu.vector_load %arg25[%get3A_180] {strides = array<i32>} : memref<128xf32, #tpu.memory_space<vmem>>, vector<16xf32>,
    %get3A_182 = arith.constant 0 : index
    %get3A_183 = tpu.vector_load %arg23[%get3A_182] {strides = array<i32>} : memref<128xf32, #tpu.memory_space<vmem>>, vector<16xf32>,
    %add3A_184 = arith.addf %get3A_181, %get3A_183 : vector<16xf32>
    %get3A_185 = arith.constant 0 : index
    %get3A_186 = tpu.vector_load %arg24[%get3A_185] {strides = array<i32>} : memref<128xf32, #tpu.memory_space<vmem>>, vector<16xf32>,
    %add3A_187 = arith.addf %add3A_184, %get3A_186 : vector<16xf32>
    %swap3A = arith.constant 0 : index
    %swap3A_188 = tpu.vector_load %arg25[%swap3A] {strides = array<i32>} : memref<128xf32, #tpu.memory_space<vmem>>, vector<16xf32>,
    tpu.vector_store %arg25[%swap3A], %add3A_187 {strides = array<i32>} : memref<128xf32, #tpu.memory_space<vmem>>, vector<16xf32>,
    %get3A_189 = arith.constant 16 : index
    %get3A_190 = tpu.vector_load %arg25[%get3A_189] {strides = array<i32>} : memref<128xf32, #tpu.memory_space<vmem>>, vector<16xf32>,
    %get3A_191 = arith.constant 16 : index
    %get3A_192 = tpu.vector_load %arg23[%get3A_191] {strides = array<i32>} : memref<128xf32, #tpu.memory_space<vmem>>, vector<16xf32>,
    %add3A_193 = arith.addf %get3A_190, %get3A_192 : vector<16xf32>
    %get3A_194 = arith.constant 16 : index
    %get3A_195 = tpu.vector_load %arg24[%get3A_194] {strides = array<i32>} : memref<128xf32, #tpu.memory_space<vmem>>, vector<16xf32>,
    %add3A_196 = arith.addf %add3A_193, %get3A_195 : vector<16xf32>
    %swap3A_197 = arith.constant 16 : index
    %swap3A_198 = tpu.vector_load %arg25[%swap3A_197] {strides = array<i32>} : memref<128xf32, #tpu.memory_space<vmem>>, vector<16xf32>,
    tpu.vector_store %arg25[%swap3A_197], %add3A_196 {strides = array<i32>} : memref<128xf32, #tpu.memory_space<vmem>>, vector<16xf32>,
    %get3A_199 = arith.constant 32 : index
    %get3A_200 = tpu.vector_load %arg25[%get3A_199] {strides = array<i32>} : memref<128xf32, #tpu.memory_space<vmem>>, vector<16xf32>,
    %get3A_201 = arith.constant 32 : index
    %get3A_202 = tpu.vector_load %arg23[%get3A_201] {strides = array<i32>} : memref<128xf32, #tpu.memory_space<vmem>>, vector<16xf32>,
    %add3A_203 = arith.addf %get3A_200, %get3A_202 : vector<16xf32>
    %get3A_204 = arith.constant 32 : index
    %get3A_205 = tpu.vector_load %arg24[%get3A_204] {strides = array<i32>} : memref<128xf32, #tpu.memory_space<vmem>>, vector<16xf32>,
    %add3A_206 = arith.addf %add3A_203, %get3A_205 : vector<16xf32>
    %swap3A_207 = arith.constant 32 : index
    %swap3A_208 = tpu.vector_load %arg25[%swap3A_207] {strides = array<i32>} : memref<128xf32, #tpu.memory_space<vmem>>, vector<16xf32>,
    tpu.vector_store %arg25[%swap3A_207], %add3A_206 {strides = array<i32>} : memref<128xf32, #tpu.memory_space<vmem>>, vector<16xf32>,
    %get3A_209 = arith.constant 48 : index
    %get3A_210 = tpu.vector_load %arg25[%get3A_209] {strides = array<i32>} : memref<128xf32, #tpu.memory_space<vmem>>, vector<16xf32>,
    %get3A_211 = arith.constant 48 : index
    %get3A_212 = tpu.vector_load %arg23[%get3A_211] {strides = array<i32>} : memref<128xf32, #tpu.memory_space<vmem>>, vector<16xf32>,
    %add3A_213 = arith.addf %get3A_210, %get3A_212 : vector<16xf32>
    %get3A_214 = arith.constant 48 : index
    %get3A_215 = tpu.vector_load %arg24[%get3A_214] {strides = array<i32>} : memref<128xf32, #tpu.memory_space<vmem>>, vector<16xf32>,
    %add3A_216 = arith.addf %add3A_213, %get3A_215 : vector<16xf32>
    %swap3A_217 = arith.constant 48 : index
    %swap3A_218 = tpu.vector_load %arg25[%swap3A_217] {strides = array<i32>} : memref<128xf32, #tpu.memory_space<vmem>>, vector<16xf32>,
    tpu.vector_store %arg25[%swap3A_217], %add3A_216 {strides = array<i32>} : memref<128xf32, #tpu.memory_space<vmem>>, vector<16xf32>,
    %get3A_219 = arith.constant 64 : index
    %get3A_220 = tpu.vector_load %arg25[%get3A_219] {strides = array<i32>} : memref<128xf32, #tpu.memory_space<vmem>>, vector<16xf32>,
    %get3A_221 = arith.constant 64 : index
    %get3A_222 = tpu.vector_load %arg23[%get3A_221] {strides = array<i32>} : memref<128xf32, #tpu.memory_space<vmem>>, vector<16xf32>,
    %add3A_223 = arith.addf %get3A_220, %get3A_222 : vector<16xf32>
    %get3A_224 = arith.constant 64 : index
    %get3A_225 = tpu.vector_load %arg24[%get3A_224] {strides = array<i32>} : memref<128xf32, #tpu.memory_space<vmem>>, vector<16xf32>,
    %add3A_226 = arith.addf %add3A_223, %get3A_225 : vector<16xf32>
    %swap3A_227 = arith.constant 64 : index
    %swap3A_228 = tpu.vector_load %arg25[%swap3A_227] {strides = array<i32>} : memref<128xf32, #tpu.memory_space<vmem>>, vector<16xf32>,
    tpu.vector_store %arg25[%swap3A_227], %add3A_226 {strides = array<i32>} : memref<128xf32, #tpu.memory_space<vmem>>, vector<16xf32>,
    %get3A_229 = arith.constant 80 : index
    %get3A_230 = tpu.vector_load %arg25[%get3A_229] {strides = array<i32>} : memref<128xf32, #tpu.memory_space<vmem>>, vector<16xf32>,
    %get3A_231 = arith.constant 80 : index
    %get3A_232 = tpu.vector_load %arg23[%get3A_231] {strides = array<i32>} : memref<128xf32, #tpu.memory_space<vmem>>, vector<16xf32>,
    %add3A_233 = arith.addf %get3A_230, %get3A_232 : vector<16xf32>
    %get3A_234 = arith.constant 80 : index
    %get3A_235 = tpu.vector_load %arg24[%get3A_234] {strides = array<i32>} : memref<128xf32, #tpu.memory_space<vmem>>, vector<16xf32>,
    %add3A_236 = arith.addf %add3A_233, %get3A_235 : vector<16xf32>
    %swap3A_237 = arith.constant 80 : index
    %swap3A_238 = tpu.vector_load %arg25[%swap3A_237] {strides = array<i32>} : memref<128xf32, #tpu.memory_space<vmem>>, vector<16xf32>,
    tpu.vector_store %arg25[%swap3A_237], %add3A_236 {strides = array<i32>} : memref<128xf32, #tpu.memory_space<vmem>>, vector<16xf32>,
    %get3A_239 = arith.constant 96 : index
    %get3A_240 = tpu.vector_load %arg25[%get3A_239] {strides = array<i32>} : memref<128xf32, #tpu.memory_space<vmem>>, vector<16xf32>,
    %get3A_241 = arith.constant 96 : index
    %get3A_242 = tpu.vector_load %arg23[%get3A_241] {strides = array<i32>} : memref<128xf32, #tpu.memory_space<vmem>>, vector<16xf32>,
    %add3A_243 = arith.addf %get3A_240, %get3A_242 : vector<16xf32>
    %get3A_244 = arith.constant 96 : index
    %get3A_245 = tpu.vector_load %arg24[%get3A_244] {strides = array<i32>} : memref<128xf32, #tpu.memory_space<vmem>>, vector<16xf32>,
    %add3A_246 = arith.addf %add3A_243, %get3A_245 : vector<16xf32>
    %swap3A_247 = arith.constant 96 : index
    %swap3A_248 = tpu.vector_load %arg25[%swap3A_247] {strides = array<i32>} : memref<128xf32, #tpu.memory_space<vmem>>, vector<16xf32>,
    tpu.vector_store %arg25[%swap3A_247], %add3A_246 {strides = array<i32>} : memref<128xf32, #tpu.memory_space<vmem>>, vector<16xf32>,
    %get3A_249 = arith.constant 112 : index
    %get3A_250 = tpu.vector_load %arg25[%get3A_249] {strides = array<i32>} : memref<128xf32, #tpu.memory_space<vmem>>, vector<16xf32>,
    %get3A_251 = arith.constant 112 : index
    %get3A_252 = tpu.vector_load %arg23[%get3A_251] {strides = array<i32>} : memref<128xf32, #tpu.memory_space<vmem>>, vector<16xf32>,
    %add3A_253 = arith.addf %get3A_250, %get3A_252 : vector<16xf32>
    %get3A_254 = arith.constant 112 : index
    %get3A_255 = tpu.vector_load %arg24[%get3A_254] {strides = array<i32>} : memref<128xf32, #tpu.memory_space<vmem>>, vector<16xf32>,
    %add3A_256 = arith.addf %add3A_253, %get3A_255 : vector<16xf32>
    %swap3A_257 = arith.constant 112 : index
    %swap3A_258 = tpu.vector_load %arg25[%swap3A_257] {strides = array<i32>} : memref<128xf32, #tpu.memory_space<vmem>>, vector<16xf32>,
    tpu.vector_store %arg25[%swap3A_257], %add3A_256 {strides = array<i32>} : memref<128xf32, #tpu.memory_space<vmem>>, vector<16xf32>,
    "tpu.region"() ({
      %run_scoped3A = tpu.sem_alloc : memref<!tpu.dma_semaphore, #tpu.memory_space<semaphore_mem>>
      %dma_start3A_259 = tpu.memref_slice %arg10[%mul3A_2] : memref<4096xf32, #tpu.memory_space<hbm>> -> memref<128xf32, #tpu.memory_space<hbm>>
      %dma_start3A_260 = tpu.memref_slice %arg10[%mul3A_2] : memref<4096xf32, #tpu.memory_space<hbm>> -> memref<128xf32, #tpu.memory_space<hbm>>
      tpu.enqueue_dma source(%arg25 : memref<128xf32, #tpu.memory_space<vmem>>) target(%dma_start3A_260 : memref<128xf32, #tpu.memory_space<hbm>>) target_semaphore(%run_scoped3A : memref<!tpu.dma_semaphore, #tpu.memory_space<semaphore_mem>>)
      %dma_wait3A_261 = tpu.memref_slice %arg10[%mul3A_2] : memref<4096xf32, #tpu.memory_space<hbm>> -> memref<128xf32, #tpu.memory_space<hbm>>
      %dma_wait3A_262 = tpu.memref_slice %arg10[%mul3A_2] : memref<4096xf32, #tpu.memory_space<hbm>> -> memref<128xf32, #tpu.memory_space<hbm>>
      tpu.wait_dma2 semaphore(%run_scoped3A : memref<!tpu.dma_semaphore, #tpu.memory_space<semaphore_mem>>) src(%arg25 : memref<128xf32, #tpu.memory_space<vmem>>) dst(%dma_wait3A_262 : memref<128xf32, #tpu.memory_space<hbm>>)
      tpu.yield
    }) : () -> ()
    return
  }
}

</mosaic_0001>

<sc_bundles>
// kernel: kernel.3.cloned.1.call-start
scs
__scs_entry_jumppad:
0x0: {  	(pc) =	sbr.rel $0x88, $3  }
0x1: {  	(tag) =	ssettag $0x0;
	lr =	simm.s32 $0x1  }
0x2: {  	[smem:$0x3F9C] =	sst lr;
	_ =	strace $0xD0000000  }
0x3: {  	_ = 	snop  }
0x4: {  	_ = 	snop  }
0x5: {  	_ = 	snop  }
0x6: {  	_ = 	snop  }
0x7: {  	_ = 	snop  }
__scs_overlays_trampoline_lowered:
0x8: {  	[smem:$0x3FAB] =	sst s0  }
0x9: {  	[smem:$0x3FAC] =	sst s1  }
0xa: {  	[smem:$0x3FAD] =	sst s2  }
0xb: {  	[smem:$0x3FAE] =	sst s3  }
0xc: {  	[smem:$0x3FAF] =	sst s4  }
0xd: {  	[smem:$0x3FB0] =	sst s5  }
0xe: {  	[smem:$0x3FB1] =	sst s6  }
0xf: {  	[smem:$0x3FB2] =	sst s7  }
0x10: {  	[smem:$0x3FB3] =	sst s8  }
0x11: {  	[smem:$0x3FB4] =	sst s9;
	s0 =	simm.s32 @!p0 $0x0  }
0x12: {  	s1 =	sld [smem:$0x3F9A];
	s0 =	simm.s32 @p0 $0x1  }
0x13: {  	[smem:$0x3FB5] =	sst s0;
	s0 =	simm.s32 @!p1 $0x0  }
0x14: {  	s2 =	sld [smem:$0x3F99];
	s0 =	simm.s32 @p1 $0x1  }
0x15: {  	[smem:$0x3FB6] =	sst s0;
	s0 =	simm.s32 @!p2 $0x0  }
0x16: {  	s3 =	sld [smem:$0x3FDB];
	s0 =	simm.s32 @p2 $0x1  }
0x17: {  	s4 =	simm.s32 $0x1BF5;
	[smem:$0x3FB8] =	sst s0  }
0x18: {  	s0 =	sld [smem:$0x3F9B];
	_ =	swait.ge [sflag:s4], $0x0  }
0x19: {  	s7 =	sld [smem:$0x3F9C]  }
0x1a: {  	s8 =	sadd.s32 $0xFFFFE003, lr  }
0x1b: {  	s9 =	sadd.s32 $0xFFFFFEF7, lr;
	s5 =	simm.s32 $0xFFFFFFFF;
	p2 =	slt.u32 s8, $0xFFFFF086  }
0x1c: {  	p1 =	slt.u32 s9, $0xF7A;
	s5 =	simm.s32 @!p2 $0x0  }
0x1d: {  	s5 =	simm.s32 @p1 $0x1;
	p0 =	seq.s32 s7, s2  }
0x1e: {  	s7 =	smul.u32 @!p0 $0xF7A, s2;
	p2 =	seq.s32 @!p0 s5, $0x0  }
0x1f: {  	s9 =	smul.u32 $0xF7A, s1;
	s8 =	simm.s32 @!p0 $0x1BF5;
	p2 =	por !p2, p0  }
0x20: {  	[sflag:s8] =	ssyncset.s32 @!p0 $0xFFFFF086;
	s6 =	sadd.s32 @!p0 s3, s7;
	s7 =	simm.s32 @!p0 $0x108  }
0x21: {  	s3 =	sadd.s32 s3, s9;
	s6 =	sadd.s32 @!p0 $0x88, s6;
	s7 =	simm.s32 @p2 $0x1082  }
0x22: {  	[simem:s7], [sflag:s8] =	dma.local @!p0 [hbm:s6], $0xF7A  }
0x23: {  	s9 =	sor.u32 $0xD0000000, s2;
	s6 =	simm.s32 $0x108;
	_ =	swait.ge @!p0 [sflag:s8], $0x0  }
0x24: {  	s3 =	sadd.s32 $0x88, s3;
	s6 =	simm.s32 @!p1 $0x1082;
	[sflag:s4] =	ssyncset.s32 $0xFFFFF086  }
0x25: {  	[simem:s6], [sflag:s4] =	dma.local [hbm:s3], $0xF7A  }
0x26: {  	[smem:$0x3F9C] =	sst s1;
	(tag) =	ssettag s2;
	_ =	strace s9  }
0x27: {  	s1 =	sld [smem:$0x3FAC]  }
0x28: {  	s2 =	sld [smem:$0x3FAD]  }
0x29: {  	s4 =	sld [smem:$0x3FAF]  }
0x2a: {  	p0 =	seq.s32 s5, $0x0;
	s5 =	sld [smem:$0x3FB0]  }
0x2b: {  	s6 =	sld [smem:$0x3FB1]  }
0x2c: {  	s7 =	sld [smem:$0x3FB2]  }
0x2d: {  	s3 =	simm.s32 $0x108;
	s8 =	sld [smem:$0x3FB3]  }
0x2e: {  	s3 =	simm.s32 @!p0 $0x1082;
	s9 =	sld [smem:$0x3FB4]  }
0x2f: {  	lr =	sadd.s32 s0, s3;
	s0 =	sld [smem:$0x3FAB]  }
0x30: {  	s3 =	sld [smem:$0x3FAE]  }
0x31: {  	[smem:$0x3FB7] =	sst s10  }
0x32: {  	s10 =	sld [smem:$0x3FB5];
	_ =	sdelay $0x3  }
0x33: {  	p0 =	seq.s32 s10, $0x1;
	s10 =	sld [smem:$0x3FB7];
	_ =	sdelay $0x3  }
0x34: {  	[smem:$0x3FB7] =	sst s10  }
0x35: {  	s10 =	sld [smem:$0x3FB6];
	_ =	sdelay $0x3  }
0x36: {  	p1 =	seq.s32 s10, $0x1;
	s10 =	sld [smem:$0x3FB7];
	_ =	sdelay $0x3  }
0x37: {  	[smem:$0x3FB7] =	sst s10  }
0x38: {  	s10 =	sld [smem:$0x3FB8]  }
0x39: {  	_ = 	snop;
	(pc) =	sbr.ind lr, $3  }
0x3a: {  	_ = 	snop  }
0x3b: {  	_ = 	snop  }
0x3c: {  	p2 =	seq.s32 s10, $0x1;
	s10 =	sld [smem:$0x3FB7]  }
0x3d: {  	_ =	shalt  }
0x3e: {  	_ =	shalt  }
0x3f: {  	_ =	shalt  }
0x40: {  	_ =	shalt  }
0x41: {  	_ =	shalt  }
0x42: {  	_ =	shalt  }
0x43: {  	_ =	shalt  }
0x44: {  	_ =	shalt  }
0x45: {  	_ =	shalt  }
0x46: {  	_ =	shalt  }
0x47: {  	_ =	shalt  }
0x48: {  	_ =	shalt  }
0x49: {  	_ =	shalt  }
0x4a: {  	_ =	shalt  }
0x4b: {  	_ =	shalt  }
0x4c: {  	_ =	shalt  }
0x4d: {  	_ =	shalt  }
0x4e: {  	_ =	shalt  }
0x4f: {  	_ =	shalt  }
0x50: {  	_ =	shalt  }
0x51: {  	_ =	shalt  }
0x52: {  	_ =	shalt  }
0x53: {  	_ =	shalt  }
0x54: {  	_ =	shalt  }
0x55: {  	_ =	shalt  }
0x56: {  	_ =	shalt  }
0x57: {  	_ =	shalt  }
0x58: {  	_ =	shalt  }
0x59: {  	_ =	shalt  }
0x5a: {  	_ =	shalt  }
0x5b: {  	_ =	shalt  }
0x5c: {  	_ =	shalt  }
0x5d: {  	_ =	shalt  }
0x5e: {  	_ =	shalt  }
0x5f: {  	_ =	shalt  }
0x60: {  	_ =	shalt  }
0x61: {  	_ =	shalt  }
0x62: {  	_ =	shalt  }
0x63: {  	_ =	shalt  }
0x64: {  	_ =	shalt  }
0x65: {  	_ =	shalt  }
0x66: {  	_ =	shalt  }
0x67: {  	_ =	shalt  }
0x68: {  	_ =	shalt  }
0x69: {  	_ =	shalt  }
0x6a: {  	_ =	shalt  }
0x6b: {  	_ =	shalt  }
0x6c: {  	_ =	shalt  }
0x6d: {  	_ =	shalt  }
0x6e: {  	_ =	shalt  }
0x6f: {  	_ =	shalt  }
0x70: {  	_ =	shalt  }
0x71: {  	_ =	shalt  }
0x72: {  	_ =	shalt  }
0x73: {  	_ =	shalt  }
0x74: {  	_ =	shalt  }
0x75: {  	_ =	shalt  }
0x76: {  	_ =	shalt  }
0x77: {  	_ =	shalt  }
0x78: {  	_ =	shalt  }
0x79: {  	_ =	shalt  }
0x7a: {  	_ =	shalt  }
0x7b: {  	_ =	shalt  }
0x7c: {  	_ =	shalt  }
0x7d: {  	_ =	shalt  }
0x7e: {  	_ =	shalt  }
0x7f: {  	_ =	shalt  }
0x80: {  	_ =	shalt  }
0x81: {  	_ =	shalt  }
0x82: {  	_ =	shalt  }
0x83: {  	_ =	shalt  }
0x84: {  	_ =	shalt  }
0x85: {  	_ =	shalt  }
0x86: {  	_ =	shalt  }
0x87: {  	_ =	shalt  }
.Lfunc_end0:
.L_simem_size_0:
called_computation_lowered:
.L_overlay_start_0:
0x88: {  	s2 =	sld [smem:$0x3FD9]  }
0x89: {  	s3 =	sld [smem:$0x3FFE];
	_ =	sdelay $0x1  }
0x8a: {  	s1 =	srdreg.scid  }
0x8b: {  	s0 =	sand.u32 $0x1, s1  }
0x8c: {  	s17 =	sshll.u32 s0, $0xA;
	s2 =	sadd.s32 s3, s2  }
0x8d: {  	s2 =	sadd.s32 s2, s17  }
0x8e: {  	[smem:$0x3FC3] =	sst s2  }
0x8f: {  	_ = 	snop  }
0x90: {  	s2 =	sld [smem:$0x3FC8]  }
0x91: {  	s18 =	sld [smem:$0x3FC7]  }
0x92: {  	s4 =	sld [smem:$0x3FD0];
	(tm) =	ssettm $0x1  }
0x93: {  	s5 =	sld [smem:$0x3FFB];
	_ =	sdelay $0x3  }
0x94: {  	_ =	strace s5  }
0x95: {  	s5 =	sld [smem:$0x3FFC];
	_ =	sdelay $0x3  }
0x96: {  	_ =	strace s5  }
0x97: {  	s5 =	sld [smem:$0x3FFD];
	_ =	sdelay $0x3  }
0x98: {  	_ =	strace s5  }
0x99: {  	_ =	strace $0x8FFFFFFF  }
0x9a: {  	s19 =	sld [smem:$0x3FDB];
	_ =	sdelay $0x1  }
0x9b: {  	s6 =	simm.s32 $_scs_section_size  }
0x9c: {  	s7 =	simm.s32 $_size__tile_overlayer_lowered;
	s8 =	simm.s32 $_tile_overlayer_lowered  }
0x9d: {  	s22 =	simm.s32 $0x1BFF;
	s21 =	sshll.u32 s8, $0x1;
	s5 =	sadd.s32 s6, s19  }
0x9e: {  	s9 =	simm.s32 $0x0;
	s20 =	sshll.u32 s7, $0x1;
	s7 =	sadd.s32 s21, s5  }
0x9f: {  	[timem:s9], [sflag:s22] =	dma.local [hbm:s7], s20  }
0xa0: {  	_ =	swait.ge [sflag:s22], s20  }
0xa1: {  	s6 =	ssub.s32 $0x0, s20;
	[sflag:s22] =	ssyncset.done $0x0  }
0xa2: {  	[sflag:s22] =	ssyncadd.s32 s6;
	_ =	sdelay $0x1  }
0xa3: {  	s23 =	simm.s32 $0x1B8B  }
0xa4: {  	_ =	swait.ge [sflag:s23], $0x1  }
0xa5: {  	[sflag:s23] =	ssyncset.done $0x0  }
0xa6: {  	s25 =	simm.s32 $0x1B8E;
	s24 =	sld [smem:$0x3FFE];
	[sflag:s23] =	ssyncadd.s32 $0xFFFFFFFF  }
0xa7: {  	s26 =	simm.s32 $execute0_lowered;
	[smem:$0x3FD2] =	sst s25  }
0xa8: {  	s7 =	sshll.u32 s26, $0x1;
	_ =	strace $0x80000046;
	[dreg:$0x1] =	wrdreg $0xFFFFFFFF  }
0xa9: {  	s28 =	simm.s32 $_size_execute0_lowered;
	s5 =	sadd.s32 s5, s7;
	[dreg:$0x0] =	wrdreg $0x0  }
0xaa: {  	s7 =	sshll.u32 s28, $0x1;
	[dreg:$0x2] =	wrdreg s5  }
0xab: {  	[dreg:$0x3] =	wrdreg s7  }
0xac: {  	[dreg:$0x4] =	wrdreg $0xC0  }
0xad: {  	_ =	task [dreg:s9], $0x5FFFF  }
0xae: {  	[dreg:$0x1] =	wrdreg $0xFFFFFFFF  }
0xaf: {  	[dreg:$0x0] =	wrdreg $0x60  }
0xb0: {  	[dreg:$0x2] =	wrdreg s24  }
0xb1: {  	[dreg:$0x3] =	wrdreg s2  }
0xb2: {  	[dreg:$0x4] =	wrdreg s18  }
0xb3: {  	[dreg:$0x5] =	wrdreg s4  }
0xb4: {  	[dreg:$0x6] =	wrdreg $0x9  }
0xb5: {  	_ =	task.clear_ibuf [dreg:s9], $0x7FFFF;
	_ =	strace $0x90000046  }
0xb6: {  	s29 =	simm.s32 $0x9;
	_ =	strace $0x80000048  }
0xb7: {  	_ =	swait.ge [sflag:s29], $0x1  }
0xb8: {  	[sflag:s29] =	ssyncadd.s32 $0xFFFFFFFF  }
0xb9: {  	_ =	strace $0x90000048  }
0xba: {  	_ =	sfence  }
0xbb: {  	s30 =	sld [smem:$0x0];
	_ =	sdelay $0x2  }
0xbc: {  	s31 =	sshll.u32 s1, $0xD;
	s1 =	sshrl.u32 s1, $0x2  }
0xbd: {  	s3 =	sand.u32 $0x4000, s31;
	s1 =	sadd.s32 s1, s30  }
0xbe: {  	s0 =	sor.u32 s3, s0;
	s1 =	sshll.u32 s1, $0x11  }
0xbf: {  	s0 =	sor.u32 s1, s0  }
0xc0: {  	s0 =	sadd.s32 $0x8F2B, s0  }
0xc1: {  	[sflag:s0] =	ssyncadd.remote.s32 $0x1  }
0xc2: {  	_ =	sfence.sel $0xFFFF  }
0xc3: {  	[dreg:$0x0] =	wrdreg $0xFFFFFFFF;
	(pc) =	sbr.abs _section_cstart, $3  }
0xc4: {  	[dreg:$0x1] =	wrdreg $0xFFFFFFFF  }
0xc5: {  	_ =	task.clear_ibuf [dreg:s9], $0x2FFFF;
	_ =	strace $0x9FFFFFFF  }
0xc6: {  	(tm) =	ssettm $0x7FFFFFFF  }
0xc7: {  	_ =	shalt  }
tec
execute0_lowered:
.L_overlay_start_1:
0x0: {  	(tag) =	ssettag $0x1  }
0x1: {  	s0 =	rddreg [dreg:$0x0]  }
0x2: {  	s1 =	rddreg [dreg:$0x1]  }
0x3: {  	s2 =	rddreg [dreg:$0x3]  }
0x4: {  	s4 =	simm.s32 $0x0;
	s3 =	srdreg.scid;
	s6 =	stileid.u32  }
0x5: {  	s13 =	simm.s32 $0x7;
	s15 =	simm.s32 $0x80;
	s18 =	simm.s32 $0x180  }
0x6: {  	s19 =	simm.s32 $0x1;
	s20 =	simm.s32 $0x2180;
	s21 =	simm.s32 $0xA180  }
0x7: {  	s28 =	simm.s32 $0xE180;
	s29 =	simm.s32 $0x4;
	s30 =	simm.s32 $0x8180  }
0x8: {  	s31 =	simm.s32 $0x10180;
	s16 =	simm.s32 $0x0;
	[smem:$0x7FF] =	sst s4  }
0x9: {  	s3 =	sand.u32 $0x1, s3;
	s5 =	sadd.s32 $0x3DA00, s0;
	s7 =	sshll.u32 s6, $0x5  }
0xa: {  	s22 =	sadd.s32 $0x600, s0;
	s23 =	sadd.s32 $0x1F000, s0;
	_ =	strace $0x80000047  }
0xb: {  	s8 =	sshll.u32 s3, $0x4;
	[dreg:$0x5] =	wrdreg s22;
	s3 =	ssub.s32 $0x2, s3  }
0xc: {  	[dreg:$0x6] =	wrdreg s23;
	s22 =	simm.s32 $0x2;
	s11 =	sor.u32 s8, s7  }
0xd: {  	s9 =	sshrl.u32 s3, $0x1;
	s8 =	sadd.s32 s0, s11;
	s2 =	sadd.s32 s2, s11  }
.Ltmp0:
0xe: {  	s25 =	sadd.s32 $0x400, s8;
	[dreg:$0x9] =	wrdreg s2;
	(pc) =	sbr.rel .LBB2_1-.Ltmp0, $4  }
0xf: {  	v0 =	vlaneseq.u32;
	vm0 =	vmmov $0x1;
	vm1 =	vcmask $0x308;
	s24 =	ssub.s32 s3, s9;
	s26 =	sadd.s32 $0x200, s8;
	[dreg:$0x7] =	wrdreg s25  }
0x10: {  	vm2 =	vcmask $0x70C;
	vm3 =	vcmask $0xB10;
	v1 =	vmul.u32 $0x80, v0;
	s23 =	simm.s32 $0x4180;
	s0 =	smax.u32 s24, $0x1;
	[dreg:$0x8] =	wrdreg s26  }
0x11: {  	v3 =	vor.u32 $0x10, v0;
	v5 =	vor.u32 $0x20, v0;
	v7 =	vor.u32 $0x30, v0;
	s3 =	simm.s32 $0x6;
	s24 =	simm.s32 $0xC180;
	[dreg:$0xa] =	wrdreg s0  }
0x12: {  	v2 =	vor.u32 $0x800, v1;
	v4 =	vor.u32 $0x1000, v1;
	v6 =	vor.u32 $0x1800, v1;
	s25 =	simm.s32 $0x3;
	s26 =	simm.s32 $0x6180;
	s0 =	simm.s32 $0x5  }
.LBB2_9:
0x13: {  	_ =	swait.ge [sflag:s0], $0x80  }
0x14: {  	[sflag:s0] =	ssyncset.done $0x0  }
0x15: {  	[sflag:s0] =	ssyncadd.s32 $0xFFFFFF80  }
0x16: {  	_ =	swait.ge [sflag:s3], $0x80  }
0x17: {  	[sflag:s3] =	ssyncset.done $0x0  }
0x18: {  	[sflag:s3] =	ssyncadd.s32 $0xFFFFFF80  }
0x19: {  	v8 =	vld [tilespmem:$0x12280]  }
0x1a: {  	v9 =	vld [tilespmem:$0x12180]  }
0x1b: {  	v10 =	vld [tilespmem:$0x12200]  }
0x1c: {  	v11 =	vld [tilespmem:$0x12290]  }
0x1d: {  	v12 =	vld [tilespmem:$0x12190]  }
0x1e: {  	v13 =	vld [tilespmem:$0x12210]  }
0x1f: {  	v14 =	vld [tilespmem:$0x122A0]  }
0x20: {  	v15 =	vld [tilespmem:$0x121A0]  }
0x21: {  	v16 =	vld [tilespmem:$0x12220]  }
0x22: {  	v17 =	vld [tilespmem:$0x122B0]  }
0x23: {  	v18 =	vld [tilespmem:$0x121B0]  }
0x24: {  	v19 =	vld [tilespmem:$0x12230]  }
0x25: {  	v20 =	vld [tilespmem:$0x122C0]  }
0x26: {  	v21 =	vld [tilespmem:$0x121C0]  }
0x27: {  	v22 =	vld [tilespmem:$0x12240]  }
0x28: {  	v23 =	vld [tilespmem:$0x122D0]  }
0x29: {  	v24 =	vld [tilespmem:$0x121D0]  }
0x2a: {  	v25 =	vld [tilespmem:$0x12250]  }
0x2b: {  	v26 =	vld [tilespmem:$0x122E0]  }
0x2c: {  	v52 =	vld [tilespmem:$0x122F0];
	v8 =	vadd.f32 v9, v8  }
0x2d: {  	v54 =	vld [tilespmem:$0x121F0];
	v11 =	vadd.f32 v12, v11  }
0x2e: {  	v51 =	vld [tilespmem:$0x121E0];
	v55 =	vadd.f32 v18, v17;
	v8 =	vadd.f32 v10, v8  }
0x2f: {  	v58 =	vld [tilespmem:$0x12270];
	v53 =	vadd.f32 v15, v14;
	v11 =	vadd.f32 v13, v11  }
0x30: {  	v56 =	vld [tilespmem:$0x12260];
	v60 =	vadd.f32 v24, v23;
	v59 =	vadd.f32 v19, v55;
	[tilespmem:$0x12280] =	vst v8  }
0x31: {  	v57 =	vadd.f32 v21, v20;
	v8 =	vadd.f32 v16, v53;
	[tilespmem:$0x12290] =	vst v11  }
0x32: {  	v62 =	vadd.f32 v54, v52;
	v61 =	vadd.f32 v25, v60;
	[tilespmem:$0x122B0] =	vst v59  }
0x33: {  	v9 =	vadd.f32 v51, v26;
	[tilespmem:$0x122A0] =	vst v8;
	v8 =	vadd.f32 v22, v57  }
0x34: {  	v63 =	vadd.f32 v58, v62;
	[tilespmem:$0x122D0] =	vst v61  }
0x35: {  	[tilespmem:$0x122C0] =	vst v8;
	v8 =	vadd.f32 v56, v9  }
0x36: {  	[tilespmem:$0x122F0] =	vst v63  }
0x37: {  	s6 =	simm.s32 $0x12280;
	s2 =	rddreg [dreg:$0x9];
	[tilespmem:$0x122E0] =	vst v8  }
0x38: {  	[hbm4b:s2+s4] =	stream.linear.scatter [tilespmem:s6], [sflag:$0x7], $0x80, $0x38;
	[tilespmem:$0x12300] =	vst v63  }
0x39: {  	_ =	swait.ge [sflag:s13], $0x80  }
0x3a: {  	s16 =	sadd.s32 $0x1, s16;
	s17 =	rddreg [dreg:$0xa]  }
0x3b: {  	p0 =	sne.s32 s16, s17  }
.Ltmp1:
0x3c: {  	_ = 	snop;
	(pc) =	sbr.rel @!p0 .LBB2_10-.Ltmp1, $3  }
0x3d: {  	_ =	sdelay $0x1  }
0x3e: {  	[sflag:s13] =	ssyncset.done $0x0  }
0x3f: {  	[sflag:s13] =	ssyncadd.s32 $0xFFFFFF80  }
.LBB2_1:
0x40: {  	s2 =	rddreg [dreg:$0x7]  }
0x41: {  	[tilespmem:s4], [sflag:$0x7] =	stream.linear.gather [hbm4b:s2+s4], $0x80, $0x38;
	[tilespmem:$0x12300] =	vst v63  }
0x42: {  	_ =	swait.ge [sflag:s13], $0x80  }
0x43: {  	[sflag:s13] =	ssyncset.done $0x0  }
0x44: {  	s6 =	simm.s32 $0x100;
	[sflag:s13] =	ssyncadd.s32 $0xFFFFFF80  }
0x45: {  	[tilespmem:s6], [sflag:$0x7] =	stream.linear.gather [hbm4b:s8+s4], $0x80, $0x38;
	[tilespmem:$0x12300] =	vst v63  }
0x46: {  	_ =	swait.ge [sflag:s13], $0x80  }
0x47: {  	[sflag:s13] =	ssyncset.done $0x0  }
0x48: {  	s10 =	rddreg [dreg:$0x8];
	[sflag:s13] =	ssyncadd.s32 $0xFFFFFF80  }
0x49: {  	[tilespmem:s15], [sflag:$0x7] =	stream.linear.gather [hbm4b:s10+s4], $0x80, $0x38;
	[tilespmem:$0x12300] =	vst v63  }
0x4a: {  	_ =	swait.ge [sflag:s13], $0x80  }
0x4b: {  	[sflag:s13] =	ssyncset.done $0x0  }
0x4c: {  	s7 =	simm.s32 $0x12180;
	s11 =	rddreg [dreg:$0x5];
	[sflag:s13] =	ssyncadd.s32 $0xFFFFFF80  }
0x4d: {  	[tilespmem:s7], [sflag:$0x5] =	stream.indirect.gather [hbm4b:s11+s15], $0x1, s4, s15, $0xb8;
	[tilespmem:$0x12300] =	vst v63  }
0x4e: {  	s14 =	simm.s32 $0x12200;
	s12 =	rddreg [dreg:$0x6]  }
0x4f: {  	[tilespmem:s14], [sflag:$0x6] =	stream.indirect.gather [hbm4b:s12+s15], $0x1, s6, s15, $0xb8;
	[tilespmem:$0x12300] =	vst v63  }
0x50: {  	s17 =	rddreg [dreg:$0x2]  }
0x51: {  	[tilespmem:s18], [sflag:$0x7] =	stream.linear.gather [hbm4b:s17+s4], $0x2000, $0x38;
	[tilespmem:$0x12300] =	vst v63  }
0x52: {  	_ =	swait.ge [sflag:s13], $0x2000  }
0x53: {  	[sflag:s13] =	ssyncset.done $0x0  }
0x54: {  	[sflag:s13] =	ssyncadd.s32 $0xFFFFE000  }
0x55: {  	v8 =	vld [tilespmem:$0x0];
	_ =	sdelay $0x4  }
0x56: {  	v8 =	vnsel vm0, $0x0, v8  }
0x57: {  	(xrf0) =	vadd.scan.msk.s32 $0xffff, v8;
	_ =	sdelay $0x5  }
0x58: {  	v8, _, _ =	vpop (xrf0)  }
0x59: {  	v9 =	vld [tilespmem:$0x100];
	(v2sf) =	vpush v8, $0xF;
	_ =	sdelay $0x4  }
0x5a: {  	v8 =	vnsel vm0, $0x0, v9  }
0x5b: {  	(xrf0) =	vadd.scan.msk.s32 $0xffff, v8;
	_ =	sdelay $0x5  }
0x5c: {  	v8, _, _ =	vpop (xrf0)  }
0x5d: {  	(v2sf) =	vpush v8, $0xF;
	_ =	sdelay $0x1  }
0x5e: {  	s2 =	spop (v2sf)  }
0x5f: {  	p0 =	sgt.s32 s2, $0xF41FF  }
0x60: {  	s14 =	simm.s32 @p0 $0x0;
	s17 =	simm.s32 @p0 $0x2180  }
0x61: {  	[tilespmem:s17], [sflag:$0x1] =	stream.linear.gather @p0 [hbm4b:s5+s14], $0x2000, $0x38;
	[tilespmem:$0x12300] =	vst v63  }
0x62: {  	s14 =	sand.u32 @!p0 $0x7F, s2  }
0x63: {  	p1 =	slt.s32 @!p0 s2, $0x1;
	p2 =	sne.s32 @!p0 s14, $0x0  }
0x64: {  	s14 =	sshra.s32 @!p0 s2, $0x1F;
	p1 =	por @!p0 !p1, !p2  }
0x65: {  	s14 =	sshrl.u32 @!p0 s14, $0x19;
	p1 =	por @!p0 !p1, !p1  }
0x66: {  	s2 =	sadd.s32 @!p0 s14, s2;
	s14 =	simm.s32 @!p0 $0x1;
	p1 =	por !p1, p0  }
0x67: {  	s2 =	sshrl.u32 @!p0 s2, $0x7;
	s14 =	simm.s32 @p1 $0x0  }
0x68: {  	s2 =	ssub.s32 @!p0 s2, s14  }
0x69: {  	s6 =	simm.s32 @!p0 $0x7A1400;
	s2 =	sshll.u32 @!p0 s2, $0x7  }
0x6a: {  	s7 =	simm.s32 @!p0 $0x2180;
	s2 =	sand.u32 @!p0 $0x1FFFFF80, s2  }
0x6b: {  	s17 =	simm.s32 @!p0 $0x400;
	s14 =	spop (v2sf);
	s2 =	sadd.s32 @!p0 s1, s2  }
0x6c: {  	[tilespmem:s7], [sflag:$0x1] =	stream.strided.gather @!p0 [hbm4b:s2+s17], $0x2000, s6, s17, $0x38;
	[tilespmem:$0x12300] =	vst v63  }
0x6d: {  	p0 =	sgt.s32 s14, $0xF41FF  }
0x6e: {  	s2 =	simm.s32 @p0 $0x0;
	s6 =	simm.s32 @p0 $0xA180  }
0x6f: {  	[tilespmem:s6], [sflag:$0x1] =	stream.linear.gather @p0 [hbm4b:s5+s2], $0x2000, $0x38;
	[tilespmem:$0x12300] =	vst v63  }
0x70: {  	s2 =	sand.u32 @!p0 $0x7F, s14  }
0x71: {  	p1 =	slt.s32 @!p0 s14, $0x1;
	p2 =	sne.s32 @!p0 s2, $0x0  }
0x72: {  	s2 =	sshra.s32 @!p0 s14, $0x1F;
	p1 =	por @!p0 !p1, !p2  }
0x73: {  	s2 =	sshrl.u32 @!p0 s2, $0x19;
	p1 =	por @!p0 !p1, !p1  }
0x74: {  	s6 =	simm.s32 @!p0 $0x1;
	s2 =	sadd.s32 @!p0 s2, s14;
	p1 =	por !p1, p0  }
0x75: {  	s2 =	sshrl.u32 @!p0 s2, $0x7;
	s6 =	simm.s32 @p1 $0x0  }
0x76: {  	s2 =	ssub.s32 @!p0 s2, s6  }
0x77: {  	s2 =	sshll.u32 @!p0 s2, $0x7  }
0x78: {  	s7 =	simm.s32 @!p0 $0x7A1400;
	s2 =	sand.u32 @!p0 $0x1FFFFF80, s2  }
0x79: {  	s14 =	simm.s32 @!p0 $0xA180;
	s6 =	simm.s32 @!p0 $0x400;
	s2 =	sadd.s32 @!p0 s1, s2  }
0x7a: {  	[tilespmem:s14], [sflag:$0x1] =	stream.strided.gather @!p0 [hbm4b:s2+s6], $0x2000, s7, s6, $0x38;
	[tilespmem:$0x12300] =	vst v63  }
0x7b: {  	v8 =	vld [tilespmem:$0x0];
	_ =	sdelay $0x4  }
0x7c: {  	v8 =	vsel vm1, $0x0, v8  }
0x7d: {  	(xrf0) =	vadd.scan.msk.s32 $0xffff, v8;
	_ =	sdelay $0x5  }
0x7e: {  	v8, _, _ =	vpop (xrf0)  }
0x7f: {  	v61 =	vld [tilespmem:$0x100];
	(v2sf) =	vpush v8, $0xF;
	_ =	sdelay $0x4  }
0x80: {  	v8 =	vsel vm1, $0x0, v61  }
0x81: {  	(xrf0) =	vadd.scan.msk.s32 $0xffff, v8;
	_ =	sdelay $0x5  }
0x82: {  	v8, _, _ =	vpop (xrf0)  }
0x83: {  	(v2sf) =	vpush v8, $0xF;
	_ =	sdelay $0x1  }
0x84: {  	s2 =	spop (v2sf)  }
0x85: {  	p0 =	sgt.s32 s2, $0xF41FF  }
0x86: {  	s6 =	simm.s32 @p0 $0x0;
	s7 =	simm.s32 @p0 $0x4180  }
0x87: {  	[tilespmem:s7], [sflag:$0x2] =	stream.linear.gather @p0 [hbm4b:s5+s6], $0x2000, $0x38;
	[tilespmem:$0x12300] =	vst v63  }
0x88: {  	s6 =	sand.u32 @!p0 $0x7F, s2  }
0x89: {  	p1 =	slt.s32 @!p0 s2, $0x1;
	p2 =	sne.s32 @!p0 s6, $0x0  }
0x8a: {  	s6 =	sshra.s32 @!p0 s2, $0x1F;
	p1 =	por @!p0 !p1, !p2  }
0x8b: {  	s6 =	sshrl.u32 @!p0 s6, $0x19;
	p1 =	por @!p0 !p1, !p1  }
0x8c: {  	s2 =	sadd.s32 @!p0 s6, s2;
	s6 =	simm.s32 @!p0 $0x1;
	p1 =	por !p1, p0  }
0x8d: {  	s2 =	sshrl.u32 @!p0 s2, $0x7;
	s6 =	simm.s32 @p1 $0x0  }
0x8e: {  	s2 =	ssub.s32 @!p0 s2, s6  }
0x8f: {  	s14 =	simm.s32 @!p0 $0x7A1400;
	s2 =	sshll.u32 @!p0 s2, $0x7  }
0x90: {  	s17 =	simm.s32 @!p0 $0x4180;
	s2 =	sand.u32 @!p0 $0x1FFFFF80, s2  }
0x91: {  	s7 =	simm.s32 @!p0 $0x400;
	s6 =	spop (v2sf);
	s2 =	sadd.s32 @!p0 s1, s2  }
0x92: {  	[tilespmem:s17], [sflag:$0x2] =	stream.strided.gather @!p0 [hbm4b:s2+s7], $0x2000, s14, s7, $0x38;
	[tilespmem:$0x12300] =	vst v63  }
0x93: {  	p0 =	sgt.s32 s6, $0xF41FF  }
0x94: {  	s2 =	simm.s32 @p0 $0x0;
	s7 =	simm.s32 @p0 $0xC180  }
0x95: {  	[tilespmem:s7], [sflag:$0x2] =	stream.linear.gather @p0 [hbm4b:s5+s2], $0x2000, $0x38;
	[tilespmem:$0x12300] =	vst v63  }
0x96: {  	s2 =	sand.u32 @!p0 $0x7F, s6  }
0x97: {  	p1 =	slt.s32 @!p0 s6, $0x1;
	p2 =	sne.s32 @!p0 s2, $0x0  }
0x98: {  	s2 =	sshra.s32 @!p0 s6, $0x1F;
	p1 =	por @!p0 !p1, !p2  }
0x99: {  	s2 =	sshrl.u32 @!p0 s2, $0x19;
	p1 =	por @!p0 !p1, !p1  }
0x9a: {  	s2 =	sadd.s32 @!p0 s2, s6;
	s6 =	simm.s32 @!p0 $0x1;
	p1 =	por !p1, p0  }
0x9b: {  	s2 =	sshrl.u32 @!p0 s2, $0x7;
	s6 =	simm.s32 @p1 $0x0  }
0x9c: {  	s2 =	ssub.s32 @!p0 s2, s6  }
0x9d: {  	s2 =	sshll.u32 @!p0 s2, $0x7  }
0x9e: {  	s14 =	simm.s32 @!p0 $0xC180;
	s2 =	sand.u32 @!p0 $0x1FFFFF80, s2  }
0x9f: {  	s7 =	simm.s32 @!p0 $0x7A1400;
	s6 =	simm.s32 @!p0 $0x400;
	s2 =	sadd.s32 @!p0 s1, s2  }
0xa0: {  	[tilespmem:s14], [sflag:$0x2] =	stream.strided.gather @!p0 [hbm4b:s2+s6], $0x2000, s7, s6, $0x38;
	[tilespmem:$0x12300] =	vst v63  }
0xa1: {  	v8 =	vld [tilespmem:$0x0];
	_ =	sdelay $0x4  }
0xa2: {  	v8 =	vsel vm2, $0x0, v8  }
0xa3: {  	(xrf0) =	vadd.scan.msk.s32 $0xffff, v8;
	_ =	sdelay $0x5  }
0xa4: {  	v8, _, _ =	vpop (xrf0)  }
0xa5: {  	v62 =	vld [tilespmem:$0x100];
	(v2sf) =	vpush v8, $0xF;
	_ =	sdelay $0x4  }
0xa6: {  	v8 =	vsel vm2, $0x0, v62  }
0xa7: {  	(xrf0) =	vadd.scan.msk.s32 $0xffff, v8;
	_ =	sdelay $0x5  }
0xa8: {  	v8, _, _ =	vpop (xrf0)  }
0xa9: {  	(v2sf) =	vpush v8, $0xF;
	_ =	sdelay $0x1  }
0xaa: {  	s2 =	spop (v2sf)  }
0xab: {  	p0 =	sgt.s32 s2, $0xF41FF  }
0xac: {  	s6 =	simm.s32 @p0 $0x0;
	s7 =	simm.s32 @p0 $0x6180  }
0xad: {  	[tilespmem:s7], [sflag:$0x3] =	stream.linear.gather @p0 [hbm4b:s5+s6], $0x2000, $0x38;
	[tilespmem:$0x12300] =	vst v63  }
0xae: {  	s6 =	sand.u32 @!p0 $0x7F, s2  }
0xaf: {  	p1 =	slt.s32 @!p0 s2, $0x1;
	p2 =	sne.s32 @!p0 s6, $0x0  }
0xb0: {  	s6 =	sshra.s32 @!p0 s2, $0x1F;
	p1 =	por @!p0 !p1, !p2  }
0xb1: {  	s6 =	sshrl.u32 @!p0 s6, $0x19;
	p1 =	por @!p0 !p1, !p1  }
0xb2: {  	s2 =	sadd.s32 @!p0 s6, s2;
	s6 =	simm.s32 @!p0 $0x1;
	p1 =	por !p1, p0  }
0xb3: {  	s2 =	sshrl.u32 @!p0 s2, $0x7;
	s6 =	simm.s32 @p1 $0x0  }
0xb4: {  	s2 =	ssub.s32 @!p0 s2, s6  }
0xb5: {  	s14 =	simm.s32 @!p0 $0x7A1400;
	s2 =	sshll.u32 @!p0 s2, $0x7  }
0xb6: {  	s17 =	simm.s32 @!p0 $0x6180;
	s2 =	sand.u32 @!p0 $0x1FFFFF80, s2  }
0xb7: {  	s7 =	simm.s32 @!p0 $0x400;
	s6 =	spop (v2sf);
	s2 =	sadd.s32 @!p0 s1, s2  }
0xb8: {  	[tilespmem:s17], [sflag:$0x3] =	stream.strided.gather @!p0 [hbm4b:s2+s7], $0x2000, s14, s7, $0x38;
	[tilespmem:$0x12300] =	vst v63  }
0xb9: {  	p0 =	sgt.s32 s6, $0xF41FF  }
0xba: {  	s2 =	simm.s32 @p0 $0x0;
	s7 =	simm.s32 @p0 $0xE180  }
0xbb: {  	[tilespmem:s7], [sflag:$0x3] =	stream.linear.gather @p0 [hbm4b:s5+s2], $0x2000, $0x38;
	[tilespmem:$0x12300] =	vst v63  }
0xbc: {  	s2 =	sand.u32 @!p0 $0x7F, s6  }
0xbd: {  	p1 =	slt.s32 @!p0 s6, $0x1;
	p2 =	sne.s32 @!p0 s2, $0x0  }
0xbe: {  	s2 =	sshra.s32 @!p0 s6, $0x1F;
	p1 =	por @!p0 !p1, !p2  }
0xbf: {  	s2 =	sshrl.u32 @!p0 s2, $0x19;
	p1 =	por @!p0 !p1, !p1  }
0xc0: {  	s2 =	sadd.s32 @!p0 s2, s6;
	s6 =	simm.s32 @!p0 $0x1;
	p1 =	por !p1, p0  }
0xc1: {  	s2 =	sshrl.u32 @!p0 s2, $0x7;
	s6 =	simm.s32 @p1 $0x0  }
0xc2: {  	s2 =	ssub.s32 @!p0 s2, s6  }
0xc3: {  	s2 =	sshll.u32 @!p0 s2, $0x7  }
0xc4: {  	s14 =	simm.s32 @!p0 $0xE180;
	s2 =	sand.u32 @!p0 $0x1FFFFF80, s2  }
0xc5: {  	s7 =	simm.s32 @!p0 $0x7A1400;
	s6 =	simm.s32 @!p0 $0x400;
	s2 =	sadd.s32 @!p0 s1, s2  }
0xc6: {  	[tilespmem:s14], [sflag:$0x3] =	stream.strided.gather @!p0 [hbm4b:s2+s6], $0x2000, s7, s6, $0x38;
	[tilespmem:$0x12300] =	vst v63  }
0xc7: {  	v8 =	vld [tilespmem:$0x0];
	_ =	sdelay $0x4  }
0xc8: {  	v8 =	vsel vm3, $0x0, v8  }
0xc9: {  	(xrf0) =	vadd.scan.msk.s32 $0xffff, v8;
	_ =	sdelay $0x5  }
0xca: {  	v8, _, _ =	vpop (xrf0)  }
0xcb: {  	v63 =	vld [tilespmem:$0x100];
	(v2sf) =	vpush v8, $0xF;
	_ =	sdelay $0x4  }
0xcc: {  	v8 =	vsel vm3, $0x0, v63  }
0xcd: {  	(xrf0) =	vadd.scan.msk.s32 $0xffff, v8;
	_ =	sdelay $0x5  }
0xce: {  	v8, _, _ =	vpop (xrf0)  }
0xcf: {  	(v2sf) =	vpush v8, $0xF;
	_ =	sdelay $0x1  }
0xd0: {  	s2 =	spop (v2sf)  }
0xd1: {  	p0 =	sgt.s32 s2, $0xF41FF  }
0xd2: {  	s6 =	simm.s32 @p0 $0x0;
	s7 =	simm.s32 @p0 $0x8180  }
0xd3: {  	[tilespmem:s7], [sflag:$0x4] =	stream.linear.gather @p0 [hbm4b:s5+s6], $0x2000, $0x38;
	[tilespmem:$0x12300] =	vst v63  }
0xd4: {  	s6 =	sand.u32 @!p0 $0x7F, s2  }
0xd5: {  	p1 =	slt.s32 @!p0 s2, $0x1;
	p2 =	sne.s32 @!p0 s6, $0x0  }
0xd6: {  	s6 =	sshra.s32 @!p0 s2, $0x1F;
	p1 =	por @!p0 !p1, !p2  }
0xd7: {  	s6 =	sshrl.u32 @!p0 s6, $0x19;
	p1 =	por @!p0 !p1, !p1  }
0xd8: {  	s2 =	sadd.s32 @!p0 s6, s2;
	s6 =	simm.s32 @!p0 $0x1;
	p1 =	por !p1, p0  }
0xd9: {  	s2 =	sshrl.u32 @!p0 s2, $0x7;
	s6 =	simm.s32 @p1 $0x0  }
0xda: {  	s2 =	ssub.s32 @!p0 s2, s6  }
0xdb: {  	s14 =	simm.s32 @!p0 $0x7A1400;
	s2 =	sshll.u32 @!p0 s2, $0x7  }
0xdc: {  	s17 =	simm.s32 @!p0 $0x8180;
	s2 =	sand.u32 @!p0 $0x1FFFFF80, s2  }
0xdd: {  	s7 =	simm.s32 @!p0 $0x400;
	s6 =	spop (v2sf);
	s2 =	sadd.s32 @!p0 s1, s2  }
0xde: {  	[tilespmem:s17], [sflag:$0x4] =	stream.strided.gather @!p0 [hbm4b:s2+s7], $0x2000, s14, s7, $0x38;
	[tilespmem:$0x12300] =	vst v63  }
0xdf: {  	p0 =	sgt.s32 s6, $0xF41FF  }
0xe0: {  	s2 =	simm.s32 @p0 $0x0;
	s7 =	simm.s32 @p0 $0x10180  }
0xe1: {  	[tilespmem:s7], [sflag:$0x4] =	stream.linear.gather @p0 [hbm4b:s5+s2], $0x2000, $0x38;
	[tilespmem:$0x12300] =	vst v63  }
0xe2: {  	s2 =	sand.u32 @!p0 $0x7F, s6  }
0xe3: {  	p1 =	slt.s32 @!p0 s6, $0x1;
	p2 =	sne.s32 @!p0 s2, $0x0  }
0xe4: {  	s2 =	sshra.s32 @!p0 s6, $0x1F;
	p1 =	por @!p0 !p1, !p2  }
0xe5: {  	s2 =	sshrl.u32 @!p0 s2, $0x19;
	p1 =	por @!p0 !p1, !p1  }
0xe6: {  	s2 =	sadd.s32 @!p0 s2, s6;
	s6 =	simm.s32 @!p0 $0x1;
	p1 =	por !p1, p0  }
0xe7: {  	s2 =	sshrl.u32 @!p0 s2, $0x7;
	s6 =	simm.s32 @p1 $0x0  }
.Ltmp2:
0xe8: {  	s2 =	ssub.s32 @!p0 s2, s6;
	(pc) =	sbr.rel .LBB2_2-.Ltmp2, $4  }
0xe9: {  	s2 =	sshll.u32 @!p0 s2, $0x7  }
0xea: {  	s17 =	simm.s32 $0x0;
	s14 =	simm.s32 @!p0 $0x10180;
	s2 =	sand.u32 @!p0 $0x1FFFFF80, s2  }
0xeb: {  	s7 =	simm.s32 @!p0 $0x7A1400;
	s6 =	simm.s32 @!p0 $0x400;
	s2 =	sadd.s32 @!p0 s1, s2  }
0xec: {  	[tilespmem:s14], [sflag:$0x4] =	stream.strided.gather @!p0 [hbm4b:s2+s6], $0x2000, s7, s6, $0x38;
	[tilespmem:$0x12300] =	vst v63  }
.LBB2_8:
0xed: {  	_ =	swait.ge [sflag:s29], $0x2000  }
0xee: {  	[sflag:s29] =	ssyncset.done $0x0  }
0xef: {  	[sflag:s29] =	ssyncadd.s32 $0xFFFFE000  }
0xf0: {  	_ =	swait.ge [sflag:s29], $0x2000  }
0xf1: {  	[sflag:s29] =	ssyncset.done $0x0  }
0xf2: {  	[sflag:s29] =	ssyncadd.s32 $0xFFFFE000  }
0xf3: {  	v8 =	vld [tilespmem:s2+$0x0];
	_ =	sdelay $0x1  }
0xf4: {  	s6 =	sadd.s32 $0x3, s14  }
0xf5: {  	v9 =	vmov s6;
	v56 =	vld [tilespmem:s2+$0x100]  }
0xf6: {  	vm4 =	veq.s32 v9, v0  }
0xf7: {  	v8 =	vnsel vm4, $0x0, v8  }
0xf8: {  	(xrf0) =	vadd.scan.msk.s32 $0xffff, v8;
	_ =	sdelay $0x1  }
0xf9: {  	v8 =	vnsel vm4, $0x0, v56  }
0xfa: {  	(xrf0) =	vadd.scan.msk.s32 $0xffff, v8;
	_ =	sdelay $0x2  }
0xfb: {  	v8, _, _ =	vpop (xrf0)  }
0xfc: {  	(v2sf) =	vpush v8, $0xF;
	_ =	sdelay $0x1  }
0xfd: {  	v8, _, _ =	vpop (xrf0)  }
0xfe: {  	(v2sf) =	vpush v8, $0xF;
	_ =	sdelay $0x3  }
0xff: {  	v8 =	vld [tilespmem:s2+$0x80];
	_ =	sdelay $0x4  }
0x100: {  	v8 =	vnsel vm4, $0x0, v8  }
0x101: {  	(xrf0) =	vadd.scan.msk.s32 $0xffff, v8;
	_ =	sdelay $0x1  }
0x102: {  	s6 =	spop (v2sf)  }
0x103: {  	s10 =	simm.s32 $0x1;
	s7 =	sshra.s32 s6, $0x1F  }
0x104: {  	s9 =	sand.u32 $0x7F, s6;
	p1 =	slt.s32 s6, $0x1;
	s7 =	sshrl.u32 s7, $0x19  }
0x105: {  	p2 =	sne.s32 s9, $0x0;
	s9 =	spop (v2sf);
	s7 =	sadd.s32 s7, s6  }
0x106: {  	v8, _, _ =	vpop (xrf0);
	p1 =	por !p1, !p2;
	s11 =	sand.u32 $0x7F, s9;
	s12 =	sshra.s32 s9, $0x1F  }
0x107: {  	v8 =	vshll.u32 v8, $0x7;
	p5 =	slt.s32 s9, $0x1;
	s7 =	sshrl.u32 s7, $0x7;
	p1 =	por !p1, !p1  }
0x108: {  	v8 =	vbroadcast v8, $0xF;
	p3 =	sne.s32 s11, $0x0;
	s14 =	sshrl.u32 s12, $0x19;
	s12 =	simm.s32 $0x1  }
0x109: {  	s10 =	simm.s32 @!p1 $0x0;
	p6 =	por !p5, !p3;
	s11 =	sadd.s32 s14, s9  }
0x10a: {  	v11 =	vor.u32 v0, v8;
	p1 =	por !p6, !p6;
	s7 =	ssub.s32 s10, s7;
	s11 =	sshrl.u32 s11, $0x7  }
0x10b: {  	v14 =	vor.u32 v3, v8;
	s12 =	simm.s32 @!p1 $0x0;
	p1 =	sgt.s32 s6, $0xF41FF;
	s7 =	sshll.u32 s7, $0x7  }
0x10c: {  	v17 =	vor.u32 v5, v8;
	s10 =	ssub.s32 s12, s11;
	s7 =	simm.s32 @p1 $0xFFF0BE00  }
0x10d: {  	v8 =	vor.u32 v7, v8;
	p1 =	sgt.s32 s9, $0xF41FF;
	s10 =	sshll.u32 s10, $0x7;
	s6 =	sadd.s32 s6, s7  }
0x10e: {  	s10 =	simm.s32 @p1 $0xFFF0BE00;
	v57 =	vadd.s32 s6, v1  }
0x10f: {  	v11 =	vld.idx.msk [tilespmem:v11+s18+$0x0], $0xffff;
	v12 =	vadd.s32 s6, v2;
	s14 =	sadd.s32 s9, s10  }
0x110: {  	v14 =	vld.idx.msk [tilespmem:v14+s18+$0x0], $0xffff;
	v10 =	vadd.s32 s14, v1  }
0x111: {  	v17 =	vld.idx.msk [tilespmem:v17+s18+$0x0], $0xffff;
	v15 =	vadd.s32 s6, v4  }
0x112: {  	v8 =	vld.idx.msk [tilespmem:v8+s18+$0x0], $0xffff;
	v13 =	vadd.s32 s14, v2  }
0x113: {  	v18 =	vadd.s32 s6, v6;
	v9 =	vld.idx.msk [tilespmem:v57+s30+$0x0], $0xffff  }
0x114: {  	v16 =	vadd.s32 s14, v4;
	v12 =	vld.idx.msk [tilespmem:v12+s30+$0x0], $0xffff  }
0x115: {  	v10 =	vld.idx.msk [tilespmem:v10+s31+$0x0], $0xffff  }
0x116: {  	v19 =	vadd.s32 s14, v6;
	v15 =	vld.idx.msk [tilespmem:v15+s30+$0x0], $0xffff  }
0x117: {  	v13 =	vld.idx.msk [tilespmem:v13+s31+$0x0], $0xffff  }
0x118: {  	v58 =	vld.idx.msk [tilespmem:v18+s30+$0x0], $0xffff;
	v9 =	vmul.f32 v11, v9  }
0x119: {  	v16 =	vld.idx.msk [tilespmem:v16+s31+$0x0], $0xffff  }
0x11a: {  	v59 =	vmul.f32 v14, v12;
	v9 =	vmul.f32 v9, v10  }
0x11b: {  	v60 =	vld.idx.msk [tilespmem:v19+s31+$0x0], $0xffff  }
0x11c: {  	v61 =	vmul.f32 v17, v15;
	v10 =	vmul.f32 v59, v13;
	v9 =	vadd.f32 $0.0e+00, v9;
	_ =	sdelay $0x1  }
0x11d: {  	v8 =	vmul.f32 v8, v58;
	v62 =	vmul.f32 v61, v16;
	v9 =	vadd.f32 v10, v9;
	_ =	sdelay $0x1  }
0x11e: {  	v8 =	vmul.f32 v8, v60;
	v9 =	vadd.f32 v62, v9;
	_ =	sdelay $0x1  }
0x11f: {  	v8 =	vadd.f32 v8, v9;
	_ =	sdelay $0x1  }
0x120: {  	(xrf2) =	vadd.scan.msk.f32 $0xffff, v8;
	_ =	sdelay $0x7  }
0x121: {  	v8 =	vld [tilespmem:s2+$0x12280];
	_ =	sdelay $0x1  }
0x122: {  	v63, _, _ =	vpop (xrf2)  }
0x123: {  	v9 =	vbroadcast v63, $0xF;
	_ =	sdelay $0x1  }
0x124: {  	s6 =	sadd.s32 @!p0 $0x7, s17;
	v8 =	vsel vm4, v9, v8  }
0x125: {  	[tilespmem:s2+$0x12280] =	vst v8;
	s2 =	sand.u32 @!p0 $0xF0, s6  }
0x126: {  	v8 =	vld @!p0 [tilespmem:s2+$0x0];
	_ =	sdelay $0x1  }
0x127: {  	s6 =	sand.u32 @!p0 $0xF, s6  }
0x128: {  	v10 =	vlaneseq.u32 @!p0;
	v9 =	vmov @!p0 s6  }
0x129: {  	vm4 =	veq.s32 @!p0 v9, v10  }
0x12a: {  	v8 =	vnsel @!p0 vm4, $0x0, v8  }
0x12b: {  	(xrf0) =	vadd.scan.msk.s32 @!p0 $0xffff, v8;
	_ =	sdelay $0x5  }
0x12c: {  	v8, _, _ =	vpop @!p0 (xrf0)  }
0x12d: {  	(v2sf) =	vpush @!p0 v8, $0xF;
	_ =	sdelay $0x2  }
0x12e: {  	v8 =	vld @!p0 [tilespmem:s2+$0x100];
	_ =	sdelay $0x4  }
0x12f: {  	v8 =	vnsel @!p0 vm4, $0x0, v8  }
0x130: {  	(xrf0) =	vadd.scan.msk.s32 @!p0 $0xffff, v8;
	_ =	sdelay $0x5  }
0x131: {  	v8, _, _ =	vpop @!p0 (xrf0);
	s2 =	spop @!p0 (v2sf)  }
0x132: {  	(v2sf) =	vpush @!p0 v8, $0xF;
	p2 =	sgt.s32 @!p0 s2, $0xF41FF  }
0x133: {  	p1 =	por !p2, p0  }
0x134: {  	s6 =	simm.s32 @!p1 $0x0;
	s7 =	simm.s32 @!p1 $0x8180  }
0x135: {  	[tilespmem:s7], [sflag:$0x4] =	stream.linear.gather @!p1 [hbm4b:s5+s6], $0x2000, $0x38;
	[tilespmem:$0x12300] =	vst v63  }
0x136: {  	p1 =	por p2, p0  }
0x137: {  	s6 =	sand.u32 @!p1 $0x7F, s2  }
0x138: {  	p3 =	slt.s32 @!p1 s2, $0x1;
	p4 =	sne.s32 @!p1 s6, $0x0  }
0x139: {  	p3 =	por @!p1 !p3, !p4  }
0x13a: {  	s6 =	sshra.s32 @!p1 s2, $0x1F;
	p3 =	por @!p1 !p3, !p3  }
0x13b: {  	s6 =	sshrl.u32 @!p1 s6, $0x19;
	p2 =	por @!p0 !p3, p2  }
0x13c: {  	s2 =	sadd.s32 @!p1 s6, s2;
	s6 =	simm.s32 @!p1 $0x1;
	p2 =	por !p2, p0  }
0x13d: {  	s2 =	sshrl.u32 @!p1 s2, $0x7;
	s6 =	simm.s32 @!p2 $0x0  }
0x13e: {  	s2 =	ssub.s32 @!p1 s2, s6  }
0x13f: {  	s7 =	simm.s32 @!p1 $0x400;
	s2 =	sshll.u32 @!p1 s2, $0x7  }
0x140: {  	s9 =	simm.s32 @!p1 $0x7A1400;
	s2 =	sand.u32 @!p1 $0x1FFFFF80, s2  }
0x141: {  	s10 =	simm.s32 @!p1 $0x8180;
	s6 =	spop @!p0 (v2sf);
	s2 =	sadd.s32 @!p1 s1, s2  }
0x142: {  	[tilespmem:s10], [sflag:$0x4] =	stream.strided.gather @!p1 [hbm4b:s2+s7], $0x2000, s9, s7, $0x38;
	[tilespmem:$0x12300] =	vst v63  }
0x143: {  	p2 =	sgt.s32 @!p0 s6, $0xF41FF  }
0x144: {  	p1 =	por !p2, p0  }
0x145: {  	s2 =	simm.s32 @!p1 $0x0;
	s7 =	simm.s32 @!p1 $0x10180  }
0x146: {  	[tilespmem:s7], [sflag:$0x4] =	stream.linear.gather @!p1 [hbm4b:s5+s2], $0x2000, $0x38;
	[tilespmem:$0x12300] =	vst v63  }
0x147: {  	p1 =	por p2, p0  }
0x148: {  	s2 =	sand.u32 @!p1 $0x7F, s6  }
0x149: {  	p3 =	slt.s32 @!p1 s6, $0x1;
	p4 =	sne.s32 @!p1 s2, $0x0  }
0x14a: {  	p3 =	por @!p1 !p3, !p4  }
0x14b: {  	s2 =	sshra.s32 @!p1 s6, $0x1F;
	p3 =	por @!p1 !p3, !p3  }
0x14c: {  	s2 =	sshrl.u32 @!p1 s2, $0x19;
	p2 =	por @!p0 !p3, p2  }
0x14d: {  	s2 =	sadd.s32 @!p1 s2, s6;
	s6 =	simm.s32 @!p1 $0x1;
	p2 =	por !p2, p0  }
0x14e: {  	s2 =	sshrl.u32 @!p1 s2, $0x7;
	s6 =	simm.s32 @!p2 $0x0  }
0x14f: {  	s2 =	ssub.s32 @!p1 s2, s6  }
0x150: {  	s2 =	sshll.u32 @!p1 s2, $0x7  }
0x151: {  	s17 =	sadd.s32 @!p0 $0x4, s17;
	s7 =	simm.s32 @!p1 $0x7A1400;
	s2 =	sand.u32 @!p1 $0x1FFFFF80, s2  }
0x152: {  	s9 =	simm.s32 @!p1 $0x10180;
	s6 =	simm.s32 @!p1 $0x400;
	s2 =	sadd.s32 @!p1 s1, s2  }
0x153: {  	[tilespmem:s9], [sflag:$0x4] =	stream.strided.gather @!p1 [hbm4b:s2+s6], $0x2000, s7, s6, $0x38;
	[tilespmem:$0x12300] =	vst v63  }
0x154: {  	p1 =	sne.s32 @!p0 s17, $0x80  }
0x155: {  	p0 =	por p0, !p1  }
.Ltmp3:
0x156: {  	_ = 	snop;
	(pc) =	sbr.rel @p0 .LBB2_9-.Ltmp3, $1  }
0x157: {  	_ =	sdelay $0x3  }
.LBB2_2:
0x158: {  	_ =	swait.ge [sflag:s19], $0x2000  }
0x159: {  	[sflag:s19] =	ssyncset.done $0x0  }
0x15a: {  	[sflag:s19] =	ssyncadd.s32 $0xFFFFE000  }
0x15b: {  	_ =	swait.ge [sflag:s19], $0x2000  }
0x15c: {  	[sflag:s19] =	ssyncset.done $0x0  }
0x15d: {  	s2 =	sand.u32 $0x70, s17;
	[sflag:s19] =	ssyncadd.s32 $0xFFFFE000  }
0x15e: {  	v8 =	vld [tilespmem:s2+$0x0];
	_ =	sdelay $0x1  }
0x15f: {  	s6 =	sand.u32 $0xC, s17  }
0x160: {  	v9 =	vmov s6;
	v56 =	vld [tilespmem:s2+$0x100]  }
0x161: {  	vm4 =	veq.s32 v9, v0  }
0x162: {  	v8 =	vnsel vm4, $0x0, v8  }
0x163: {  	(xrf0) =	vadd.scan.msk.s32 $0xffff, v8;
	_ =	sdelay $0x1  }
0x164: {  	v8 =	vnsel vm4, $0x0, v56  }
0x165: {  	(xrf0) =	vadd.scan.msk.s32 $0xffff, v8;
	_ =	sdelay $0x2  }
0x166: {  	v8, _, _ =	vpop (xrf0)  }
0x167: {  	(v2sf) =	vpush v8, $0xF;
	_ =	sdelay $0x1  }
0x168: {  	v8, _, _ =	vpop (xrf0)  }
0x169: {  	(v2sf) =	vpush v8, $0xF;
	_ =	sdelay $0x3  }
0x16a: {  	v8 =	vld [tilespmem:s2+$0x80];
	_ =	sdelay $0x4  }
0x16b: {  	v8 =	vnsel vm4, $0x0, v8  }
0x16c: {  	(xrf0) =	vadd.scan.msk.s32 $0xffff, v8;
	_ =	sdelay $0x1  }
0x16d: {  	s6 =	spop (v2sf)  }
0x16e: {  	s9 =	simm.s32 $0x1;
	s7 =	sshra.s32 s6, $0x1F  }
0x16f: {  	s14 =	sand.u32 $0x7F, s6;
	p0 =	slt.s32 s6, $0x1;
	s7 =	sshrl.u32 s7, $0x19  }
0x170: {  	p1 =	sne.s32 s14, $0x0;
	s14 =	spop (v2sf);
	s7 =	sadd.s32 s7, s6  }
0x171: {  	v8, _, _ =	vpop (xrf0);
	p0 =	por !p0, !p1;
	s10 =	sand.u32 $0x7F, s14;
	s11 =	sshra.s32 s14, $0x1F  }
0x172: {  	v8 =	vshll.u32 v8, $0x7;
	p5 =	slt.s32 s14, $0x1;
	s7 =	sshrl.u32 s7, $0x7;
	p0 =	por !p0, !p0  }
0x173: {  	v8 =	vbroadcast v8, $0xF;
	p2 =	sne.s32 s10, $0x0;
	s11 =	sshrl.u32 s11, $0x19;
	s9 =	simm.s32 @!p0 $0x0  }
0x174: {  	p6 =	por !p5, !p2;
	s10 =	sadd.s32 s11, s14;
	s11 =	simm.s32 $0x1  }
0x175: {  	v11 =	vor.u32 v0, v8;
	p0 =	por !p6, !p6;
	s7 =	ssub.s32 s9, s7;
	s12 =	sshrl.u32 s10, $0x7  }
0x176: {  	v14 =	vor.u32 v3, v8;
	s11 =	simm.s32 @!p0 $0x0;
	p0 =	sgt.s32 s6, $0xF41FF;
	s7 =	sshll.u32 s7, $0x7  }
0x177: {  	v17 =	vor.u32 v5, v8;
	s9 =	ssub.s32 s11, s12;
	s7 =	simm.s32 @p0 $0xFFF0BE00  }
0x178: {  	v8 =	vor.u32 v7, v8;
	p0 =	sgt.s32 s14, $0xF41FF;
	s9 =	sshll.u32 s9, $0x7;
	s6 =	sadd.s32 s6, s7  }
0x179: {  	s9 =	simm.s32 @p0 $0xFFF0BE00;
	v57 =	vadd.s32 s6, v1  }
0x17a: {  	v11 =	vld.idx.msk [tilespmem:v11+s18+$0x0], $0xffff;
	v12 =	vadd.s32 s6, v2;
	s14 =	sadd.s32 s14, s9  }
0x17b: {  	v14 =	vld.idx.msk [tilespmem:v14+s18+$0x0], $0xffff;
	v10 =	vadd.s32 s14, v1  }
0x17c: {  	v17 =	vld.idx.msk [tilespmem:v17+s18+$0x0], $0xffff;
	v15 =	vadd.s32 s6, v4  }
0x17d: {  	v8 =	vld.idx.msk [tilespmem:v8+s18+$0x0], $0xffff;
	v13 =	vadd.s32 s14, v2  }
0x17e: {  	v18 =	vadd.s32 s6, v6;
	v9 =	vld.idx.msk [tilespmem:v57+s20+$0x0], $0xffff  }
0x17f: {  	v16 =	vadd.s32 s14, v4;
	v12 =	vld.idx.msk [tilespmem:v12+s20+$0x0], $0xffff  }
0x180: {  	v10 =	vld.idx.msk [tilespmem:v10+s21+$0x0], $0xffff  }
0x181: {  	v19 =	vadd.s32 s14, v6;
	v15 =	vld.idx.msk [tilespmem:v15+s20+$0x0], $0xffff  }
0x182: {  	v13 =	vld.idx.msk [tilespmem:v13+s21+$0x0], $0xffff  }
0x183: {  	v58 =	vld.idx.msk [tilespmem:v18+s20+$0x0], $0xffff;
	v9 =	vmul.f32 v11, v9  }
0x184: {  	v16 =	vld.idx.msk [tilespmem:v16+s21+$0x0], $0xffff  }
0x185: {  	v59 =	vmul.f32 v14, v12;
	v9 =	vmul.f32 v9, v10  }
0x186: {  	v60 =	vld.idx.msk [tilespmem:v19+s21+$0x0], $0xffff  }
0x187: {  	v61 =	vmul.f32 v17, v15;
	v10 =	vmul.f32 v59, v13;
	v9 =	vadd.f32 $0.0e+00, v9;
	_ =	sdelay $0x1  }
0x188: {  	v8 =	vmul.f32 v8, v58;
	v62 =	vmul.f32 v61, v16;
	v9 =	vadd.f32 v10, v9;
	_ =	sdelay $0x1  }
0x189: {  	v8 =	vmul.f32 v8, v60;
	v9 =	vadd.f32 v62, v9;
	_ =	sdelay $0x1  }
0x18a: {  	v8 =	vadd.f32 v8, v9;
	_ =	sdelay $0x1  }
0x18b: {  	(xrf2) =	vadd.scan.msk.f32 $0xffff, v8;
	_ =	sdelay $0x7  }
0x18c: {  	v8 =	vld [tilespmem:s2+$0x12280]  }
0x18d: {  	p0 =	seq.s32 s17, $0x7C  }
.Ltmp4:
0x18e: {  	v63, _, _ =	vpop (xrf2);
	(pc) =	sbr.rel @p0 .LBB2_4-.Ltmp4, $3  }
0x18f: {  	v9 =	vbroadcast v63, $0xF;
	_ =	sdelay $0x1  }
0x190: {  	v8 =	vsel vm4, v9, v8  }
0x191: {  	[tilespmem:s2+$0x12280] =	vst v8  }
0x192: {  	s6 =	sadd.s32 $0x4, s17  }
0x193: {  	s7 =	sand.u32 $0xF0, s6  }
0x194: {  	v8 =	vld [tilespmem:s7+$0x0];
	_ =	sdelay $0x1  }
0x195: {  	s6 =	sand.u32 $0xC, s6  }
0x196: {  	v9 =	vmov s6  }
0x197: {  	vm4 =	veq.s32 v9, v0  }
0x198: {  	v8 =	vnsel vm4, $0x0, v8  }
0x199: {  	(xrf0) =	vadd.scan.msk.s32 $0xffff, v8;
	_ =	sdelay $0x5  }
0x19a: {  	v8, _, _ =	vpop (xrf0)  }
0x19b: {  	v63 =	vld [tilespmem:s7+$0x100];
	(v2sf) =	vpush v8, $0xF;
	_ =	sdelay $0x4  }
0x19c: {  	v8 =	vnsel vm4, $0x0, v63  }
0x19d: {  	(xrf0) =	vadd.scan.msk.s32 $0xffff, v8;
	_ =	sdelay $0x5  }
0x19e: {  	v8, _, _ =	vpop (xrf0)  }
0x19f: {  	(v2sf) =	vpush v8, $0xF;
	_ =	sdelay $0x1  }
0x1a0: {  	s6 =	spop (v2sf)  }
0x1a1: {  	p1 =	sgt.s32 s6, $0xF41FF  }
0x1a2: {  	s7 =	simm.s32 @p1 $0x0;
	s9 =	simm.s32 @p1 $0x2180  }
0x1a3: {  	[tilespmem:s9], [sflag:$0x1] =	stream.linear.gather @p1 [hbm4b:s5+s7], $0x2000, $0x38;
	[tilespmem:$0x12300] =	vst v63  }
0x1a4: {  	s7 =	sand.u32 @!p1 $0x7F, s6  }
0x1a5: {  	p2 =	slt.s32 @!p1 s6, $0x1;
	p3 =	sne.s32 @!p1 s7, $0x0  }
0x1a6: {  	s7 =	sshra.s32 @!p1 s6, $0x1F;
	p2 =	por @!p1 !p2, !p3  }
0x1a7: {  	s7 =	sshrl.u32 @!p1 s7, $0x19;
	p2 =	por @!p1 !p2, !p2  }
0x1a8: {  	s6 =	sadd.s32 @!p1 s7, s6;
	s7 =	simm.s32 @!p1 $0x1;
	p2 =	por !p2, p1  }
0x1a9: {  	s6 =	sshrl.u32 @!p1 s6, $0x7;
	s7 =	simm.s32 @p2 $0x0  }
0x1aa: {  	s6 =	ssub.s32 @!p1 s6, s7  }
0x1ab: {  	s10 =	simm.s32 @!p1 $0x7A1400;
	s6 =	sshll.u32 @!p1 s6, $0x7  }
0x1ac: {  	s11 =	simm.s32 @!p1 $0x2180;
	s6 =	sand.u32 @!p1 $0x1FFFFF80, s6  }
0x1ad: {  	s9 =	simm.s32 @!p1 $0x400;
	s7 =	spop (v2sf);
	s6 =	sadd.s32 @!p1 s1, s6  }
0x1ae: {  	[tilespmem:s11], [sflag:$0x1] =	stream.strided.gather @!p1 [hbm4b:s6+s9], $0x2000, s10, s9, $0x38;
	[tilespmem:$0x12300] =	vst v63  }
0x1af: {  	p1 =	sgt.s32 s7, $0xF41FF  }
0x1b0: {  	s6 =	simm.s32 @p1 $0x0;
	s9 =	simm.s32 @p1 $0xA180  }
0x1b1: {  	[tilespmem:s9], [sflag:$0x1] =	stream.linear.gather @p1 [hbm4b:s5+s6], $0x2000, $0x38;
	[tilespmem:$0x12300] =	vst v63  }
0x1b2: {  	s6 =	sand.u32 @!p1 $0x7F, s7  }
0x1b3: {  	p2 =	slt.s32 @!p1 s7, $0x1;
	p3 =	sne.s32 @!p1 s6, $0x0  }
0x1b4: {  	s6 =	sshra.s32 @!p1 s7, $0x1F;
	p2 =	por @!p1 !p2, !p3  }
0x1b5: {  	s6 =	sshrl.u32 @!p1 s6, $0x19;
	p2 =	por @!p1 !p2, !p2  }
0x1b6: {  	s6 =	sadd.s32 @!p1 s6, s7;
	s7 =	simm.s32 @!p1 $0x1;
	p2 =	por !p2, p1  }
0x1b7: {  	s6 =	sshrl.u32 @!p1 s6, $0x7;
	s7 =	simm.s32 @p2 $0x0  }
0x1b8: {  	s6 =	ssub.s32 @!p1 s6, s7  }
0x1b9: {  	s6 =	sshll.u32 @!p1 s6, $0x7  }
0x1ba: {  	s10 =	simm.s32 @!p1 $0xA180;
	s6 =	sand.u32 @!p1 $0x1FFFFF80, s6  }
0x1bb: {  	s9 =	simm.s32 @!p1 $0x7A1400;
	s7 =	simm.s32 @!p1 $0x400;
	s6 =	sadd.s32 @!p1 s1, s6  }
0x1bc: {  	[tilespmem:s10], [sflag:$0x1] =	stream.strided.gather @!p1 [hbm4b:s6+s7], $0x2000, s9, s7, $0x38;
	[tilespmem:$0x12300] =	vst v63  }
.LBB2_4:
0x1bd: {  	_ =	swait.ge [sflag:s22], $0x2000  }
0x1be: {  	[sflag:s22] =	ssyncset.done $0x0  }
0x1bf: {  	[sflag:s22] =	ssyncadd.s32 $0xFFFFE000  }
0x1c0: {  	_ =	swait.ge [sflag:s22], $0x2000  }
0x1c1: {  	[sflag:s22] =	ssyncset.done $0x0  }
0x1c2: {  	s6 =	sand.u32 $0xFFFFFFF0, s17;
	[sflag:s22] =	ssyncadd.s32 $0xFFFFE000  }
0x1c3: {  	s6 =	ssub.s32 $0x0, s6;
	v8 =	vld [tilespmem:s2+$0x0]  }
0x1c4: {  	s14 =	sadd.s32 s6, s17  }
0x1c5: {  	s6 =	sadd.s32 $0x1, s14  }
0x1c6: {  	v9 =	vmov s6;
	v56 =	vld [tilespmem:s2+$0x100]  }
0x1c7: {  	vm4 =	veq.s32 v9, v0  }
0x1c8: {  	v8 =	vnsel vm4, $0x0, v8  }
0x1c9: {  	(xrf0) =	vadd.scan.msk.s32 $0xffff, v8;
	_ =	sdelay $0x1  }
0x1ca: {  	v8 =	vnsel vm4, $0x0, v56  }
0x1cb: {  	(xrf0) =	vadd.scan.msk.s32 $0xffff, v8;
	_ =	sdelay $0x2  }
0x1cc: {  	v8, _, _ =	vpop (xrf0)  }
0x1cd: {  	(v2sf) =	vpush v8, $0xF;
	_ =	sdelay $0x1  }
0x1ce: {  	v8, _, _ =	vpop (xrf0)  }
0x1cf: {  	(v2sf) =	vpush v8, $0xF;
	_ =	sdelay $0x3  }
0x1d0: {  	v8 =	vld [tilespmem:s2+$0x80];
	_ =	sdelay $0x4  }
0x1d1: {  	v8 =	vnsel vm4, $0x0, v8  }
0x1d2: {  	(xrf0) =	vadd.scan.msk.s32 $0xffff, v8;
	_ =	sdelay $0x1  }
0x1d3: {  	s6 =	spop (v2sf)  }
0x1d4: {  	s10 =	simm.s32 $0x1;
	s7 =	sshra.s32 s6, $0x1F  }
0x1d5: {  	s9 =	sand.u32 $0x7F, s6;
	p1 =	slt.s32 s6, $0x1;
	s7 =	sshrl.u32 s7, $0x19  }
0x1d6: {  	p2 =	sne.s32 s9, $0x0;
	s9 =	spop (v2sf);
	s7 =	sadd.s32 s7, s6  }
0x1d7: {  	v8, _, _ =	vpop (xrf0);
	p1 =	por !p1, !p2;
	s11 =	sand.u32 $0x7F, s9;
	s12 =	sshra.s32 s9, $0x1F  }
0x1d8: {  	v8 =	vshll.u32 v8, $0x7;
	p5 =	slt.s32 s9, $0x1;
	s7 =	sshrl.u32 s7, $0x7;
	p1 =	por !p1, !p1  }
0x1d9: {  	v8 =	vbroadcast v8, $0xF;
	p3 =	sne.s32 s11, $0x0;
	s12 =	sshrl.u32 s12, $0x19;
	s10 =	simm.s32 @!p1 $0x0  }
0x1da: {  	p6 =	por !p5, !p3;
	s11 =	sadd.s32 s12, s9;
	s12 =	simm.s32 $0x1  }
0x1db: {  	v11 =	vor.u32 v0, v8;
	p1 =	por !p6, !p6;
	s7 =	ssub.s32 s10, s7;
	s11 =	sshrl.u32 s11, $0x7  }
0x1dc: {  	v14 =	vor.u32 v3, v8;
	s12 =	simm.s32 @!p1 $0x0;
	p1 =	sgt.s32 s6, $0xF41FF;
	s7 =	sshll.u32 s7, $0x7  }
0x1dd: {  	v17 =	vor.u32 v5, v8;
	s10 =	ssub.s32 s12, s11;
	s7 =	simm.s32 @p1 $0xFFF0BE00  }
0x1de: {  	v8 =	vor.u32 v7, v8;
	p1 =	sgt.s32 s9, $0xF41FF;
	s10 =	sshll.u32 s10, $0x7;
	s6 =	sadd.s32 s6, s7  }
0x1df: {  	s10 =	simm.s32 @p1 $0xFFF0BE00;
	v57 =	vadd.s32 s6, v1  }
0x1e0: {  	v11 =	vld.idx.msk [tilespmem:v11+s18+$0x0], $0xffff;
	v12 =	vadd.s32 s6, v2;
	s12 =	sadd.s32 s9, s10  }
0x1e1: {  	v14 =	vld.idx.msk [tilespmem:v14+s18+$0x0], $0xffff;
	v10 =	vadd.s32 s12, v1  }
0x1e2: {  	v17 =	vld.idx.msk [tilespmem:v17+s18+$0x0], $0xffff;
	v15 =	vadd.s32 s6, v4  }
0x1e3: {  	v8 =	vld.idx.msk [tilespmem:v8+s18+$0x0], $0xffff;
	v13 =	vadd.s32 s12, v2  }
0x1e4: {  	v18 =	vadd.s32 s6, v6;
	v9 =	vld.idx.msk [tilespmem:v57+s23+$0x0], $0xffff  }
0x1e5: {  	v16 =	vadd.s32 s12, v4;
	v12 =	vld.idx.msk [tilespmem:v12+s23+$0x0], $0xffff  }
0x1e6: {  	v10 =	vld.idx.msk [tilespmem:v10+s24+$0x0], $0xffff  }
0x1e7: {  	v19 =	vadd.s32 s12, v6;
	v15 =	vld.idx.msk [tilespmem:v15+s23+$0x0], $0xffff  }
0x1e8: {  	v13 =	vld.idx.msk [tilespmem:v13+s24+$0x0], $0xffff  }
0x1e9: {  	v58 =	vld.idx.msk [tilespmem:v18+s23+$0x0], $0xffff;
	v9 =	vmul.f32 v11, v9  }
0x1ea: {  	v16 =	vld.idx.msk [tilespmem:v16+s24+$0x0], $0xffff  }
0x1eb: {  	v59 =	vmul.f32 v14, v12;
	v9 =	vmul.f32 v9, v10  }
0x1ec: {  	v60 =	vld.idx.msk [tilespmem:v19+s24+$0x0], $0xffff  }
0x1ed: {  	v61 =	vmul.f32 v17, v15;
	v10 =	vmul.f32 v59, v13;
	v9 =	vadd.f32 $0.0e+00, v9;
	_ =	sdelay $0x1  }
0x1ee: {  	v8 =	vmul.f32 v8, v58;
	v62 =	vmul.f32 v61, v16;
	v9 =	vadd.f32 v10, v9;
	_ =	sdelay $0x1  }
0x1ef: {  	v8 =	vmul.f32 v8, v60;
	v9 =	vadd.f32 v62, v9;
	_ =	sdelay $0x1  }
0x1f0: {  	v8 =	vadd.f32 v8, v9;
	_ =	sdelay $0x1  }
0x1f1: {  	(xrf2) =	vadd.scan.msk.f32 $0xffff, v8;
	_ =	sdelay $0x7  }
0x1f2: {  	v8 =	vld [tilespmem:s2+$0x12280];
	_ =	sdelay $0x1  }
.Ltmp5:
0x1f3: {  	v63, _, _ =	vpop (xrf2);
	(pc) =	sbr.rel @p0 .LBB2_6-.Ltmp5, $3  }
0x1f4: {  	v9 =	vbroadcast v63, $0xF;
	_ =	sdelay $0x1  }
0x1f5: {  	v8 =	vsel vm4, v9, v8  }
0x1f6: {  	[tilespmem:s2+$0x12280] =	vst v8  }
0x1f7: {  	s6 =	sadd.s32 $0x5, s17  }
0x1f8: {  	s7 =	sand.u32 $0xF0, s6  }
0x1f9: {  	v8 =	vld [tilespmem:s7+$0x0];
	_ =	sdelay $0x1  }
0x1fa: {  	s6 =	sand.u32 $0xD, s6  }
0x1fb: {  	v9 =	vmov s6  }
0x1fc: {  	vm4 =	veq.s32 v9, v0  }
0x1fd: {  	v8 =	vnsel vm4, $0x0, v8  }
0x1fe: {  	(xrf0) =	vadd.scan.msk.s32 $0xffff, v8;
	_ =	sdelay $0x5  }
0x1ff: {  	v8, _, _ =	vpop (xrf0)  }
0x200: {  	v63 =	vld [tilespmem:s7+$0x100];
	(v2sf) =	vpush v8, $0xF;
	_ =	sdelay $0x4  }
0x201: {  	v8 =	vnsel vm4, $0x0, v63  }
0x202: {  	(xrf0) =	vadd.scan.msk.s32 $0xffff, v8;
	_ =	sdelay $0x5  }
0x203: {  	v8, _, _ =	vpop (xrf0)  }
0x204: {  	(v2sf) =	vpush v8, $0xF;
	_ =	sdelay $0x1  }
0x205: {  	s6 =	spop (v2sf)  }
0x206: {  	p1 =	sgt.s32 s6, $0xF41FF  }
0x207: {  	s7 =	simm.s32 @p1 $0x0;
	s9 =	simm.s32 @p1 $0x4180  }
0x208: {  	[tilespmem:s9], [sflag:$0x2] =	stream.linear.gather @p1 [hbm4b:s5+s7], $0x2000, $0x38;
	[tilespmem:$0x12300] =	vst v63  }
0x209: {  	s7 =	sand.u32 @!p1 $0x7F, s6  }
0x20a: {  	p2 =	slt.s32 @!p1 s6, $0x1;
	p3 =	sne.s32 @!p1 s7, $0x0  }
0x20b: {  	s7 =	sshra.s32 @!p1 s6, $0x1F;
	p2 =	por @!p1 !p2, !p3  }
0x20c: {  	s7 =	sshrl.u32 @!p1 s7, $0x19;
	p2 =	por @!p1 !p2, !p2  }
0x20d: {  	s6 =	sadd.s32 @!p1 s7, s6;
	s7 =	simm.s32 @!p1 $0x1;
	p2 =	por !p2, p1  }
0x20e: {  	s6 =	sshrl.u32 @!p1 s6, $0x7;
	s7 =	simm.s32 @p2 $0x0  }
0x20f: {  	s6 =	ssub.s32 @!p1 s6, s7  }
0x210: {  	s10 =	simm.s32 @!p1 $0x7A1400;
	s6 =	sshll.u32 @!p1 s6, $0x7  }
0x211: {  	s11 =	simm.s32 @!p1 $0x4180;
	s6 =	sand.u32 @!p1 $0x1FFFFF80, s6  }
0x212: {  	s9 =	simm.s32 @!p1 $0x400;
	s7 =	spop (v2sf);
	s6 =	sadd.s32 @!p1 s1, s6  }
0x213: {  	[tilespmem:s11], [sflag:$0x2] =	stream.strided.gather @!p1 [hbm4b:s6+s9], $0x2000, s10, s9, $0x38;
	[tilespmem:$0x12300] =	vst v63  }
0x214: {  	p1 =	sgt.s32 s7, $0xF41FF  }
0x215: {  	s6 =	simm.s32 @p1 $0x0;
	s9 =	simm.s32 @p1 $0xC180  }
0x216: {  	[tilespmem:s9], [sflag:$0x2] =	stream.linear.gather @p1 [hbm4b:s5+s6], $0x2000, $0x38;
	[tilespmem:$0x12300] =	vst v63  }
0x217: {  	s6 =	sand.u32 @!p1 $0x7F, s7  }
0x218: {  	p2 =	slt.s32 @!p1 s7, $0x1;
	p3 =	sne.s32 @!p1 s6, $0x0  }
0x219: {  	s6 =	sshra.s32 @!p1 s7, $0x1F;
	p2 =	por @!p1 !p2, !p3  }
0x21a: {  	s6 =	sshrl.u32 @!p1 s6, $0x19;
	p2 =	por @!p1 !p2, !p2  }
0x21b: {  	s6 =	sadd.s32 @!p1 s6, s7;
	s7 =	simm.s32 @!p1 $0x1;
	p2 =	por !p2, p1  }
0x21c: {  	s6 =	sshrl.u32 @!p1 s6, $0x7;
	s7 =	simm.s32 @p2 $0x0  }
0x21d: {  	s6 =	ssub.s32 @!p1 s6, s7  }
0x21e: {  	s6 =	sshll.u32 @!p1 s6, $0x7  }
0x21f: {  	s10 =	simm.s32 @!p1 $0xC180;
	s6 =	sand.u32 @!p1 $0x1FFFFF80, s6  }
0x220: {  	s9 =	simm.s32 @!p1 $0x7A1400;
	s7 =	simm.s32 @!p1 $0x400;
	s6 =	sadd.s32 @!p1 s1, s6  }
0x221: {  	[tilespmem:s10], [sflag:$0x2] =	stream.strided.gather @!p1 [hbm4b:s6+s7], $0x2000, s9, s7, $0x38;
	[tilespmem:$0x12300] =	vst v63  }
.LBB2_6:
0x222: {  	_ =	swait.ge [sflag:s25], $0x2000  }
0x223: {  	[sflag:s25] =	ssyncset.done $0x0  }
0x224: {  	[sflag:s25] =	ssyncadd.s32 $0xFFFFE000  }
0x225: {  	_ =	swait.ge [sflag:s25], $0x2000  }
0x226: {  	[sflag:s25] =	ssyncset.done $0x0  }
0x227: {  	[sflag:s25] =	ssyncadd.s32 $0xFFFFE000  }
0x228: {  	v8 =	vld [tilespmem:s2+$0x0];
	_ =	sdelay $0x1  }
0x229: {  	s6 =	sadd.s32 $0x2, s14  }
0x22a: {  	v9 =	vmov s6;
	v56 =	vld [tilespmem:s2+$0x100]  }
0x22b: {  	vm4 =	veq.s32 v9, v0  }
0x22c: {  	v8 =	vnsel vm4, $0x0, v8  }
0x22d: {  	(xrf0) =	vadd.scan.msk.s32 $0xffff, v8;
	_ =	sdelay $0x1  }
0x22e: {  	v8 =	vnsel vm4, $0x0, v56  }
0x22f: {  	(xrf0) =	vadd.scan.msk.s32 $0xffff, v8;
	_ =	sdelay $0x2  }
0x230: {  	v8, _, _ =	vpop (xrf0)  }
0x231: {  	(v2sf) =	vpush v8, $0xF;
	_ =	sdelay $0x1  }
0x232: {  	v8, _, _ =	vpop (xrf0)  }
0x233: {  	(v2sf) =	vpush v8, $0xF;
	_ =	sdelay $0x3  }
0x234: {  	v8 =	vld [tilespmem:s2+$0x80];
	_ =	sdelay $0x4  }
0x235: {  	v8 =	vnsel vm4, $0x0, v8  }
0x236: {  	(xrf0) =	vadd.scan.msk.s32 $0xffff, v8;
	_ =	sdelay $0x1  }
0x237: {  	s6 =	spop (v2sf)  }
0x238: {  	s10 =	simm.s32 $0x1;
	s7 =	sshra.s32 s6, $0x1F  }
0x239: {  	s9 =	sand.u32 $0x7F, s6;
	p1 =	slt.s32 s6, $0x1;
	s7 =	sshrl.u32 s7, $0x19  }
0x23a: {  	p2 =	sne.s32 s9, $0x0;
	s9 =	spop (v2sf);
	s7 =	sadd.s32 s7, s6  }
0x23b: {  	v8, _, _ =	vpop (xrf0);
	p1 =	por !p1, !p2;
	s11 =	sand.u32 $0x7F, s9;
	s12 =	sshra.s32 s9, $0x1F  }
0x23c: {  	v8 =	vshll.u32 v8, $0x7;
	p5 =	slt.s32 s9, $0x1;
	s7 =	sshrl.u32 s7, $0x7;
	p1 =	por !p1, !p1  }
0x23d: {  	v8 =	vbroadcast v8, $0xF;
	p3 =	sne.s32 s11, $0x0;
	s12 =	sshrl.u32 s12, $0x19;
	s10 =	simm.s32 @!p1 $0x0  }
0x23e: {  	p6 =	por !p5, !p3;
	s11 =	sadd.s32 s12, s9;
	s12 =	simm.s32 $0x1  }
0x23f: {  	v11 =	vor.u32 v0, v8;
	p1 =	por !p6, !p6;
	s7 =	ssub.s32 s10, s7;
	s11 =	sshrl.u32 s11, $0x7  }
0x240: {  	v14 =	vor.u32 v3, v8;
	s12 =	simm.s32 @!p1 $0x0;
	p1 =	sgt.s32 s6, $0xF41FF;
	s7 =	sshll.u32 s7, $0x7  }
0x241: {  	v17 =	vor.u32 v5, v8;
	s10 =	ssub.s32 s12, s11;
	s7 =	simm.s32 @p1 $0xFFF0BE00  }
0x242: {  	v8 =	vor.u32 v7, v8;
	p1 =	sgt.s32 s9, $0xF41FF;
	s10 =	sshll.u32 s10, $0x7;
	s6 =	sadd.s32 s6, s7  }
0x243: {  	s10 =	simm.s32 @p1 $0xFFF0BE00;
	v57 =	vadd.s32 s6, v1  }
0x244: {  	v11 =	vld.idx.msk [tilespmem:v11+s18+$0x0], $0xffff;
	v12 =	vadd.s32 s6, v2;
	s12 =	sadd.s32 s9, s10  }
0x245: {  	v14 =	vld.idx.msk [tilespmem:v14+s18+$0x0], $0xffff;
	v10 =	vadd.s32 s12, v1  }
0x246: {  	v17 =	vld.idx.msk [tilespmem:v17+s18+$0x0], $0xffff;
	v15 =	vadd.s32 s6, v4  }
0x247: {  	v8 =	vld.idx.msk [tilespmem:v8+s18+$0x0], $0xffff;
	v13 =	vadd.s32 s12, v2  }
0x248: {  	v18 =	vadd.s32 s6, v6;
	v9 =	vld.idx.msk [tilespmem:v57+s26+$0x0], $0xffff  }
0x249: {  	v16 =	vadd.s32 s12, v4;
	v12 =	vld.idx.msk [tilespmem:v12+s26+$0x0], $0xffff  }
0x24a: {  	v10 =	vld.idx.msk [tilespmem:v10+s28+$0x0], $0xffff  }
0x24b: {  	v19 =	vadd.s32 s12, v6;
	v15 =	vld.idx.msk [tilespmem:v15+s26+$0x0], $0xffff  }
0x24c: {  	v13 =	vld.idx.msk [tilespmem:v13+s28+$0x0], $0xffff  }
0x24d: {  	v58 =	vld.idx.msk [tilespmem:v18+s26+$0x0], $0xffff;
	v9 =	vmul.f32 v11, v9  }
0x24e: {  	v16 =	vld.idx.msk [tilespmem:v16+s28+$0x0], $0xffff  }
0x24f: {  	v59 =	vmul.f32 v14, v12;
	v9 =	vmul.f32 v9, v10  }
0x250: {  	v60 =	vld.idx.msk [tilespmem:v19+s28+$0x0], $0xffff  }
0x251: {  	v61 =	vmul.f32 v17, v15;
	v10 =	vmul.f32 v59, v13;
	v9 =	vadd.f32 $0.0e+00, v9;
	_ =	sdelay $0x1  }
0x252: {  	v8 =	vmul.f32 v8, v58;
	v62 =	vmul.f32 v61, v16;
	v9 =	vadd.f32 v10, v9;
	_ =	sdelay $0x1  }
0x253: {  	v8 =	vmul.f32 v8, v60;
	v9 =	vadd.f32 v62, v9;
	_ =	sdelay $0x1  }
0x254: {  	v8 =	vadd.f32 v8, v9;
	_ =	sdelay $0x1  }
0x255: {  	(xrf2) =	vadd.scan.msk.f32 $0xffff, v8;
	_ =	sdelay $0x7  }
0x256: {  	v8 =	vld [tilespmem:s2+$0x12280];
	_ =	sdelay $0x1  }
.Ltmp6:
0x257: {  	v63, _, _ =	vpop (xrf2);
	(pc) =	sbr.rel @p0 .LBB2_8-.Ltmp6, $3  }
0x258: {  	v9 =	vbroadcast v63, $0xF;
	_ =	sdelay $0x1  }
0x259: {  	v8 =	vsel vm4, v9, v8  }
0x25a: {  	[tilespmem:s2+$0x12280] =	vst v8  }
0x25b: {  	s6 =	sadd.s32 $0x6, s17  }
0x25c: {  	s7 =	sand.u32 $0xF0, s6  }
0x25d: {  	v8 =	vld [tilespmem:s7+$0x0];
	_ =	sdelay $0x1  }
0x25e: {  	s6 =	sand.u32 $0xE, s6  }
0x25f: {  	v9 =	vmov s6  }
0x260: {  	vm4 =	veq.s32 v9, v0  }
0x261: {  	v8 =	vnsel vm4, $0x0, v8  }
0x262: {  	(xrf0) =	vadd.scan.msk.s32 $0xffff, v8;
	_ =	sdelay $0x5  }
0x263: {  	v8, _, _ =	vpop (xrf0)  }
0x264: {  	v63 =	vld [tilespmem:s7+$0x100];
	(v2sf) =	vpush v8, $0xF;
	_ =	sdelay $0x4  }
0x265: {  	v8 =	vnsel vm4, $0x0, v63  }
0x266: {  	(xrf0) =	vadd.scan.msk.s32 $0xffff, v8;
	_ =	sdelay $0x5  }
0x267: {  	v8, _, _ =	vpop (xrf0)  }
0x268: {  	(v2sf) =	vpush v8, $0xF;
	_ =	sdelay $0x1  }
0x269: {  	s6 =	spop (v2sf)  }
0x26a: {  	p1 =	sgt.s32 s6, $0xF41FF  }
0x26b: {  	s7 =	simm.s32 @p1 $0x0;
	s9 =	simm.s32 @p1 $0x6180  }
0x26c: {  	[tilespmem:s9], [sflag:$0x3] =	stream.linear.gather @p1 [hbm4b:s5+s7], $0x2000, $0x38;
	[tilespmem:$0x12300] =	vst v63  }
0x26d: {  	s7 =	sand.u32 @!p1 $0x7F, s6  }
0x26e: {  	p2 =	slt.s32 @!p1 s6, $0x1;
	p3 =	sne.s32 @!p1 s7, $0x0  }
0x26f: {  	s7 =	sshra.s32 @!p1 s6, $0x1F;
	p2 =	por @!p1 !p2, !p3  }
0x270: {  	s7 =	sshrl.u32 @!p1 s7, $0x19;
	p2 =	por @!p1 !p2, !p2  }
0x271: {  	s6 =	sadd.s32 @!p1 s7, s6;
	s7 =	simm.s32 @!p1 $0x1;
	p2 =	por !p2, p1  }
0x272: {  	s6 =	sshrl.u32 @!p1 s6, $0x7;
	s7 =	simm.s32 @p2 $0x0  }
0x273: {  	s6 =	ssub.s32 @!p1 s6, s7  }
0x274: {  	s10 =	simm.s32 @!p1 $0x7A1400;
	s6 =	sshll.u32 @!p1 s6, $0x7  }
0x275: {  	s11 =	simm.s32 @!p1 $0x6180;
	s6 =	sand.u32 @!p1 $0x1FFFFF80, s6  }
0x276: {  	s9 =	simm.s32 @!p1 $0x400;
	s7 =	spop (v2sf);
	s6 =	sadd.s32 @!p1 s1, s6  }
0x277: {  	[tilespmem:s11], [sflag:$0x3] =	stream.strided.gather @!p1 [hbm4b:s6+s9], $0x2000, s10, s9, $0x38;
	[tilespmem:$0x12300] =	vst v63  }
0x278: {  	p1 =	sgt.s32 s7, $0xF41FF  }
0x279: {  	s6 =	simm.s32 @p1 $0x0;
	s9 =	simm.s32 @p1 $0xE180  }
0x27a: {  	[tilespmem:s9], [sflag:$0x3] =	stream.linear.gather @p1 [hbm4b:s5+s6], $0x2000, $0x38;
	[tilespmem:$0x12300] =	vst v63  }
0x27b: {  	s6 =	sand.u32 @!p1 $0x7F, s7  }
0x27c: {  	p2 =	slt.s32 @!p1 s7, $0x1;
	p3 =	sne.s32 @!p1 s6, $0x0  }
0x27d: {  	s6 =	sshra.s32 @!p1 s7, $0x1F;
	p2 =	por @!p1 !p2, !p3  }
0x27e: {  	s6 =	sshrl.u32 @!p1 s6, $0x19;
	p2 =	por @!p1 !p2, !p2  }
0x27f: {  	s6 =	sadd.s32 @!p1 s6, s7;
	s7 =	simm.s32 @!p1 $0x1;
	p2 =	por !p2, p1  }
0x280: {  	s6 =	sshrl.u32 @!p1 s6, $0x7;
	s7 =	simm.s32 @p2 $0x0  }
.Ltmp7:
0x281: {  	s6 =	ssub.s32 @!p1 s6, s7;
	(pc) =	sbr.rel .LBB2_8-.Ltmp7, $4  }
0x282: {  	s6 =	sshll.u32 @!p1 s6, $0x7  }
0x283: {  	s10 =	simm.s32 @!p1 $0xE180;
	s6 =	sand.u32 @!p1 $0x1FFFFF80, s6  }
0x284: {  	s9 =	simm.s32 @!p1 $0x7A1400;
	s7 =	simm.s32 @!p1 $0x400;
	s6 =	sadd.s32 @!p1 s1, s6  }
0x285: {  	[tilespmem:s10], [sflag:$0x3] =	stream.strided.gather @!p1 [hbm4b:s6+s7], $0x2000, s9, s7, $0x38;
	[tilespmem:$0x12300] =	vst v63  }
.LBB2_10:
0x286: {  	_ =	sfence.sel $0x180000  }
0x287: {  	[bflag:$0x0] =	sbarrier.arrive $0xFFFF  }
0x288: {  	_ =	strace $0x90000047  }
0x289: {  	s0 =	stileid.u32;
	[bflag:$0x2] =	sbarrier.arrive $0xFFFF  }
0x28a: {  	p0 =	sne.s32 s0, $0x0;
	s0 =	rddreg [dreg:$0x4]  }
0x28b: {  	s0 =	sadd.s32 @!p0 $0x100000, s0  }
0x28c: {  	[sflag:s0] =	ssyncadd.tile.s32 @!p0 $0x1;
	_ =	shalt  }
.Lfunc_end2:
_tile_overlayer_lowered:
.L_overlay_start_2:
0x28d: {  	(tag) =	ssettag $0x2  }
0x28e: {  	s0 =	rddreg [dreg:$0x0];
	s2 =	stileid.u32  }
0x28f: {  	s1 =	rddreg [dreg:$0x1];
	p0 =	sne.s32 s2, $0x0  }
0x290: {  	s3 =	rddreg [dreg:$0x2];
	[bflag:$0x3] =	sbarrier.arrive $0xFFFF;
	s2 =	simm.s32 @!p0 $0x1C07  }
0x291: {  	[timem:s3], [sflag:s2] =	dma.local @!p0 [hbm:s0], s1  }
0x292: {  	s0 =	simm.s32 @!p0 $0x7  }
0x293: {  	_ =	swait.ge @!p0 [sflag:s0], s1  }
0x294: {  	s1 =	ssub.s32 @!p0 $0x0, s1;
	[sflag:s0] =	ssyncset.done @!p0 $0x0  }
0x295: {  	[sflag:s0] =	ssyncadd.s32 @!p0 s1  }
0x296: {  	[bflag:$0x3] =	sbarrier.arrive $0xFFFF  }
0x297: {  	_ =	shalt  }

</sc_bundles>
